<compile_context>
chip_gen: v7x
topology: tpu7x:2x2x1
jax: 0.10.2.dev20260603
libtpu: 0.0.44.dev20260713+nightly
codegen_flags: <defaults>
</compile_context>

<pallas_src>
import functools

import jax
import jax.numpy as jnp
from jax import lax
from jax.experimental import pallas as pl
from jax.experimental.pallas import tpu as pltpu
from jax.experimental.pallas import tpu_sc as plsc

N = 10000
NPAD = 10240
E = 320000
NT = 16
EPT = E // NT
STR = NPAD // NT
NOUT = 1000
OPAD = 1024
ORT = OPAD // NT


def _bf16r(x):
    i = plsc.bitcast(x, jnp.int32)
    r = i + jnp.int32(0x7FFF) + (lax.shift_right_logical(i, 16) & jnp.int32(1))
    return plsc.bitcast(r & jnp.int32(-65536), jnp.float32)


def _rsqrt16(x):
    i = plsc.bitcast(x, jnp.int32)
    i = jnp.int32(0x5F3759DF) - lax.shift_right_logical(i, 1)
    y = plsc.bitcast(i, jnp.float32)
    for _ in range(3):
        y = y * (jnp.float32(1.5) - jnp.float32(0.5) * x * y * y)
    return y


def _sc_body(ei_hbm, w1_hbm, w2_hbm, wout_hbm, out_hbm,
             src_v, dst_v, hist, dinv_v, p_v,
             w1v, w2v, woutv, u_ref, u16_ref, u2d, w2d, w_ref, c_ref,
             stripes16, dinv_s, p_s, t_s, outbuf,
             sem_src, sem_dst,
             part_sh, res_sh):
    cid = lax.axis_index("c")
    tid = lax.axis_index("s")
    ebase = tid * EPT
    soff = tid * STR
    _I16 = jnp.arange(16, dtype=jnp.int32)
    _Z16F = jnp.zeros((16,), jnp.float32)
    _O16F = jnp.ones((16,), jnp.float32)

    dst_cp = pltpu.async_copy(ei_hbm.at[1, pl.ds(ebase, EPT)], dst_v, sem_dst)
    src_cp = pltpu.async_copy(ei_hbm.at[0, pl.ds(ebase, EPT)], src_v, sem_src)

    pltpu.sync_copy(w1_hbm.at[pl.ds(tid * 8, 8), :], w1v)
    for cb in range(16):
        sl = pl.ds(cb * 16, 16)

        def w1body(r, acc, sl=sl):
            return acc + _bf16r(w1v[r, sl])

        u_ref[sl] = lax.fori_loop(0, 8, w1body, _Z16F)
    pltpu.sync_copy(u_ref, part_sh.at[tid, pl.ds(0, 256)])
    plsc.subcore_barrier()
    pltpu.sync_copy(part_sh.at[:, pl.ds(16 * tid, 16)], u2d)
    uv16 = u2d[0, :]
    for s in range(1, NT):
        uv16 = uv16 + u2d[s, :]
    u16_ref[...] = jnp.maximum(uv16, 0.0)

    pltpu.sync_copy(w2_hbm.at[pl.ds(16 * tid, 16), :], w2v)

    def w2body(ci, accs):
        uv = plsc.load_gather(u16_ref, [jnp.broadcast_to(ci, (16,))])
        return tuple(accs[k] + uv * _bf16r(w2v[ci, pl.ds(16 * k, 16)])
                     for k in range(4))

    accs = lax.fori_loop(0, 16, w2body, (_Z16F,) * 4)
    for k in range(4):
        w_ref[pl.ds(16 * k, 16)] = accs[k]
    pltpu.sync_copy(w_ref, part_sh.at[tid, pl.ds(256, 64)])
    plsc.subcore_barrier()
    pltpu.sync_copy(part_sh.at[:, pl.ds(256, 64)], w2d)
    for k in range(4):
        sl = pl.ds(16 * k, 16)
        wk = w2d[0, sl]
        for s in range(1, NT):
            wk = wk + w2d[s, sl]
        w_ref[sl] = jnp.maximum(wk, 0.0)

    pltpu.sync_copy(wout_hbm, woutv)

    def cbody(k, acc):
        rv = plsc.load_gather(w_ref, [jnp.broadcast_to(k, (16,))])
        widx = jnp.minimum(_I16 * 64 + k, jnp.int32(639))
        wv = plsc.load_gather(woutv, [widx, jnp.zeros((16,), jnp.int32)])
        return acc + rv * _bf16r(wv)

    c_ref[...] = lax.fori_loop(0, 64, cbody, _Z16F)

    def zero_hist():
        @plsc.parallel_loop(0, NPAD, 16, unroll=8)
        def _(i):
            hist[pl.ds(i, 16)] = _Z16F

    def combine(post):
        pltpu.sync_copy(hist, part_sh.at[tid])
        plsc.subcore_barrier()
        pltpu.sync_copy(part_sh.at[:, pl.ds(soff, STR)], stripes16)

        @plsc.parallel_loop(0, STR, 16, unroll=2)
        def _(i):
            sl = pl.ds(i, 16)
            v = stripes16[0, sl]
            for s in range(1, NT):
                v = v + stripes16[s, sl]
            post(sl, v)

    def publish(stripe_ref, full_ref):
        pltpu.sync_copy(stripe_ref, res_sh.at[pl.ds(soff, STR)])
        plsc.subcore_barrier()
        pltpu.sync_copy(res_sh, full_ref)

    def edge_pass(gather_ref):
        @plsc.parallel_loop(0, EPT, 16, unroll=8)
        def _(e):
            sl = pl.ds(e, 16)
            if gather_ref is None:
                vals = _O16F
            else:
                vals = plsc.load_gather(gather_ref, [src_v[sl]])
            plsc.addupdate_scatter(hist, [dst_v[sl]], vals)

    zero_hist()
    dst_cp.wait()
    edge_pass(None)

    def post1(sl, v):
        dinv_s[sl] = _rsqrt16(v + 1.0)

    combine(post1)
    publish(dinv_s, dinv_v)

    zero_hist()
    src_cp.wait()
    edge_pass(dinv_v)

    def post2(sl, v):
        dv = dinv_s[sl]
        p_s[sl] = dv * (v + dv) * dv

    combine(post2)
    publish(p_s, p_v)

    zero_hist()
    edge_pass(p_v)

    def post3(sl, v):
        t_s[sl] = dinv_s[sl] * (p_s[sl] + v)

    combine(post3)

    r0 = tid * ORT

    def obody(ib, carry):
        def jkbody(jk, acc):
            j = lax.shift_right_logical(jk, 6)
            k = jk & jnp.int32(63)
            tv = plsc.load_gather(t_s, [160 * ib + _I16 * 10 + j])
            rv = plsc.load_gather(w_ref, [jnp.broadcast_to(k, (16,))])
            wo = plsc.load_gather(
                woutv, [jnp.broadcast_to(jk, (16,)), jnp.zeros((16,), jnp.int32)])
            return acc + _bf16r(tv * rv) * _bf16r(wo)

        acc = lax.fori_loop(0, 640, jkbody, _Z16F)
        outbuf[pl.ds(ib * 16, 16)] = acc
        return carry

    lax.fori_loop(0, 4, obody, 0)

    @pl.when(jnp.logical_and(cid == 0, tid < NT - 1))
    def _():
        pltpu.sync_copy(outbuf, out_hbm.at[pl.ds(r0, ORT)])

    @pl.when(jnp.logical_and(cid == 0, tid == NT - 1))
    def _():
        pltpu.sync_copy(outbuf.at[pl.ds(0, NOUT - ORT * (NT - 1))],
                        out_hbm.at[pl.ds(ORT * (NT - 1), NOUT - ORT * (NT - 1))])


@functools.partial(jax.jit, static_argnames=())
def _run_sc(ei, W1, W2, Wout):
    mesh = plsc.VectorSubcoreMesh(
        core_axis_name="c", subcore_axis_name="s", num_cores=1
    )
    f = pl.kernel(
        _sc_body,
        out_type=jax.ShapeDtypeStruct((NOUT,), jnp.float32),
        mesh=mesh,
        compiler_params=pltpu.CompilerParams(
            needs_layout_passes=False, use_tc_tiling_on_sc=False
        ),
        scratch_types=[
            pltpu.VMEM((EPT,), jnp.int32),
            pltpu.VMEM((EPT,), jnp.int32),
            pltpu.VMEM((NPAD,), jnp.float32),
            pltpu.VMEM((NPAD,), jnp.float32),
            pltpu.VMEM((NPAD,), jnp.float32),
            pltpu.VMEM((8, 256), jnp.float32),
            pltpu.VMEM((16, 64), jnp.float32),
            pltpu.VMEM((640, 1), jnp.float32),
            pltpu.VMEM((256,), jnp.float32),
            pltpu.VMEM((16,), jnp.float32),
            pltpu.VMEM((NT, 16), jnp.float32),
            pltpu.VMEM((NT, 64), jnp.float32),
            pltpu.VMEM((64,), jnp.float32),
            pltpu.VMEM((16,), jnp.float32),
            pltpu.VMEM((NT, STR), jnp.float32),
            pltpu.VMEM((STR,), jnp.float32),
            pltpu.VMEM((STR,), jnp.float32),
            pltpu.VMEM((STR,), jnp.float32),
            pltpu.VMEM((ORT,), jnp.float32),
            pltpu.SemaphoreType.DMA,
            pltpu.SemaphoreType.DMA,
            pltpu.VMEM_SHARED((NT, NPAD), jnp.float32),
            pltpu.VMEM_SHARED((NPAD,), jnp.float32),
        ],
    )
    return f(ei, W1, W2, Wout)


def kernel(x, ei, W1, b1, W2, b2, Wout, bout):
    return _run_sc(ei, W1, W2, Wout).reshape(NOUT, 1) + bout

# --- scband reference (transcript-rebuilt; emitter-appended) ---
"""Pipeline reference for scband-critic-network-30812095382099 (READ-ONLY COPY).

The authoritative reference and input builder live on the scoring server;
editing this copy changes nothing except your own understanding.
"""

import jax, jax.numpy as jnp
import numpy as np

N_NODES = 10000
NUM_NODES = 10
IN_DIM = 128
H1 = 256
H2 = 64
N_EDGES = 320000


def gcn_conv(x, ei, W, b):
    # PyG GCNConv with add_self_loops=True and symmetric normalization
    n = x.shape[0]
    loop = jnp.arange(n, dtype=ei.dtype)
    src = jnp.concatenate([ei[0], loop])
    dst = jnp.concatenate([ei[1], loop])
    deg = jnp.zeros((n,), dtype=x.dtype).at[dst].add(1.0)
    dinv = jnp.where(deg > 0, 1.0 / jnp.sqrt(deg), 0.0)
    norm = dinv[src] * dinv[dst]
    h = x @ W
    msg = h[src] * norm[:, None]
    out = jnp.zeros((n, W.shape[1]), dtype=x.dtype).at[dst].add(msg)
    return out + b


def setup_inputs(seed: int = 0) -> dict:
    key = jax.random.key(seed)
    ks = jax.random.split(key, 8)
    x = jnp.ones((N_NODES, IN_DIM), dtype=jnp.float32)
    ei = jax.random.randint(ks[0], (2, N_EDGES), 0, N_NODES, dtype=jnp.int32)
    W1 = jax.random.normal(ks[1], (IN_DIM, H1), dtype=jnp.float32) / np.sqrt(IN_DIM)
    b1 = jnp.zeros((H1,), dtype=jnp.float32)
    W2 = jax.random.normal(ks[2], (H1, H2), dtype=jnp.float32) / np.sqrt(H1)
    b2 = jnp.zeros((H2,), dtype=jnp.float32)
    Wout = jax.random.normal(ks[3], (H2 * NUM_NODES, 1), dtype=jnp.float32) / np.sqrt(H2 * NUM_NODES)
    bout = jnp.zeros((1,), dtype=jnp.float32)
    return {"x": x, "ei": ei, "W1": W1, "b1": b1, "W2": W2, "b2": b2, "Wout": Wout, "bout": bout}


def reference(x, ei, W1, b1, W2, b2, Wout, bout):
    host_idx = jnp.nonzero(x[:, 0] == 1.0, size=x.shape[0], fill_value=0)[0]
    h = jax.nn.relu(gcn_conv(x, ei, W1, b1))
    h = jax.nn.relu(gcn_conv(h, ei, W2, b2))
    host_z = h[host_idx]
    nbatches = host_z.shape[0] // NUM_NODES
    flat = host_z.reshape(nbatches, NUM_NODES * host_z.shape[1])
    return flat @ Wout + bout

if __name__ == "__main__":
    import jax
    _d = setup_inputs()
    print(jax.jit(kernel)(*tuple(_d.values())))

</pallas_src>

<mosaic_0001>
#map = affine_map<(d0, d1) -> (0, 0)>
#map1 = affine_map<(d0, d1) -> (0)>
module attributes {stable_mosaic.version = 14 : i64} {
  func.func @_sc_body(%arg0: i32, %arg1: i32, %arg2: memref<2x320000xi32, #tpu.memory_space<hbm>>, %arg3: memref<128x256xf32, #tpu.memory_space<hbm>>, %arg4: memref<256x64xf32, #tpu.memory_space<hbm>>, %arg5: memref<640x1xf32, #tpu.memory_space<hbm>>, %arg6: memref<1000xf32, #tpu.memory_space<hbm>>, %arg7: memref<20000xi32, #tpu.memory_space<vmem>>, %arg8: memref<20000xi32, #tpu.memory_space<vmem>>, %arg9: memref<10240xf32, #tpu.memory_space<vmem>>, %arg10: memref<10240xf32, #tpu.memory_space<vmem>>, %arg11: memref<10240xf32, #tpu.memory_space<vmem>>, %arg12: memref<8x256xf32, #tpu.memory_space<vmem>>, %arg13: memref<16x64xf32, #tpu.memory_space<vmem>>, %arg14: memref<640x1xf32, #tpu.memory_space<vmem>>, %arg15: memref<256xf32, #tpu.memory_space<vmem>>, %arg16: memref<16xf32, #tpu.memory_space<vmem>>, %arg17: memref<16x16xf32, #tpu.memory_space<vmem>>, %arg18: memref<16x64xf32, #tpu.memory_space<vmem>>, %arg19: memref<64xf32, #tpu.memory_space<vmem>>, %arg20: memref<16xf32, #tpu.memory_space<vmem>>, %arg21: memref<16x640xf32, #tpu.memory_space<vmem>>, %arg22: memref<640xf32, #tpu.memory_space<vmem>>, %arg23: memref<640xf32, #tpu.memory_space<vmem>>, %arg24: memref<640xf32, #tpu.memory_space<vmem>>, %arg25: memref<64xf32, #tpu.memory_space<vmem>>, %arg26: memref<!tpu.dma_semaphore, #tpu.memory_space<semaphore_mem>>, %arg27: memref<!tpu.dma_semaphore, #tpu.memory_space<semaphore_mem>>, %arg28: memref<16x10240xf32, #tpu.memory_space<vmem_shared>>, %arg29: memref<10240xf32, #tpu.memory_space<vmem_shared>>) attributes {dimension_semantics = [#tpu.dimension_semantics<core_parallel>, #tpu.dimension_semantics<subcore_parallel>], iteration_bounds = array<i64: 1, 16>, scalar_prefetch = 0 : i64, scratch_operands = 23 : i64, tpu.core_type = #tpu.core_type<sc_vector_subcore>, window_params = [{transform_indices = #map}, {transform_indices = #map}, {transform_indices = #map}, {transform_indices = #map}, {transform_indices = #map1}]} {
    %mul3A = arith.constant 20000 : i32
    %mul3A_0 = arith.muli %arg1, %mul3A : i32
    %mul3A_1 = arith.constant 640 : i32
    %mul3A_2 = arith.muli %arg1, %mul3A_1 : i32
    %iota3A = tpu.iota {dimensions = array<i32: 0>} : vector<16xi32>
    %broadcast_in_dim3A = arith.constant 0.000000e+00 : f32
    %broadcast_in_dim3A_3 = vector.broadcast %broadcast_in_dim3A : f32 to vector<16xf32>
    %broadcast_in_dim3A_4 = arith.constant 1.000000e+00 : f32
    %broadcast_in_dim3A_5 = vector.broadcast %broadcast_in_dim3A_4 : f32 to vector<16xf32>
    %dma_start3A = arith.constant 1 : i32
    %dma_start3A_6 = tpu.memref_slice %arg2[%dma_start3A, %mul3A_0] : memref<2x320000xi32, #tpu.memory_space<hbm>> -> memref<1x20000xi32, #tpu.memory_space<hbm>>
    %dma_start3A_7 = tpu.memref_squeeze %dma_start3A_6 : memref<1x20000xi32, #tpu.memory_space<hbm>> -> memref<20000xi32, #tpu.memory_space<hbm>>
    %dma_start3A_8 = tpu.memref_slice %arg2[%dma_start3A, %mul3A_0] : memref<2x320000xi32, #tpu.memory_space<hbm>> -> memref<1x20000xi32, #tpu.memory_space<hbm>>
    %dma_start3A_9 = tpu.memref_squeeze %dma_start3A_8 : memref<1x20000xi32, #tpu.memory_space<hbm>> -> memref<20000xi32, #tpu.memory_space<hbm>>
    tpu.enqueue_dma source(%dma_start3A_9 : memref<20000xi32, #tpu.memory_space<hbm>>) target(%arg8 : memref<20000xi32, #tpu.memory_space<vmem>>) target_semaphore(%arg27 : memref<!tpu.dma_semaphore, #tpu.memory_space<semaphore_mem>>)
    %dma_start3A_10 = arith.constant 0 : i32
    %dma_start3A_11 = tpu.memref_slice %arg2[%dma_start3A_10, %mul3A_0] : memref<2x320000xi32, #tpu.memory_space<hbm>> -> memref<1x20000xi32, #tpu.memory_space<hbm>>
    %dma_start3A_12 = tpu.memref_squeeze %dma_start3A_11 : memref<1x20000xi32, #tpu.memory_space<hbm>> -> memref<20000xi32, #tpu.memory_space<hbm>>
    %dma_start3A_13 = tpu.memref_slice %arg2[%dma_start3A_10, %mul3A_0] : memref<2x320000xi32, #tpu.memory_space<hbm>> -> memref<1x20000xi32, #tpu.memory_space<hbm>>
    %dma_start3A_14 = tpu.memref_squeeze %dma_start3A_13 : memref<1x20000xi32, #tpu.memory_space<hbm>> -> memref<20000xi32, #tpu.memory_space<hbm>>
    tpu.enqueue_dma source(%dma_start3A_14 : memref<20000xi32, #tpu.memory_space<hbm>>) target(%arg7 : memref<20000xi32, #tpu.memory_space<vmem>>) target_semaphore(%arg26 : memref<!tpu.dma_semaphore, #tpu.memory_space<semaphore_mem>>)
    %mul3A_15 = arith.constant 8 : i32
    %mul3A_16 = arith.muli %arg1, %mul3A_15 : i32
    "tpu.region"() ({
      %run_scoped3A = tpu.sem_alloc : memref<!tpu.dma_semaphore, #tpu.memory_space<semaphore_mem>>
      %dma_start3A_646 = arith.constant 0 : i32
      %dma_start3A_647 = tpu.memref_slice %arg3[%mul3A_16, %dma_start3A_646] : memref<128x256xf32, #tpu.memory_space<hbm>> -> memref<8x256xf32, #tpu.memory_space<hbm>>
      %dma_start3A_648 = arith.constant 0 : i32
      %dma_start3A_649 = tpu.memref_slice %arg3[%mul3A_16, %dma_start3A_648] : memref<128x256xf32, #tpu.memory_space<hbm>> -> memref<8x256xf32, #tpu.memory_space<hbm>>
      tpu.enqueue_dma source(%dma_start3A_649 : memref<8x256xf32, #tpu.memory_space<hbm>>) target(%arg12 : memref<8x256xf32, #tpu.memory_space<vmem>>) target_semaphore(%run_scoped3A : memref<!tpu.dma_semaphore, #tpu.memory_space<semaphore_mem>>)
      %dma_wait3A_650 = arith.constant 0 : i32
      %dma_wait3A_651 = tpu.memref_slice %arg3[%mul3A_16, %dma_wait3A_650] : memref<128x256xf32, #tpu.memory_space<hbm>> -> memref<8x256xf32, #tpu.memory_space<hbm>>
      %dma_wait3A_652 = arith.constant 0 : i32
      %dma_wait3A_653 = tpu.memref_slice %arg3[%mul3A_16, %dma_wait3A_652] : memref<128x256xf32, #tpu.memory_space<hbm>> -> memref<8x256xf32, #tpu.memory_space<hbm>>
      tpu.wait_dma2 semaphore(%run_scoped3A : memref<!tpu.dma_semaphore, #tpu.memory_space<semaphore_mem>>) src(%dma_wait3A_653 : memref<8x256xf32, #tpu.memory_space<hbm>>) dst(%arg12 : memref<8x256xf32, #tpu.memory_space<vmem>>)
      tpu.yield
    }) : () -> ()
    %scan3A = arith.constant 0 : i32
    %scan3A_17 = arith.constant 8 : i32
    %scan3A_18 = arith.addi %scan3A, %scan3A_17 : i32
    %scan3A_19 = arith.constant 1 : i32
    %scan3A_20 = scf.for %scan3A_646 = %scan3A to %scan3A_18 step %scan3A_19 iter_args(%scan3A_647 = %broadcast_in_dim3A_3) -> (vector<16xf32>)  : i32 {
      %get3A_648 = arith.index_cast %scan3A_646 : i32 to index
      %get3A_649 = arith.constant 0 : index
      %get3A_650 = tpu.vector_load %arg12[%get3A_648, %get3A_649] {strides = array<i32>} : memref<8x256xf32, #tpu.memory_space<vmem>>, vector<16xf32>,
      %bitcast3A = vector.bitcast %get3A_650 : vector<16xf32> to vector<16xi32>
      %add3A_651 = arith.constant 32767 : i32
      %add3A_652 = vector.broadcast %add3A_651 : i32 to vector<16xi32>
      %add3A_653 = arith.addi %bitcast3A, %add3A_652 : vector<16xi32>
      %shift_right_logical3A = arith.constant 16 : i32
      %shift_right_logical3A_654 = vector.broadcast %shift_right_logical3A : i32 to vector<16xi32>
      %shift_right_logical3A_655 = arith.shrui %bitcast3A, %shift_right_logical3A_654 : vector<16xi32>
      %and3A_656 = arith.constant 1 : i32
      %and3A_657 = vector.broadcast %and3A_656 : i32 to vector<16xi32>
      %and3A_658 = arith.andi %shift_right_logical3A_655, %and3A_657 : vector<16xi32>
      %add3A_659 = arith.addi %add3A_653, %and3A_658 : vector<16xi32>
      %and3A_660 = arith.constant -65536 : i32
      %and3A_661 = vector.broadcast %and3A_660 : i32 to vector<16xi32>
      %and3A_662 = arith.andi %add3A_659, %and3A_661 : vector<16xi32>
      %bitcast3A_663 = vector.bitcast %and3A_662 : vector<16xi32> to vector<16xf32>
      %add3A_664 = arith.addf %scan3A_647, %bitcast3A_663 : vector<16xf32>
      scf.yield %add3A_664 : vector<16xf32>
    }
    %scan3A_21 = arith.constant 8 : i32
    %swap3A = arith.constant 0 : index
    %swap3A_22 = tpu.vector_load %arg15[%swap3A] {strides = array<i32>} : memref<256xf32, #tpu.memory_space<vmem>>, vector<16xf32>,
    tpu.vector_store %arg15[%swap3A], %scan3A_20 {strides = array<i32>} : memref<256xf32, #tpu.memory_space<vmem>>, vector<16xf32>,
    %scan3A_23 = arith.constant 0 : i32
    %scan3A_24 = arith.constant 8 : i32
    %scan3A_25 = arith.addi %scan3A_23, %scan3A_24 : i32
    %scan3A_26 = arith.constant 1 : i32
    %scan3A_27 = scf.for %scan3A_646 = %scan3A_23 to %scan3A_25 step %scan3A_26 iter_args(%scan3A_647 = %broadcast_in_dim3A_3) -> (vector<16xf32>)  : i32 {
      %get3A_648 = arith.index_cast %scan3A_646 : i32 to index
      %get3A_649 = arith.constant 16 : index
      %get3A_650 = tpu.vector_load %arg12[%get3A_648, %get3A_649] {strides = array<i32>} : memref<8x256xf32, #tpu.memory_space<vmem>>, vector<16xf32>,
      %bitcast3A = vector.bitcast %get3A_650 : vector<16xf32> to vector<16xi32>
      %add3A_651 = arith.constant 32767 : i32
      %add3A_652 = vector.broadcast %add3A_651 : i32 to vector<16xi32>
      %add3A_653 = arith.addi %bitcast3A, %add3A_652 : vector<16xi32>
      %shift_right_logical3A = arith.constant 16 : i32
      %shift_right_logical3A_654 = vector.broadcast %shift_right_logical3A : i32 to vector<16xi32>
      %shift_right_logical3A_655 = arith.shrui %bitcast3A, %shift_right_logical3A_654 : vector<16xi32>
      %and3A_656 = arith.constant 1 : i32
      %and3A_657 = vector.broadcast %and3A_656 : i32 to vector<16xi32>
      %and3A_658 = arith.andi %shift_right_logical3A_655, %and3A_657 : vector<16xi32>
      %add3A_659 = arith.addi %add3A_653, %and3A_658 : vector<16xi32>
      %and3A_660 = arith.constant -65536 : i32
      %and3A_661 = vector.broadcast %and3A_660 : i32 to vector<16xi32>
      %and3A_662 = arith.andi %add3A_659, %and3A_661 : vector<16xi32>
      %bitcast3A_663 = vector.bitcast %and3A_662 : vector<16xi32> to vector<16xf32>
      %add3A_664 = arith.addf %scan3A_647, %bitcast3A_663 : vector<16xf32>
      scf.yield %add3A_664 : vector<16xf32>
    }
    %scan3A_28 = arith.constant 8 : i32
    %swap3A_29 = arith.constant 16 : index
    %swap3A_30 = tpu.vector_load %arg15[%swap3A_29] {strides = array<i32>} : memref<256xf32, #tpu.memory_space<vmem>>, vector<16xf32>,
    tpu.vector_store %arg15[%swap3A_29], %scan3A_27 {strides = array<i32>} : memref<256xf32, #tpu.memory_space<vmem>>, vector<16xf32>,
    %scan3A_31 = arith.constant 0 : i32
    %scan3A_32 = arith.constant 8 : i32
    %scan3A_33 = arith.addi %scan3A_31, %scan3A_32 : i32
    %scan3A_34 = arith.constant 1 : i32
    %scan3A_35 = scf.for %scan3A_646 = %scan3A_31 to %scan3A_33 step %scan3A_34 iter_args(%scan3A_647 = %broadcast_in_dim3A_3) -> (vector<16xf32>)  : i32 {
      %get3A_648 = arith.index_cast %scan3A_646 : i32 to index
      %get3A_649 = arith.constant 32 : index
      %get3A_650 = tpu.vector_load %arg12[%get3A_648, %get3A_649] {strides = array<i32>} : memref<8x256xf32, #tpu.memory_space<vmem>>, vector<16xf32>,
      %bitcast3A = vector.bitcast %get3A_650 : vector<16xf32> to vector<16xi32>
      %add3A_651 = arith.constant 32767 : i32
      %add3A_652 = vector.broadcast %add3A_651 : i32 to vector<16xi32>
      %add3A_653 = arith.addi %bitcast3A, %add3A_652 : vector<16xi32>
      %shift_right_logical3A = arith.constant 16 : i32
      %shift_right_logical3A_654 = vector.broadcast %shift_right_logical3A : i32 to vector<16xi32>
      %shift_right_logical3A_655 = arith.shrui %bitcast3A, %shift_right_logical3A_654 : vector<16xi32>
      %and3A_656 = arith.constant 1 : i32
      %and3A_657 = vector.broadcast %and3A_656 : i32 to vector<16xi32>
      %and3A_658 = arith.andi %shift_right_logical3A_655, %and3A_657 : vector<16xi32>
      %add3A_659 = arith.addi %add3A_653, %and3A_658 : vector<16xi32>
      %and3A_660 = arith.constant -65536 : i32
      %and3A_661 = vector.broadcast %and3A_660 : i32 to vector<16xi32>
      %and3A_662 = arith.andi %add3A_659, %and3A_661 : vector<16xi32>
      %bitcast3A_663 = vector.bitcast %and3A_662 : vector<16xi32> to vector<16xf32>
      %add3A_664 = arith.addf %scan3A_647, %bitcast3A_663 : vector<16xf32>
      scf.yield %add3A_664 : vector<16xf32>
    }
    %scan3A_36 = arith.constant 8 : i32
    %swap3A_37 = arith.constant 32 : index
    %swap3A_38 = tpu.vector_load %arg15[%swap3A_37] {strides = array<i32>} : memref<256xf32, #tpu.memory_space<vmem>>, vector<16xf32>,
    tpu.vector_store %arg15[%swap3A_37], %scan3A_35 {strides = array<i32>} : memref<256xf32, #tpu.memory_space<vmem>>, vector<16xf32>,
    %scan3A_39 = arith.constant 0 : i32
    %scan3A_40 = arith.constant 8 : i32
    %scan3A_41 = arith.addi %scan3A_39, %scan3A_40 : i32
    %scan3A_42 = arith.constant 1 : i32
    %scan3A_43 = scf.for %scan3A_646 = %scan3A_39 to %scan3A_41 step %scan3A_42 iter_args(%scan3A_647 = %broadcast_in_dim3A_3) -> (vector<16xf32>)  : i32 {
      %get3A_648 = arith.index_cast %scan3A_646 : i32 to index
      %get3A_649 = arith.constant 48 : index
      %get3A_650 = tpu.vector_load %arg12[%get3A_648, %get3A_649] {strides = array<i32>} : memref<8x256xf32, #tpu.memory_space<vmem>>, vector<16xf32>,
      %bitcast3A = vector.bitcast %get3A_650 : vector<16xf32> to vector<16xi32>
      %add3A_651 = arith.constant 32767 : i32
      %add3A_652 = vector.broadcast %add3A_651 : i32 to vector<16xi32>
      %add3A_653 = arith.addi %bitcast3A, %add3A_652 : vector<16xi32>
      %shift_right_logical3A = arith.constant 16 : i32
      %shift_right_logical3A_654 = vector.broadcast %shift_right_logical3A : i32 to vector<16xi32>
      %shift_right_logical3A_655 = arith.shrui %bitcast3A, %shift_right_logical3A_654 : vector<16xi32>
      %and3A_656 = arith.constant 1 : i32
      %and3A_657 = vector.broadcast %and3A_656 : i32 to vector<16xi32>
      %and3A_658 = arith.andi %shift_right_logical3A_655, %and3A_657 : vector<16xi32>
      %add3A_659 = arith.addi %add3A_653, %and3A_658 : vector<16xi32>
      %and3A_660 = arith.constant -65536 : i32
      %and3A_661 = vector.broadcast %and3A_660 : i32 to vector<16xi32>
      %and3A_662 = arith.andi %add3A_659, %and3A_661 : vector<16xi32>
      %bitcast3A_663 = vector.bitcast %and3A_662 : vector<16xi32> to vector<16xf32>
      %add3A_664 = arith.addf %scan3A_647, %bitcast3A_663 : vector<16xf32>
      scf.yield %add3A_664 : vector<16xf32>
    }
    %scan3A_44 = arith.constant 8 : i32
    %swap3A_45 = arith.constant 48 : index
    %swap3A_46 = tpu.vector_load %arg15[%swap3A_45] {strides = array<i32>} : memref<256xf32, #tpu.memory_space<vmem>>, vector<16xf32>,
    tpu.vector_store %arg15[%swap3A_45], %scan3A_43 {strides = array<i32>} : memref<256xf32, #tpu.memory_space<vmem>>, vector<16xf32>,
    %scan3A_47 = arith.constant 0 : i32
    %scan3A_48 = arith.constant 8 : i32
    %scan3A_49 = arith.addi %scan3A_47, %scan3A_48 : i32
    %scan3A_50 = arith.constant 1 : i32
    %scan3A_51 = scf.for %scan3A_646 = %scan3A_47 to %scan3A_49 step %scan3A_50 iter_args(%scan3A_647 = %broadcast_in_dim3A_3) -> (vector<16xf32>)  : i32 {
      %get3A_648 = arith.index_cast %scan3A_646 : i32 to index
      %get3A_649 = arith.constant 64 : index
      %get3A_650 = tpu.vector_load %arg12[%get3A_648, %get3A_649] {strides = array<i32>} : memref<8x256xf32, #tpu.memory_space<vmem>>, vector<16xf32>,
      %bitcast3A = vector.bitcast %get3A_650 : vector<16xf32> to vector<16xi32>
      %add3A_651 = arith.constant 32767 : i32
      %add3A_652 = vector.broadcast %add3A_651 : i32 to vector<16xi32>
      %add3A_653 = arith.addi %bitcast3A, %add3A_652 : vector<16xi32>
      %shift_right_logical3A = arith.constant 16 : i32
      %shift_right_logical3A_654 = vector.broadcast %shift_right_logical3A : i32 to vector<16xi32>
      %shift_right_logical3A_655 = arith.shrui %bitcast3A, %shift_right_logical3A_654 : vector<16xi32>
      %and3A_656 = arith.constant 1 : i32
      %and3A_657 = vector.broadcast %and3A_656 : i32 to vector<16xi32>
      %and3A_658 = arith.andi %shift_right_logical3A_655, %and3A_657 : vector<16xi32>
      %add3A_659 = arith.addi %add3A_653, %and3A_658 : vector<16xi32>
      %and3A_660 = arith.constant -65536 : i32
      %and3A_661 = vector.broadcast %and3A_660 : i32 to vector<16xi32>
      %and3A_662 = arith.andi %add3A_659, %and3A_661 : vector<16xi32>
      %bitcast3A_663 = vector.bitcast %and3A_662 : vector<16xi32> to vector<16xf32>
      %add3A_664 = arith.addf %scan3A_647, %bitcast3A_663 : vector<16xf32>
      scf.yield %add3A_664 : vector<16xf32>
    }
    %scan3A_52 = arith.constant 8 : i32
    %swap3A_53 = arith.constant 64 : index
    %swap3A_54 = tpu.vector_load %arg15[%swap3A_53] {strides = array<i32>} : memref<256xf32, #tpu.memory_space<vmem>>, vector<16xf32>,
    tpu.vector_store %arg15[%swap3A_53], %scan3A_51 {strides = array<i32>} : memref<256xf32, #tpu.memory_space<vmem>>, vector<16xf32>,
    %scan3A_55 = arith.constant 0 : i32
    %scan3A_56 = arith.constant 8 : i32
    %scan3A_57 = arith.addi %scan3A_55, %scan3A_56 : i32
    %scan3A_58 = arith.constant 1 : i32
    %scan3A_59 = scf.for %scan3A_646 = %scan3A_55 to %scan3A_57 step %scan3A_58 iter_args(%scan3A_647 = %broadcast_in_dim3A_3) -> (vector<16xf32>)  : i32 {
      %get3A_648 = arith.index_cast %scan3A_646 : i32 to index
      %get3A_649 = arith.constant 80 : index
      %get3A_650 = tpu.vector_load %arg12[%get3A_648, %get3A_649] {strides = array<i32>} : memref<8x256xf32, #tpu.memory_space<vmem>>, vector<16xf32>,
      %bitcast3A = vector.bitcast %get3A_650 : vector<16xf32> to vector<16xi32>
      %add3A_651 = arith.constant 32767 : i32
      %add3A_652 = vector.broadcast %add3A_651 : i32 to vector<16xi32>
      %add3A_653 = arith.addi %bitcast3A, %add3A_652 : vector<16xi32>
      %shift_right_logical3A = arith.constant 16 : i32
      %shift_right_logical3A_654 = vector.broadcast %shift_right_logical3A : i32 to vector<16xi32>
      %shift_right_logical3A_655 = arith.shrui %bitcast3A, %shift_right_logical3A_654 : vector<16xi32>
      %and3A_656 = arith.constant 1 : i32
      %and3A_657 = vector.broadcast %and3A_656 : i32 to vector<16xi32>
      %and3A_658 = arith.andi %shift_right_logical3A_655, %and3A_657 : vector<16xi32>
      %add3A_659 = arith.addi %add3A_653, %and3A_658 : vector<16xi32>
      %and3A_660 = arith.constant -65536 : i32
      %and3A_661 = vector.broadcast %and3A_660 : i32 to vector<16xi32>
      %and3A_662 = arith.andi %add3A_659, %and3A_661 : vector<16xi32>
      %bitcast3A_663 = vector.bitcast %and3A_662 : vector<16xi32> to vector<16xf32>
      %add3A_664 = arith.addf %scan3A_647, %bitcast3A_663 : vector<16xf32>
      scf.yield %add3A_664 : vector<16xf32>
    }
    %scan3A_60 = arith.constant 8 : i32
    %swap3A_61 = arith.constant 80 : index
    %swap3A_62 = tpu.vector_load %arg15[%swap3A_61] {strides = array<i32>} : memref<256xf32, #tpu.memory_space<vmem>>, vector<16xf32>,
    tpu.vector_store %arg15[%swap3A_61], %scan3A_59 {strides = array<i32>} : memref<256xf32, #tpu.memory_space<vmem>>, vector<16xf32>,
    %scan3A_63 = arith.constant 0 : i32
    %scan3A_64 = arith.constant 8 : i32
    %scan3A_65 = arith.addi %scan3A_63, %scan3A_64 : i32
    %scan3A_66 = arith.constant 1 : i32
    %scan3A_67 = scf.for %scan3A_646 = %scan3A_63 to %scan3A_65 step %scan3A_66 iter_args(%scan3A_647 = %broadcast_in_dim3A_3) -> (vector<16xf32>)  : i32 {
      %get3A_648 = arith.index_cast %scan3A_646 : i32 to index
      %get3A_649 = arith.constant 96 : index
      %get3A_650 = tpu.vector_load %arg12[%get3A_648, %get3A_649] {strides = array<i32>} : memref<8x256xf32, #tpu.memory_space<vmem>>, vector<16xf32>,
      %bitcast3A = vector.bitcast %get3A_650 : vector<16xf32> to vector<16xi32>
      %add3A_651 = arith.constant 32767 : i32
      %add3A_652 = vector.broadcast %add3A_651 : i32 to vector<16xi32>
      %add3A_653 = arith.addi %bitcast3A, %add3A_652 : vector<16xi32>
      %shift_right_logical3A = arith.constant 16 : i32
      %shift_right_logical3A_654 = vector.broadcast %shift_right_logical3A : i32 to vector<16xi32>
      %shift_right_logical3A_655 = arith.shrui %bitcast3A, %shift_right_logical3A_654 : vector<16xi32>
      %and3A_656 = arith.constant 1 : i32
      %and3A_657 = vector.broadcast %and3A_656 : i32 to vector<16xi32>
      %and3A_658 = arith.andi %shift_right_logical3A_655, %and3A_657 : vector<16xi32>
      %add3A_659 = arith.addi %add3A_653, %and3A_658 : vector<16xi32>
      %and3A_660 = arith.constant -65536 : i32
      %and3A_661 = vector.broadcast %and3A_660 : i32 to vector<16xi32>
      %and3A_662 = arith.andi %add3A_659, %and3A_661 : vector<16xi32>
      %bitcast3A_663 = vector.bitcast %and3A_662 : vector<16xi32> to vector<16xf32>
      %add3A_664 = arith.addf %scan3A_647, %bitcast3A_663 : vector<16xf32>
      scf.yield %add3A_664 : vector<16xf32>
    }
    %scan3A_68 = arith.constant 8 : i32
    %swap3A_69 = arith.constant 96 : index
    %swap3A_70 = tpu.vector_load %arg15[%swap3A_69] {strides = array<i32>} : memref<256xf32, #tpu.memory_space<vmem>>, vector<16xf32>,
    tpu.vector_store %arg15[%swap3A_69], %scan3A_67 {strides = array<i32>} : memref<256xf32, #tpu.memory_space<vmem>>, vector<16xf32>,
    %scan3A_71 = arith.constant 0 : i32
    %scan3A_72 = arith.constant 8 : i32
    %scan3A_73 = arith.addi %scan3A_71, %scan3A_72 : i32
    %scan3A_74 = arith.constant 1 : i32
    %scan3A_75 = scf.for %scan3A_646 = %scan3A_71 to %scan3A_73 step %scan3A_74 iter_args(%scan3A_647 = %broadcast_in_dim3A_3) -> (vector<16xf32>)  : i32 {
      %get3A_648 = arith.index_cast %scan3A_646 : i32 to index
      %get3A_649 = arith.constant 112 : index
      %get3A_650 = tpu.vector_load %arg12[%get3A_648, %get3A_649] {strides = array<i32>} : memref<8x256xf32, #tpu.memory_space<vmem>>, vector<16xf32>,
      %bitcast3A = vector.bitcast %get3A_650 : vector<16xf32> to vector<16xi32>
      %add3A_651 = arith.constant 32767 : i32
      %add3A_652 = vector.broadcast %add3A_651 : i32 to vector<16xi32>
      %add3A_653 = arith.addi %bitcast3A, %add3A_652 : vector<16xi32>
      %shift_right_logical3A = arith.constant 16 : i32
      %shift_right_logical3A_654 = vector.broadcast %shift_right_logical3A : i32 to vector<16xi32>
      %shift_right_logical3A_655 = arith.shrui %bitcast3A, %shift_right_logical3A_654 : vector<16xi32>
      %and3A_656 = arith.constant 1 : i32
      %and3A_657 = vector.broadcast %and3A_656 : i32 to vector<16xi32>
      %and3A_658 = arith.andi %shift_right_logical3A_655, %and3A_657 : vector<16xi32>
      %add3A_659 = arith.addi %add3A_653, %and3A_658 : vector<16xi32>
      %and3A_660 = arith.constant -65536 : i32
      %and3A_661 = vector.broadcast %and3A_660 : i32 to vector<16xi32>
      %and3A_662 = arith.andi %add3A_659, %and3A_661 : vector<16xi32>
      %bitcast3A_663 = vector.bitcast %and3A_662 : vector<16xi32> to vector<16xf32>
      %add3A_664 = arith.addf %scan3A_647, %bitcast3A_663 : vector<16xf32>
      scf.yield %add3A_664 : vector<16xf32>
    }
    %scan3A_76 = arith.constant 8 : i32
    %swap3A_77 = arith.constant 112 : index
    %swap3A_78 = tpu.vector_load %arg15[%swap3A_77] {strides = array<i32>} : memref<256xf32, #tpu.memory_space<vmem>>, vector<16xf32>,
    tpu.vector_store %arg15[%swap3A_77], %scan3A_75 {strides = array<i32>} : memref<256xf32, #tpu.memory_space<vmem>>, vector<16xf32>,
    %scan3A_79 = arith.constant 0 : i32
    %scan3A_80 = arith.constant 8 : i32
    %scan3A_81 = arith.addi %scan3A_79, %scan3A_80 : i32
    %scan3A_82 = arith.constant 1 : i32
    %scan3A_83 = scf.for %scan3A_646 = %scan3A_79 to %scan3A_81 step %scan3A_82 iter_args(%scan3A_647 = %broadcast_in_dim3A_3) -> (vector<16xf32>)  : i32 {
      %get3A_648 = arith.index_cast %scan3A_646 : i32 to index
      %get3A_649 = arith.constant 128 : index
      %get3A_650 = tpu.vector_load %arg12[%get3A_648, %get3A_649] {strides = array<i32>} : memref<8x256xf32, #tpu.memory_space<vmem>>, vector<16xf32>,
      %bitcast3A = vector.bitcast %get3A_650 : vector<16xf32> to vector<16xi32>
      %add3A_651 = arith.constant 32767 : i32
      %add3A_652 = vector.broadcast %add3A_651 : i32 to vector<16xi32>
      %add3A_653 = arith.addi %bitcast3A, %add3A_652 : vector<16xi32>
      %shift_right_logical3A = arith.constant 16 : i32
      %shift_right_logical3A_654 = vector.broadcast %shift_right_logical3A : i32 to vector<16xi32>
      %shift_right_logical3A_655 = arith.shrui %bitcast3A, %shift_right_logical3A_654 : vector<16xi32>
      %and3A_656 = arith.constant 1 : i32
      %and3A_657 = vector.broadcast %and3A_656 : i32 to vector<16xi32>
      %and3A_658 = arith.andi %shift_right_logical3A_655, %and3A_657 : vector<16xi32>
      %add3A_659 = arith.addi %add3A_653, %and3A_658 : vector<16xi32>
      %and3A_660 = arith.constant -65536 : i32
      %and3A_661 = vector.broadcast %and3A_660 : i32 to vector<16xi32>
      %and3A_662 = arith.andi %add3A_659, %and3A_661 : vector<16xi32>
      %bitcast3A_663 = vector.bitcast %and3A_662 : vector<16xi32> to vector<16xf32>
      %add3A_664 = arith.addf %scan3A_647, %bitcast3A_663 : vector<16xf32>
      scf.yield %add3A_664 : vector<16xf32>
    }
    %scan3A_84 = arith.constant 8 : i32
    %swap3A_85 = arith.constant 128 : index
    %swap3A_86 = tpu.vector_load %arg15[%swap3A_85] {strides = array<i32>} : memref<256xf32, #tpu.memory_space<vmem>>, vector<16xf32>,
    tpu.vector_store %arg15[%swap3A_85], %scan3A_83 {strides = array<i32>} : memref<256xf32, #tpu.memory_space<vmem>>, vector<16xf32>,
    %scan3A_87 = arith.constant 0 : i32
    %scan3A_88 = arith.constant 8 : i32
    %scan3A_89 = arith.addi %scan3A_87, %scan3A_88 : i32
    %scan3A_90 = arith.constant 1 : i32
    %scan3A_91 = scf.for %scan3A_646 = %scan3A_87 to %scan3A_89 step %scan3A_90 iter_args(%scan3A_647 = %broadcast_in_dim3A_3) -> (vector<16xf32>)  : i32 {
      %get3A_648 = arith.index_cast %scan3A_646 : i32 to index
      %get3A_649 = arith.constant 144 : index
      %get3A_650 = tpu.vector_load %arg12[%get3A_648, %get3A_649] {strides = array<i32>} : memref<8x256xf32, #tpu.memory_space<vmem>>, vector<16xf32>,
      %bitcast3A = vector.bitcast %get3A_650 : vector<16xf32> to vector<16xi32>
      %add3A_651 = arith.constant 32767 : i32
      %add3A_652 = vector.broadcast %add3A_651 : i32 to vector<16xi32>
      %add3A_653 = arith.addi %bitcast3A, %add3A_652 : vector<16xi32>
      %shift_right_logical3A = arith.constant 16 : i32
      %shift_right_logical3A_654 = vector.broadcast %shift_right_logical3A : i32 to vector<16xi32>
      %shift_right_logical3A_655 = arith.shrui %bitcast3A, %shift_right_logical3A_654 : vector<16xi32>
      %and3A_656 = arith.constant 1 : i32
      %and3A_657 = vector.broadcast %and3A_656 : i32 to vector<16xi32>
      %and3A_658 = arith.andi %shift_right_logical3A_655, %and3A_657 : vector<16xi32>
      %add3A_659 = arith.addi %add3A_653, %and3A_658 : vector<16xi32>
      %and3A_660 = arith.constant -65536 : i32
      %and3A_661 = vector.broadcast %and3A_660 : i32 to vector<16xi32>
      %and3A_662 = arith.andi %add3A_659, %and3A_661 : vector<16xi32>
      %bitcast3A_663 = vector.bitcast %and3A_662 : vector<16xi32> to vector<16xf32>
      %add3A_664 = arith.addf %scan3A_647, %bitcast3A_663 : vector<16xf32>
      scf.yield %add3A_664 : vector<16xf32>
    }
    %scan3A_92 = arith.constant 8 : i32
    %swap3A_93 = arith.constant 144 : index
    %swap3A_94 = tpu.vector_load %arg15[%swap3A_93] {strides = array<i32>} : memref<256xf32, #tpu.memory_space<vmem>>, vector<16xf32>,
    tpu.vector_store %arg15[%swap3A_93], %scan3A_91 {strides = array<i32>} : memref<256xf32, #tpu.memory_space<vmem>>, vector<16xf32>,
    %scan3A_95 = arith.constant 0 : i32
    %scan3A_96 = arith.constant 8 : i32
    %scan3A_97 = arith.addi %scan3A_95, %scan3A_96 : i32
    %scan3A_98 = arith.constant 1 : i32
    %scan3A_99 = scf.for %scan3A_646 = %scan3A_95 to %scan3A_97 step %scan3A_98 iter_args(%scan3A_647 = %broadcast_in_dim3A_3) -> (vector<16xf32>)  : i32 {
      %get3A_648 = arith.index_cast %scan3A_646 : i32 to index
      %get3A_649 = arith.constant 160 : index
      %get3A_650 = tpu.vector_load %arg12[%get3A_648, %get3A_649] {strides = array<i32>} : memref<8x256xf32, #tpu.memory_space<vmem>>, vector<16xf32>,
      %bitcast3A = vector.bitcast %get3A_650 : vector<16xf32> to vector<16xi32>
      %add3A_651 = arith.constant 32767 : i32
      %add3A_652 = vector.broadcast %add3A_651 : i32 to vector<16xi32>
      %add3A_653 = arith.addi %bitcast3A, %add3A_652 : vector<16xi32>
      %shift_right_logical3A = arith.constant 16 : i32
      %shift_right_logical3A_654 = vector.broadcast %shift_right_logical3A : i32 to vector<16xi32>
      %shift_right_logical3A_655 = arith.shrui %bitcast3A, %shift_right_logical3A_654 : vector<16xi32>
      %and3A_656 = arith.constant 1 : i32
      %and3A_657 = vector.broadcast %and3A_656 : i32 to vector<16xi32>
      %and3A_658 = arith.andi %shift_right_logical3A_655, %and3A_657 : vector<16xi32>
      %add3A_659 = arith.addi %add3A_653, %and3A_658 : vector<16xi32>
      %and3A_660 = arith.constant -65536 : i32
      %and3A_661 = vector.broadcast %and3A_660 : i32 to vector<16xi32>
      %and3A_662 = arith.andi %add3A_659, %and3A_661 : vector<16xi32>
      %bitcast3A_663 = vector.bitcast %and3A_662 : vector<16xi32> to vector<16xf32>
      %add3A_664 = arith.addf %scan3A_647, %bitcast3A_663 : vector<16xf32>
      scf.yield %add3A_664 : vector<16xf32>
    }
    %scan3A_100 = arith.constant 8 : i32
    %swap3A_101 = arith.constant 160 : index
    %swap3A_102 = tpu.vector_load %arg15[%swap3A_101] {strides = array<i32>} : memref<256xf32, #tpu.memory_space<vmem>>, vector<16xf32>,
    tpu.vector_store %arg15[%swap3A_101], %scan3A_99 {strides = array<i32>} : memref<256xf32, #tpu.memory_space<vmem>>, vector<16xf32>,
    %scan3A_103 = arith.constant 0 : i32
    %scan3A_104 = arith.constant 8 : i32
    %scan3A_105 = arith.addi %scan3A_103, %scan3A_104 : i32
    %scan3A_106 = arith.constant 1 : i32
    %scan3A_107 = scf.for %scan3A_646 = %scan3A_103 to %scan3A_105 step %scan3A_106 iter_args(%scan3A_647 = %broadcast_in_dim3A_3) -> (vector<16xf32>)  : i32 {
      %get3A_648 = arith.index_cast %scan3A_646 : i32 to index
      %get3A_649 = arith.constant 176 : index
      %get3A_650 = tpu.vector_load %arg12[%get3A_648, %get3A_649] {strides = array<i32>} : memref<8x256xf32, #tpu.memory_space<vmem>>, vector<16xf32>,
      %bitcast3A = vector.bitcast %get3A_650 : vector<16xf32> to vector<16xi32>
      %add3A_651 = arith.constant 32767 : i32
      %add3A_652 = vector.broadcast %add3A_651 : i32 to vector<16xi32>
      %add3A_653 = arith.addi %bitcast3A, %add3A_652 : vector<16xi32>
      %shift_right_logical3A = arith.constant 16 : i32
      %shift_right_logical3A_654 = vector.broadcast %shift_right_logical3A : i32 to vector<16xi32>
      %shift_right_logical3A_655 = arith.shrui %bitcast3A, %shift_right_logical3A_654 : vector<16xi32>
      %and3A_656 = arith.constant 1 : i32
      %and3A_657 = vector.broadcast %and3A_656 : i32 to vector<16xi32>
      %and3A_658 = arith.andi %shift_right_logical3A_655, %and3A_657 : vector<16xi32>
      %add3A_659 = arith.addi %add3A_653, %and3A_658 : vector<16xi32>
      %and3A_660 = arith.constant -65536 : i32
      %and3A_661 = vector.broadcast %and3A_660 : i32 to vector<16xi32>
      %and3A_662 = arith.andi %add3A_659, %and3A_661 : vector<16xi32>
      %bitcast3A_663 = vector.bitcast %and3A_662 : vector<16xi32> to vector<16xf32>
      %add3A_664 = arith.addf %scan3A_647, %bitcast3A_663 : vector<16xf32>
      scf.yield %add3A_664 : vector<16xf32>
    }
    %scan3A_108 = arith.constant 8 : i32
    %swap3A_109 = arith.constant 176 : index
    %swap3A_110 = tpu.vector_load %arg15[%swap3A_109] {strides = array<i32>} : memref<256xf32, #tpu.memory_space<vmem>>, vector<16xf32>,
    tpu.vector_store %arg15[%swap3A_109], %scan3A_107 {strides = array<i32>} : memref<256xf32, #tpu.memory_space<vmem>>, vector<16xf32>,
    %scan3A_111 = arith.constant 0 : i32
    %scan3A_112 = arith.constant 8 : i32
    %scan3A_113 = arith.addi %scan3A_111, %scan3A_112 : i32
    %scan3A_114 = arith.constant 1 : i32
    %scan3A_115 = scf.for %scan3A_646 = %scan3A_111 to %scan3A_113 step %scan3A_114 iter_args(%scan3A_647 = %broadcast_in_dim3A_3) -> (vector<16xf32>)  : i32 {
      %get3A_648 = arith.index_cast %scan3A_646 : i32 to index
      %get3A_649 = arith.constant 192 : index
      %get3A_650 = tpu.vector_load %arg12[%get3A_648, %get3A_649] {strides = array<i32>} : memref<8x256xf32, #tpu.memory_space<vmem>>, vector<16xf32>,
      %bitcast3A = vector.bitcast %get3A_650 : vector<16xf32> to vector<16xi32>
      %add3A_651 = arith.constant 32767 : i32
      %add3A_652 = vector.broadcast %add3A_651 : i32 to vector<16xi32>
      %add3A_653 = arith.addi %bitcast3A, %add3A_652 : vector<16xi32>
      %shift_right_logical3A = arith.constant 16 : i32
      %shift_right_logical3A_654 = vector.broadcast %shift_right_logical3A : i32 to vector<16xi32>
      %shift_right_logical3A_655 = arith.shrui %bitcast3A, %shift_right_logical3A_654 : vector<16xi32>
      %and3A_656 = arith.constant 1 : i32
      %and3A_657 = vector.broadcast %and3A_656 : i32 to vector<16xi32>
      %and3A_658 = arith.andi %shift_right_logical3A_655, %and3A_657 : vector<16xi32>
      %add3A_659 = arith.addi %add3A_653, %and3A_658 : vector<16xi32>
      %and3A_660 = arith.constant -65536 : i32
      %and3A_661 = vector.broadcast %and3A_660 : i32 to vector<16xi32>
      %and3A_662 = arith.andi %add3A_659, %and3A_661 : vector<16xi32>
      %bitcast3A_663 = vector.bitcast %and3A_662 : vector<16xi32> to vector<16xf32>
      %add3A_664 = arith.addf %scan3A_647, %bitcast3A_663 : vector<16xf32>
      scf.yield %add3A_664 : vector<16xf32>
    }
    %scan3A_116 = arith.constant 8 : i32
    %swap3A_117 = arith.constant 192 : index
    %swap3A_118 = tpu.vector_load %arg15[%swap3A_117] {strides = array<i32>} : memref<256xf32, #tpu.memory_space<vmem>>, vector<16xf32>,
    tpu.vector_store %arg15[%swap3A_117], %scan3A_115 {strides = array<i32>} : memref<256xf32, #tpu.memory_space<vmem>>, vector<16xf32>,
    %scan3A_119 = arith.constant 0 : i32
    %scan3A_120 = arith.constant 8 : i32
    %scan3A_121 = arith.addi %scan3A_119, %scan3A_120 : i32
    %scan3A_122 = arith.constant 1 : i32
    %scan3A_123 = scf.for %scan3A_646 = %scan3A_119 to %scan3A_121 step %scan3A_122 iter_args(%scan3A_647 = %broadcast_in_dim3A_3) -> (vector<16xf32>)  : i32 {
      %get3A_648 = arith.index_cast %scan3A_646 : i32 to index
      %get3A_649 = arith.constant 208 : index
      %get3A_650 = tpu.vector_load %arg12[%get3A_648, %get3A_649] {strides = array<i32>} : memref<8x256xf32, #tpu.memory_space<vmem>>, vector<16xf32>,
      %bitcast3A = vector.bitcast %get3A_650 : vector<16xf32> to vector<16xi32>
      %add3A_651 = arith.constant 32767 : i32
      %add3A_652 = vector.broadcast %add3A_651 : i32 to vector<16xi32>
      %add3A_653 = arith.addi %bitcast3A, %add3A_652 : vector<16xi32>
      %shift_right_logical3A = arith.constant 16 : i32
      %shift_right_logical3A_654 = vector.broadcast %shift_right_logical3A : i32 to vector<16xi32>
      %shift_right_logical3A_655 = arith.shrui %bitcast3A, %shift_right_logical3A_654 : vector<16xi32>
      %and3A_656 = arith.constant 1 : i32
      %and3A_657 = vector.broadcast %and3A_656 : i32 to vector<16xi32>
      %and3A_658 = arith.andi %shift_right_logical3A_655, %and3A_657 : vector<16xi32>
      %add3A_659 = arith.addi %add3A_653, %and3A_658 : vector<16xi32>
      %and3A_660 = arith.constant -65536 : i32
      %and3A_661 = vector.broadcast %and3A_660 : i32 to vector<16xi32>
      %and3A_662 = arith.andi %add3A_659, %and3A_661 : vector<16xi32>
      %bitcast3A_663 = vector.bitcast %and3A_662 : vector<16xi32> to vector<16xf32>
      %add3A_664 = arith.addf %scan3A_647, %bitcast3A_663 : vector<16xf32>
      scf.yield %add3A_664 : vector<16xf32>
    }
    %scan3A_124 = arith.constant 8 : i32
    %swap3A_125 = arith.constant 208 : index
    %swap3A_126 = tpu.vector_load %arg15[%swap3A_125] {strides = array<i32>} : memref<256xf32, #tpu.memory_space<vmem>>, vector<16xf32>,
    tpu.vector_store %arg15[%swap3A_125], %scan3A_123 {strides = array<i32>} : memref<256xf32, #tpu.memory_space<vmem>>, vector<16xf32>,
    %scan3A_127 = arith.constant 0 : i32
    %scan3A_128 = arith.constant 8 : i32
    %scan3A_129 = arith.addi %scan3A_127, %scan3A_128 : i32
    %scan3A_130 = arith.constant 1 : i32
    %scan3A_131 = scf.for %scan3A_646 = %scan3A_127 to %scan3A_129 step %scan3A_130 iter_args(%scan3A_647 = %broadcast_in_dim3A_3) -> (vector<16xf32>)  : i32 {
      %get3A_648 = arith.index_cast %scan3A_646 : i32 to index
      %get3A_649 = arith.constant 224 : index
      %get3A_650 = tpu.vector_load %arg12[%get3A_648, %get3A_649] {strides = array<i32>} : memref<8x256xf32, #tpu.memory_space<vmem>>, vector<16xf32>,
      %bitcast3A = vector.bitcast %get3A_650 : vector<16xf32> to vector<16xi32>
      %add3A_651 = arith.constant 32767 : i32
      %add3A_652 = vector.broadcast %add3A_651 : i32 to vector<16xi32>
      %add3A_653 = arith.addi %bitcast3A, %add3A_652 : vector<16xi32>
      %shift_right_logical3A = arith.constant 16 : i32
      %shift_right_logical3A_654 = vector.broadcast %shift_right_logical3A : i32 to vector<16xi32>
      %shift_right_logical3A_655 = arith.shrui %bitcast3A, %shift_right_logical3A_654 : vector<16xi32>
      %and3A_656 = arith.constant 1 : i32
      %and3A_657 = vector.broadcast %and3A_656 : i32 to vector<16xi32>
      %and3A_658 = arith.andi %shift_right_logical3A_655, %and3A_657 : vector<16xi32>
      %add3A_659 = arith.addi %add3A_653, %and3A_658 : vector<16xi32>
      %and3A_660 = arith.constant -65536 : i32
      %and3A_661 = vector.broadcast %and3A_660 : i32 to vector<16xi32>
      %and3A_662 = arith.andi %add3A_659, %and3A_661 : vector<16xi32>
      %bitcast3A_663 = vector.bitcast %and3A_662 : vector<16xi32> to vector<16xf32>
      %add3A_664 = arith.addf %scan3A_647, %bitcast3A_663 : vector<16xf32>
      scf.yield %add3A_664 : vector<16xf32>
    }
    %scan3A_132 = arith.constant 8 : i32
    %swap3A_133 = arith.constant 224 : index
    %swap3A_134 = tpu.vector_load %arg15[%swap3A_133] {strides = array<i32>} : memref<256xf32, #tpu.memory_space<vmem>>, vector<16xf32>,
    tpu.vector_store %arg15[%swap3A_133], %scan3A_131 {strides = array<i32>} : memref<256xf32, #tpu.memory_space<vmem>>, vector<16xf32>,
    %scan3A_135 = arith.constant 0 : i32
    %scan3A_136 = arith.constant 8 : i32
    %scan3A_137 = arith.addi %scan3A_135, %scan3A_136 : i32
    %scan3A_138 = arith.constant 1 : i32
    %scan3A_139 = scf.for %scan3A_646 = %scan3A_135 to %scan3A_137 step %scan3A_138 iter_args(%scan3A_647 = %broadcast_in_dim3A_3) -> (vector<16xf32>)  : i32 {
      %get3A_648 = arith.index_cast %scan3A_646 : i32 to index
      %get3A_649 = arith.constant 240 : index
      %get3A_650 = tpu.vector_load %arg12[%get3A_648, %get3A_649] {strides = array<i32>} : memref<8x256xf32, #tpu.memory_space<vmem>>, vector<16xf32>,
      %bitcast3A = vector.bitcast %get3A_650 : vector<16xf32> to vector<16xi32>
      %add3A_651 = arith.constant 32767 : i32
      %add3A_652 = vector.broadcast %add3A_651 : i32 to vector<16xi32>
      %add3A_653 = arith.addi %bitcast3A, %add3A_652 : vector<16xi32>
      %shift_right_logical3A = arith.constant 16 : i32
      %shift_right_logical3A_654 = vector.broadcast %shift_right_logical3A : i32 to vector<16xi32>
      %shift_right_logical3A_655 = arith.shrui %bitcast3A, %shift_right_logical3A_654 : vector<16xi32>
      %and3A_656 = arith.constant 1 : i32
      %and3A_657 = vector.broadcast %and3A_656 : i32 to vector<16xi32>
      %and3A_658 = arith.andi %shift_right_logical3A_655, %and3A_657 : vector<16xi32>
      %add3A_659 = arith.addi %add3A_653, %and3A_658 : vector<16xi32>
      %and3A_660 = arith.constant -65536 : i32
      %and3A_661 = vector.broadcast %and3A_660 : i32 to vector<16xi32>
      %and3A_662 = arith.andi %add3A_659, %and3A_661 : vector<16xi32>
      %bitcast3A_663 = vector.bitcast %and3A_662 : vector<16xi32> to vector<16xf32>
      %add3A_664 = arith.addf %scan3A_647, %bitcast3A_663 : vector<16xf32>
      scf.yield %add3A_664 : vector<16xf32>
    }
    %scan3A_140 = arith.constant 8 : i32
    %swap3A_141 = arith.constant 240 : index
    %swap3A_142 = tpu.vector_load %arg15[%swap3A_141] {strides = array<i32>} : memref<256xf32, #tpu.memory_space<vmem>>, vector<16xf32>,
    tpu.vector_store %arg15[%swap3A_141], %scan3A_139 {strides = array<i32>} : memref<256xf32, #tpu.memory_space<vmem>>, vector<16xf32>,
    "tpu.region"() ({
      %run_scoped3A = tpu.sem_alloc : memref<!tpu.dma_semaphore, #tpu.memory_space<semaphore_mem>>
      %dma_start3A_646 = arith.constant 0 : i32
      %dma_start3A_647 = tpu.memref_slice %arg28[%arg1, %dma_start3A_646] : memref<16x10240xf32, #tpu.memory_space<vmem_shared>> -> memref<1x256xf32, #tpu.memory_space<vmem_shared>>
      %dma_start3A_648 = tpu.memref_squeeze %dma_start3A_647 : memref<1x256xf32, #tpu.memory_space<vmem_shared>> -> memref<256xf32, #tpu.memory_space<vmem_shared>>
      %dma_start3A_649 = arith.constant 0 : i32
      %dma_start3A_650 = tpu.memref_slice %arg28[%arg1, %dma_start3A_649] : memref<16x10240xf32, #tpu.memory_space<vmem_shared>> -> memref<1x256xf32, #tpu.memory_space<vmem_shared>>
      %dma_start3A_651 = tpu.memref_squeeze %dma_start3A_650 : memref<1x256xf32, #tpu.memory_space<vmem_shared>> -> memref<256xf32, #tpu.memory_space<vmem_shared>>
      tpu.enqueue_dma source(%arg15 : memref<256xf32, #tpu.memory_space<vmem>>) target(%dma_start3A_651 : memref<256xf32, #tpu.memory_space<vmem_shared>>) target_semaphore(%run_scoped3A : memref<!tpu.dma_semaphore, #tpu.memory_space<semaphore_mem>>)
      %dma_wait3A_652 = arith.constant 0 : i32
      %dma_wait3A_653 = tpu.memref_slice %arg28[%arg1, %dma_wait3A_652] : memref<16x10240xf32, #tpu.memory_space<vmem_shared>> -> memref<1x256xf32, #tpu.memory_space<vmem_shared>>
      %dma_wait3A_654 = tpu.memref_squeeze %dma_wait3A_653 : memref<1x256xf32, #tpu.memory_space<vmem_shared>> -> memref<256xf32, #tpu.memory_space<vmem_shared>>
      %dma_wait3A_655 = arith.constant 0 : i32
      %dma_wait3A_656 = tpu.memref_slice %arg28[%arg1, %dma_wait3A_655] : memref<16x10240xf32, #tpu.memory_space<vmem_shared>> -> memref<1x256xf32, #tpu.memory_space<vmem_shared>>
      %dma_wait3A_657 = tpu.memref_squeeze %dma_wait3A_656 : memref<1x256xf32, #tpu.memory_space<vmem_shared>> -> memref<256xf32, #tpu.memory_space<vmem_shared>>
      tpu.wait_dma2 semaphore(%run_scoped3A : memref<!tpu.dma_semaphore, #tpu.memory_space<semaphore_mem>>) src(%arg15 : memref<256xf32, #tpu.memory_space<vmem>>) dst(%dma_wait3A_657 : memref<256xf32, #tpu.memory_space<vmem_shared>>)
      tpu.yield
    }) : () -> ()
    %barrier3A = arith.constant 0 : index
    tpu.barrier barrier_id(%barrier3A)
    %mul3A_143 = arith.constant 16 : i32
    %mul3A_144 = arith.muli %mul3A_143, %arg1 : i32
    "tpu.region"() ({
      %run_scoped3A = tpu.sem_alloc : memref<!tpu.dma_semaphore, #tpu.memory_space<semaphore_mem>>
      %dma_start3A_646 = arith.constant 0 : i32
      %dma_start3A_647 = tpu.memref_slice %arg28[%dma_start3A_646, %mul3A_144] : memref<16x10240xf32, #tpu.memory_space<vmem_shared>> -> memref<16x16xf32, #tpu.memory_space<vmem_shared>>
      %dma_start3A_648 = arith.constant 0 : i32
      %dma_start3A_649 = tpu.memref_slice %arg28[%dma_start3A_648, %mul3A_144] : memref<16x10240xf32, #tpu.memory_space<vmem_shared>> -> memref<16x16xf32, #tpu.memory_space<vmem_shared>>
      tpu.enqueue_dma source(%dma_start3A_649 : memref<16x16xf32, #tpu.memory_space<vmem_shared>>) target(%arg17 : memref<16x16xf32, #tpu.memory_space<vmem>>) target_semaphore(%run_scoped3A : memref<!tpu.dma_semaphore, #tpu.memory_space<semaphore_mem>>)
      %dma_wait3A_650 = arith.constant 0 : i32
      %dma_wait3A_651 = tpu.memref_slice %arg28[%dma_wait3A_650, %mul3A_144] : memref<16x10240xf32, #tpu.memory_space<vmem_shared>> -> memref<16x16xf32, #tpu.memory_space<vmem_shared>>
      %dma_wait3A_652 = arith.constant 0 : i32
      %dma_wait3A_653 = tpu.memref_slice %arg28[%dma_wait3A_652, %mul3A_144] : memref<16x10240xf32, #tpu.memory_space<vmem_shared>> -> memref<16x16xf32, #tpu.memory_space<vmem_shared>>
      tpu.wait_dma2 semaphore(%run_scoped3A : memref<!tpu.dma_semaphore, #tpu.memory_space<semaphore_mem>>) src(%dma_wait3A_653 : memref<16x16xf32, #tpu.memory_space<vmem_shared>>) dst(%arg17 : memref<16x16xf32, #tpu.memory_space<vmem>>)
      tpu.yield
    }) : () -> ()
    %get3A = arith.constant 0 : i32
    %get3A_145 = arith.index_cast %get3A : i32 to index
    %get3A_146 = arith.constant 0 : index
    %get3A_147 = tpu.vector_load %arg17[%get3A_145, %get3A_146] {strides = array<i32>} : memref<16x16xf32, #tpu.memory_space<vmem>>, vector<16xf32>,
    %get3A_148 = arith.constant 1 : i32
    %get3A_149 = arith.index_cast %get3A_148 : i32 to index
    %get3A_150 = arith.constant 0 : index
    %get3A_151 = tpu.vector_load %arg17[%get3A_149, %get3A_150] {strides = array<i32>} : memref<16x16xf32, #tpu.memory_space<vmem>>, vector<16xf32>,
    %add3A = arith.addf %get3A_147, %get3A_151 : vector<16xf32>
    %get3A_152 = arith.constant 2 : i32
    %get3A_153 = arith.index_cast %get3A_152 : i32 to index
    %get3A_154 = arith.constant 0 : index
    %get3A_155 = tpu.vector_load %arg17[%get3A_153, %get3A_154] {strides = array<i32>} : memref<16x16xf32, #tpu.memory_space<vmem>>, vector<16xf32>,
    %add3A_156 = arith.addf %add3A, %get3A_155 : vector<16xf32>
    %get3A_157 = arith.constant 3 : i32
    %get3A_158 = arith.index_cast %get3A_157 : i32 to index
    %get3A_159 = arith.constant 0 : index
    %get3A_160 = tpu.vector_load %arg17[%get3A_158, %get3A_159] {strides = array<i32>} : memref<16x16xf32, #tpu.memory_space<vmem>>, vector<16xf32>,
    %add3A_161 = arith.addf %add3A_156, %get3A_160 : vector<16xf32>
    %get3A_162 = arith.constant 4 : i32
    %get3A_163 = arith.index_cast %get3A_162 : i32 to index
    %get3A_164 = arith.constant 0 : index
    %get3A_165 = tpu.vector_load %arg17[%get3A_163, %get3A_164] {strides = array<i32>} : memref<16x16xf32, #tpu.memory_space<vmem>>, vector<16xf32>,
    %add3A_166 = arith.addf %add3A_161, %get3A_165 : vector<16xf32>
    %get3A_167 = arith.constant 5 : i32
    %get3A_168 = arith.index_cast %get3A_167 : i32 to index
    %get3A_169 = arith.constant 0 : index
    %get3A_170 = tpu.vector_load %arg17[%get3A_168, %get3A_169] {strides = array<i32>} : memref<16x16xf32, #tpu.memory_space<vmem>>, vector<16xf32>,
    %add3A_171 = arith.addf %add3A_166, %get3A_170 : vector<16xf32>
    %get3A_172 = arith.constant 6 : i32
    %get3A_173 = arith.index_cast %get3A_172 : i32 to index
    %get3A_174 = arith.constant 0 : index
    %get3A_175 = tpu.vector_load %arg17[%get3A_173, %get3A_174] {strides = array<i32>} : memref<16x16xf32, #tpu.memory_space<vmem>>, vector<16xf32>,
    %add3A_176 = arith.addf %add3A_171, %get3A_175 : vector<16xf32>
    %get3A_177 = arith.constant 7 : i32
    %get3A_178 = arith.index_cast %get3A_177 : i32 to index
    %get3A_179 = arith.constant 0 : index
    %get3A_180 = tpu.vector_load %arg17[%get3A_178, %get3A_179] {strides = array<i32>} : memref<16x16xf32, #tpu.memory_space<vmem>>, vector<16xf32>,
    %add3A_181 = arith.addf %add3A_176, %get3A_180 : vector<16xf32>
    %get3A_182 = arith.constant 8 : i32
    %get3A_183 = arith.index_cast %get3A_182 : i32 to index
    %get3A_184 = arith.constant 0 : index
    %get3A_185 = tpu.vector_load %arg17[%get3A_183, %get3A_184] {strides = array<i32>} : memref<16x16xf32, #tpu.memory_space<vmem>>, vector<16xf32>,
    %add3A_186 = arith.addf %add3A_181, %get3A_185 : vector<16xf32>
    %get3A_187 = arith.constant 9 : i32
    %get3A_188 = arith.index_cast %get3A_187 : i32 to index
    %get3A_189 = arith.constant 0 : index
    %get3A_190 = tpu.vector_load %arg17[%get3A_188, %get3A_189] {strides = array<i32>} : memref<16x16xf32, #tpu.memory_space<vmem>>, vector<16xf32>,
    %add3A_191 = arith.addf %add3A_186, %get3A_190 : vector<16xf32>
    %get3A_192 = arith.constant 10 : i32
    %get3A_193 = arith.index_cast %get3A_192 : i32 to index
    %get3A_194 = arith.constant 0 : index
    %get3A_195 = tpu.vector_load %arg17[%get3A_193, %get3A_194] {strides = array<i32>} : memref<16x16xf32, #tpu.memory_space<vmem>>, vector<16xf32>,
    %add3A_196 = arith.addf %add3A_191, %get3A_195 : vector<16xf32>
    %get3A_197 = arith.constant 11 : i32
    %get3A_198 = arith.index_cast %get3A_197 : i32 to index
    %get3A_199 = arith.constant 0 : index
    %get3A_200 = tpu.vector_load %arg17[%get3A_198, %get3A_199] {strides = array<i32>} : memref<16x16xf32, #tpu.memory_space<vmem>>, vector<16xf32>,
    %add3A_201 = arith.addf %add3A_196, %get3A_200 : vector<16xf32>
    %get3A_202 = arith.constant 12 : i32
    %get3A_203 = arith.index_cast %get3A_202 : i32 to index
    %get3A_204 = arith.constant 0 : index
    %get3A_205 = tpu.vector_load %arg17[%get3A_203, %get3A_204] {strides = array<i32>} : memref<16x16xf32, #tpu.memory_space<vmem>>, vector<16xf32>,
    %add3A_206 = arith.addf %add3A_201, %get3A_205 : vector<16xf32>
    %get3A_207 = arith.constant 13 : i32
    %get3A_208 = arith.index_cast %get3A_207 : i32 to index
    %get3A_209 = arith.constant 0 : index
    %get3A_210 = tpu.vector_load %arg17[%get3A_208, %get3A_209] {strides = array<i32>} : memref<16x16xf32, #tpu.memory_space<vmem>>, vector<16xf32>,
    %add3A_211 = arith.addf %add3A_206, %get3A_210 : vector<16xf32>
    %get3A_212 = arith.constant 14 : i32
    %get3A_213 = arith.index_cast %get3A_212 : i32 to index
    %get3A_214 = arith.constant 0 : index
    %get3A_215 = tpu.vector_load %arg17[%get3A_213, %get3A_214] {strides = array<i32>} : memref<16x16xf32, #tpu.memory_space<vmem>>, vector<16xf32>,
    %add3A_216 = arith.addf %add3A_211, %get3A_215 : vector<16xf32>
    %get3A_217 = arith.constant 15 : i32
    %get3A_218 = arith.index_cast %get3A_217 : i32 to index
    %get3A_219 = arith.constant 0 : index
    %get3A_220 = tpu.vector_load %arg17[%get3A_218, %get3A_219] {strides = array<i32>} : memref<16x16xf32, #tpu.memory_space<vmem>>, vector<16xf32>,
    %add3A_221 = arith.addf %add3A_216, %get3A_220 : vector<16xf32>
    %max3A = arith.constant 0.000000e+00 : f32
    %max3A_222 = vector.broadcast %max3A : f32 to vector<16xf32>
    %max3A_223 = arith.maximumf %add3A_221, %max3A_222 : vector<16xf32>
    %swap3A_224 = arith.constant 0 : index
    %swap3A_225 = tpu.vector_load %arg16[%swap3A_224] {strides = array<i32>} : memref<16xf32, #tpu.memory_space<vmem>>, vector<16xf32>,
    tpu.vector_store %arg16[%swap3A_224], %max3A_223 {strides = array<i32>} : memref<16xf32, #tpu.memory_space<vmem>>, vector<16xf32>,
    %mul3A_226 = arith.constant 16 : i32
    %mul3A_227 = arith.muli %mul3A_226, %arg1 : i32
    "tpu.region"() ({
      %run_scoped3A = tpu.sem_alloc : memref<!tpu.dma_semaphore, #tpu.memory_space<semaphore_mem>>
      %dma_start3A_646 = arith.constant 0 : i32
      %dma_start3A_647 = tpu.memref_slice %arg4[%mul3A_227, %dma_start3A_646] : memref<256x64xf32, #tpu.memory_space<hbm>> -> memref<16x64xf32, #tpu.memory_space<hbm>>
      %dma_start3A_648 = arith.constant 0 : i32
      %dma_start3A_649 = tpu.memref_slice %arg4[%mul3A_227, %dma_start3A_648] : memref<256x64xf32, #tpu.memory_space<hbm>> -> memref<16x64xf32, #tpu.memory_space<hbm>>
      tpu.enqueue_dma source(%dma_start3A_649 : memref<16x64xf32, #tpu.memory_space<hbm>>) target(%arg13 : memref<16x64xf32, #tpu.memory_space<vmem>>) target_semaphore(%run_scoped3A : memref<!tpu.dma_semaphore, #tpu.memory_space<semaphore_mem>>)
      %dma_wait3A_650 = arith.constant 0 : i32
      %dma_wait3A_651 = tpu.memref_slice %arg4[%mul3A_227, %dma_wait3A_650] : memref<256x64xf32, #tpu.memory_space<hbm>> -> memref<16x64xf32, #tpu.memory_space<hbm>>
      %dma_wait3A_652 = arith.constant 0 : i32
      %dma_wait3A_653 = tpu.memref_slice %arg4[%mul3A_227, %dma_wait3A_652] : memref<256x64xf32, #tpu.memory_space<hbm>> -> memref<16x64xf32, #tpu.memory_space<hbm>>
      tpu.wait_dma2 semaphore(%run_scoped3A : memref<!tpu.dma_semaphore, #tpu.memory_space<semaphore_mem>>) src(%dma_wait3A_653 : memref<16x64xf32, #tpu.memory_space<hbm>>) dst(%arg13 : memref<16x64xf32, #tpu.memory_space<vmem>>)
      tpu.yield
    }) : () -> ()
    %scan3A_228 = arith.constant 0 : i32
    %scan3A_229 = arith.constant 16 : i32
    %scan3A_230 = arith.addi %scan3A_228, %scan3A_229 : i32
    %scan3A_231 = arith.constant 1 : i32
    %scan3A_232:4 = scf.for %scan3A_646 = %scan3A_228 to %scan3A_230 step %scan3A_231 iter_args(%scan3A_647 = %broadcast_in_dim3A_3, %scan3A_648 = %broadcast_in_dim3A_3, %scan3A_649 = %broadcast_in_dim3A_3, %scan3A_650 = %broadcast_in_dim3A_3) -> (vector<16xf32>, vector<16xf32>, vector<16xf32>, vector<16xf32>)  : i32 {
      %broadcast_in_dim3A_651 = vector.broadcast %scan3A_646 : i32 to vector<16xi32>
      %gather3A = tpu.vector_load_idx %arg16[%broadcast_in_dim3A_651] : memref<16xf32, #tpu.memory_space<vmem>>[vector<16xi32>], vector<16xf32>,
      %get3A_652 = arith.index_cast %scan3A_646 : i32 to index
      %get3A_653 = arith.constant 0 : index
      %get3A_654 = tpu.vector_load %arg13[%get3A_652, %get3A_653] {strides = array<i32>} : memref<16x64xf32, #tpu.memory_space<vmem>>, vector<16xf32>,
      %bitcast3A = vector.bitcast %get3A_654 : vector<16xf32> to vector<16xi32>
      %add3A_655 = arith.constant 32767 : i32
      %add3A_656 = vector.broadcast %add3A_655 : i32 to vector<16xi32>
      %add3A_657 = arith.addi %bitcast3A, %add3A_656 : vector<16xi32>
      %shift_right_logical3A = arith.constant 16 : i32
      %shift_right_logical3A_658 = vector.broadcast %shift_right_logical3A : i32 to vector<16xi32>
      %shift_right_logical3A_659 = arith.shrui %bitcast3A, %shift_right_logical3A_658 : vector<16xi32>
      %and3A_660 = arith.constant 1 : i32
      %and3A_661 = vector.broadcast %and3A_660 : i32 to vector<16xi32>
      %and3A_662 = arith.andi %shift_right_logical3A_659, %and3A_661 : vector<16xi32>
      %add3A_663 = arith.addi %add3A_657, %and3A_662 : vector<16xi32>
      %and3A_664 = arith.constant -65536 : i32
      %and3A_665 = vector.broadcast %and3A_664 : i32 to vector<16xi32>
      %and3A_666 = arith.andi %add3A_663, %and3A_665 : vector<16xi32>
      %bitcast3A_667 = vector.bitcast %and3A_666 : vector<16xi32> to vector<16xf32>
      %mul3A_668 = arith.mulf %gather3A, %bitcast3A_667 : vector<16xf32>
      %add3A_669 = arith.addf %scan3A_647, %mul3A_668 : vector<16xf32>
      %get3A_670 = arith.index_cast %scan3A_646 : i32 to index
      %get3A_671 = arith.constant 16 : index
      %get3A_672 = tpu.vector_load %arg13[%get3A_670, %get3A_671] {strides = array<i32>} : memref<16x64xf32, #tpu.memory_space<vmem>>, vector<16xf32>,
      %bitcast3A_673 = vector.bitcast %get3A_672 : vector<16xf32> to vector<16xi32>
      %add3A_674 = arith.constant 32767 : i32
      %add3A_675 = vector.broadcast %add3A_674 : i32 to vector<16xi32>
      %add3A_676 = arith.addi %bitcast3A_673, %add3A_675 : vector<16xi32>
      %shift_right_logical3A_677 = arith.constant 16 : i32
      %shift_right_logical3A_678 = vector.broadcast %shift_right_logical3A_677 : i32 to vector<16xi32>
      %shift_right_logical3A_679 = arith.shrui %bitcast3A_673, %shift_right_logical3A_678 : vector<16xi32>
      %and3A_680 = arith.constant 1 : i32
      %and3A_681 = vector.broadcast %and3A_680 : i32 to vector<16xi32>
      %and3A_682 = arith.andi %shift_right_logical3A_679, %and3A_681 : vector<16xi32>
      %add3A_683 = arith.addi %add3A_676, %and3A_682 : vector<16xi32>
      %and3A_684 = arith.constant -65536 : i32
      %and3A_685 = vector.broadcast %and3A_684 : i32 to vector<16xi32>
      %and3A_686 = arith.andi %add3A_683, %and3A_685 : vector<16xi32>
      %bitcast3A_687 = vector.bitcast %and3A_686 : vector<16xi32> to vector<16xf32>
      %mul3A_688 = arith.mulf %gather3A, %bitcast3A_687 : vector<16xf32>
      %add3A_689 = arith.addf %scan3A_648, %mul3A_688 : vector<16xf32>
      %get3A_690 = arith.index_cast %scan3A_646 : i32 to index
      %get3A_691 = arith.constant 32 : index
      %get3A_692 = tpu.vector_load %arg13[%get3A_690, %get3A_691] {strides = array<i32>} : memref<16x64xf32, #tpu.memory_space<vmem>>, vector<16xf32>,
      %bitcast3A_693 = vector.bitcast %get3A_692 : vector<16xf32> to vector<16xi32>
      %add3A_694 = arith.constant 32767 : i32
      %add3A_695 = vector.broadcast %add3A_694 : i32 to vector<16xi32>
      %add3A_696 = arith.addi %bitcast3A_693, %add3A_695 : vector<16xi32>
      %shift_right_logical3A_697 = arith.constant 16 : i32
      %shift_right_logical3A_698 = vector.broadcast %shift_right_logical3A_697 : i32 to vector<16xi32>
      %shift_right_logical3A_699 = arith.shrui %bitcast3A_693, %shift_right_logical3A_698 : vector<16xi32>
      %and3A_700 = arith.constant 1 : i32
      %and3A_701 = vector.broadcast %and3A_700 : i32 to vector<16xi32>
      %and3A_702 = arith.andi %shift_right_logical3A_699, %and3A_701 : vector<16xi32>
      %add3A_703 = arith.addi %add3A_696, %and3A_702 : vector<16xi32>
      %and3A_704 = arith.constant -65536 : i32
      %and3A_705 = vector.broadcast %and3A_704 : i32 to vector<16xi32>
      %and3A_706 = arith.andi %add3A_703, %and3A_705 : vector<16xi32>
      %bitcast3A_707 = vector.bitcast %and3A_706 : vector<16xi32> to vector<16xf32>
      %mul3A_708 = arith.mulf %gather3A, %bitcast3A_707 : vector<16xf32>
      %add3A_709 = arith.addf %scan3A_649, %mul3A_708 : vector<16xf32>
      %get3A_710 = arith.index_cast %scan3A_646 : i32 to index
      %get3A_711 = arith.constant 48 : index
      %get3A_712 = tpu.vector_load %arg13[%get3A_710, %get3A_711] {strides = array<i32>} : memref<16x64xf32, #tpu.memory_space<vmem>>, vector<16xf32>,
      %bitcast3A_713 = vector.bitcast %get3A_712 : vector<16xf32> to vector<16xi32>
      %add3A_714 = arith.constant 32767 : i32
      %add3A_715 = vector.broadcast %add3A_714 : i32 to vector<16xi32>
      %add3A_716 = arith.addi %bitcast3A_713, %add3A_715 : vector<16xi32>
      %shift_right_logical3A_717 = arith.constant 16 : i32
      %shift_right_logical3A_718 = vector.broadcast %shift_right_logical3A_717 : i32 to vector<16xi32>
      %shift_right_logical3A_719 = arith.shrui %bitcast3A_713, %shift_right_logical3A_718 : vector<16xi32>
      %and3A_720 = arith.constant 1 : i32
      %and3A_721 = vector.broadcast %and3A_720 : i32 to vector<16xi32>
      %and3A_722 = arith.andi %shift_right_logical3A_719, %and3A_721 : vector<16xi32>
      %add3A_723 = arith.addi %add3A_716, %and3A_722 : vector<16xi32>
      %and3A_724 = arith.constant -65536 : i32
      %and3A_725 = vector.broadcast %and3A_724 : i32 to vector<16xi32>
      %and3A_726 = arith.andi %add3A_723, %and3A_725 : vector<16xi32>
      %bitcast3A_727 = vector.bitcast %and3A_726 : vector<16xi32> to vector<16xf32>
      %mul3A_728 = arith.mulf %gather3A, %bitcast3A_727 : vector<16xf32>
      %add3A_729 = arith.addf %scan3A_650, %mul3A_728 : vector<16xf32>
      scf.yield %add3A_669, %add3A_689, %add3A_709, %add3A_729 : vector<16xf32>, vector<16xf32>, vector<16xf32>, vector<16xf32>
    }
    %scan3A_233 = arith.constant 16 : i32
    %swap3A_234 = arith.constant 0 : index
    %swap3A_235 = tpu.vector_load %arg19[%swap3A_234] {strides = array<i32>} : memref<64xf32, #tpu.memory_space<vmem>>, vector<16xf32>,
    tpu.vector_store %arg19[%swap3A_234], %scan3A_232#0 {strides = array<i32>} : memref<64xf32, #tpu.memory_space<vmem>>, vector<16xf32>,
    %swap3A_236 = arith.constant 16 : index
    %swap3A_237 = tpu.vector_load %arg19[%swap3A_236] {strides = array<i32>} : memref<64xf32, #tpu.memory_space<vmem>>, vector<16xf32>,
    tpu.vector_store %arg19[%swap3A_236], %scan3A_232#1 {strides = array<i32>} : memref<64xf32, #tpu.memory_space<vmem>>, vector<16xf32>,
    %swap3A_238 = arith.constant 32 : index
    %swap3A_239 = tpu.vector_load %arg19[%swap3A_238] {strides = array<i32>} : memref<64xf32, #tpu.memory_space<vmem>>, vector<16xf32>,
    tpu.vector_store %arg19[%swap3A_238], %scan3A_232#2 {strides = array<i32>} : memref<64xf32, #tpu.memory_space<vmem>>, vector<16xf32>,
    %swap3A_240 = arith.constant 48 : index
    %swap3A_241 = tpu.vector_load %arg19[%swap3A_240] {strides = array<i32>} : memref<64xf32, #tpu.memory_space<vmem>>, vector<16xf32>,
    tpu.vector_store %arg19[%swap3A_240], %scan3A_232#3 {strides = array<i32>} : memref<64xf32, #tpu.memory_space<vmem>>, vector<16xf32>,
    "tpu.region"() ({
      %run_scoped3A = tpu.sem_alloc : memref<!tpu.dma_semaphore, #tpu.memory_space<semaphore_mem>>
      %dma_start3A_646 = arith.constant 256 : i32
      %dma_start3A_647 = tpu.memref_slice %arg28[%arg1, %dma_start3A_646] : memref<16x10240xf32, #tpu.memory_space<vmem_shared>> -> memref<1x64xf32, #tpu.memory_space<vmem_shared>>
      %dma_start3A_648 = tpu.memref_squeeze %dma_start3A_647 : memref<1x64xf32, #tpu.memory_space<vmem_shared>> -> memref<64xf32, #tpu.memory_space<vmem_shared>>
      %dma_start3A_649 = arith.constant 256 : i32
      %dma_start3A_650 = tpu.memref_slice %arg28[%arg1, %dma_start3A_649] : memref<16x10240xf32, #tpu.memory_space<vmem_shared>> -> memref<1x64xf32, #tpu.memory_space<vmem_shared>>
      %dma_start3A_651 = tpu.memref_squeeze %dma_start3A_650 : memref<1x64xf32, #tpu.memory_space<vmem_shared>> -> memref<64xf32, #tpu.memory_space<vmem_shared>>
      tpu.enqueue_dma source(%arg19 : memref<64xf32, #tpu.memory_space<vmem>>) target(%dma_start3A_651 : memref<64xf32, #tpu.memory_space<vmem_shared>>) target_semaphore(%run_scoped3A : memref<!tpu.dma_semaphore, #tpu.memory_space<semaphore_mem>>)
      %dma_wait3A_652 = arith.constant 256 : i32
      %dma_wait3A_653 = tpu.memref_slice %arg28[%arg1, %dma_wait3A_652] : memref<16x10240xf32, #tpu.memory_space<vmem_shared>> -> memref<1x64xf32, #tpu.memory_space<vmem_shared>>
      %dma_wait3A_654 = tpu.memref_squeeze %dma_wait3A_653 : memref<1x64xf32, #tpu.memory_space<vmem_shared>> -> memref<64xf32, #tpu.memory_space<vmem_shared>>
      %dma_wait3A_655 = arith.constant 256 : i32
      %dma_wait3A_656 = tpu.memref_slice %arg28[%arg1, %dma_wait3A_655] : memref<16x10240xf32, #tpu.memory_space<vmem_shared>> -> memref<1x64xf32, #tpu.memory_space<vmem_shared>>
      %dma_wait3A_657 = tpu.memref_squeeze %dma_wait3A_656 : memref<1x64xf32, #tpu.memory_space<vmem_shared>> -> memref<64xf32, #tpu.memory_space<vmem_shared>>
      tpu.wait_dma2 semaphore(%run_scoped3A : memref<!tpu.dma_semaphore, #tpu.memory_space<semaphore_mem>>) src(%arg19 : memref<64xf32, #tpu.memory_space<vmem>>) dst(%dma_wait3A_657 : memref<64xf32, #tpu.memory_space<vmem_shared>>)
      tpu.yield
    }) : () -> ()
    %barrier3A_242 = arith.constant 0 : index
    tpu.barrier barrier_id(%barrier3A_242)
    "tpu.region"() ({
      %run_scoped3A = tpu.sem_alloc : memref<!tpu.dma_semaphore, #tpu.memory_space<semaphore_mem>>
      %dma_start3A_646 = arith.constant 0 : i32
      %dma_start3A_647 = arith.constant 256 : i32
      %dma_start3A_648 = tpu.memref_slice %arg28[%dma_start3A_646, %dma_start3A_647] : memref<16x10240xf32, #tpu.memory_space<vmem_shared>> -> memref<16x64xf32, #tpu.memory_space<vmem_shared>>
      %dma_start3A_649 = arith.constant 0 : i32
      %dma_start3A_650 = arith.constant 256 : i32
      %dma_start3A_651 = tpu.memref_slice %arg28[%dma_start3A_649, %dma_start3A_650] : memref<16x10240xf32, #tpu.memory_space<vmem_shared>> -> memref<16x64xf32, #tpu.memory_space<vmem_shared>>
      tpu.enqueue_dma source(%dma_start3A_651 : memref<16x64xf32, #tpu.memory_space<vmem_shared>>) target(%arg18 : memref<16x64xf32, #tpu.memory_space<vmem>>) target_semaphore(%run_scoped3A : memref<!tpu.dma_semaphore, #tpu.memory_space<semaphore_mem>>)
      %dma_wait3A_652 = arith.constant 0 : i32
      %dma_wait3A_653 = arith.constant 256 : i32
      %dma_wait3A_654 = tpu.memref_slice %arg28[%dma_wait3A_652, %dma_wait3A_653] : memref<16x10240xf32, #tpu.memory_space<vmem_shared>> -> memref<16x64xf32, #tpu.memory_space<vmem_shared>>
      %dma_wait3A_655 = arith.constant 0 : i32
      %dma_wait3A_656 = arith.constant 256 : i32
      %dma_wait3A_657 = tpu.memref_slice %arg28[%dma_wait3A_655, %dma_wait3A_656] : memref<16x10240xf32, #tpu.memory_space<vmem_shared>> -> memref<16x64xf32, #tpu.memory_space<vmem_shared>>
      tpu.wait_dma2 semaphore(%run_scoped3A : memref<!tpu.dma_semaphore, #tpu.memory_space<semaphore_mem>>) src(%dma_wait3A_657 : memref<16x64xf32, #tpu.memory_space<vmem_shared>>) dst(%arg18 : memref<16x64xf32, #tpu.memory_space<vmem>>)
      tpu.yield
    }) : () -> ()
    %get3A_243 = arith.constant 0 : i32
    %get3A_244 = arith.index_cast %get3A_243 : i32 to index
    %get3A_245 = arith.constant 0 : index
    %get3A_246 = tpu.vector_load %arg18[%get3A_244, %get3A_245] {strides = array<i32>} : memref<16x64xf32, #tpu.memory_space<vmem>>, vector<16xf32>,
    %get3A_247 = arith.constant 1 : i32
    %get3A_248 = arith.index_cast %get3A_247 : i32 to index
    %get3A_249 = arith.constant 0 : index
    %get3A_250 = tpu.vector_load %arg18[%get3A_248, %get3A_249] {strides = array<i32>} : memref<16x64xf32, #tpu.memory_space<vmem>>, vector<16xf32>,
    %add3A_251 = arith.addf %get3A_246, %get3A_250 : vector<16xf32>
    %get3A_252 = arith.constant 2 : i32
    %get3A_253 = arith.index_cast %get3A_252 : i32 to index
    %get3A_254 = arith.constant 0 : index
    %get3A_255 = tpu.vector_load %arg18[%get3A_253, %get3A_254] {strides = array<i32>} : memref<16x64xf32, #tpu.memory_space<vmem>>, vector<16xf32>,
    %add3A_256 = arith.addf %add3A_251, %get3A_255 : vector<16xf32>
    %get3A_257 = arith.constant 3 : i32
    %get3A_258 = arith.index_cast %get3A_257 : i32 to index
    %get3A_259 = arith.constant 0 : index
    %get3A_260 = tpu.vector_load %arg18[%get3A_258, %get3A_259] {strides = array<i32>} : memref<16x64xf32, #tpu.memory_space<vmem>>, vector<16xf32>,
    %add3A_261 = arith.addf %add3A_256, %get3A_260 : vector<16xf32>
    %get3A_262 = arith.constant 4 : i32
    %get3A_263 = arith.index_cast %get3A_262 : i32 to index
    %get3A_264 = arith.constant 0 : index
    %get3A_265 = tpu.vector_load %arg18[%get3A_263, %get3A_264] {strides = array<i32>} : memref<16x64xf32, #tpu.memory_space<vmem>>, vector<16xf32>,
    %add3A_266 = arith.addf %add3A_261, %get3A_265 : vector<16xf32>
    %get3A_267 = arith.constant 5 : i32
    %get3A_268 = arith.index_cast %get3A_267 : i32 to index
    %get3A_269 = arith.constant 0 : index
    %get3A_270 = tpu.vector_load %arg18[%get3A_268, %get3A_269] {strides = array<i32>} : memref<16x64xf32, #tpu.memory_space<vmem>>, vector<16xf32>,
    %add3A_271 = arith.addf %add3A_266, %get3A_270 : vector<16xf32>
    %get3A_272 = arith.constant 6 : i32
    %get3A_273 = arith.index_cast %get3A_272 : i32 to index
    %get3A_274 = arith.constant 0 : index
    %get3A_275 = tpu.vector_load %arg18[%get3A_273, %get3A_274] {strides = array<i32>} : memref<16x64xf32, #tpu.memory_space<vmem>>, vector<16xf32>,
    %add3A_276 = arith.addf %add3A_271, %get3A_275 : vector<16xf32>
    %get3A_277 = arith.constant 7 : i32
    %get3A_278 = arith.index_cast %get3A_277 : i32 to index
    %get3A_279 = arith.constant 0 : index
    %get3A_280 = tpu.vector_load %arg18[%get3A_278, %get3A_279] {strides = array<i32>} : memref<16x64xf32, #tpu.memory_space<vmem>>, vector<16xf32>,
    %add3A_281 = arith.addf %add3A_276, %get3A_280 : vector<16xf32>
    %get3A_282 = arith.constant 8 : i32
    %get3A_283 = arith.index_cast %get3A_282 : i32 to index
    %get3A_284 = arith.constant 0 : index
    %get3A_285 = tpu.vector_load %arg18[%get3A_283, %get3A_284] {strides = array<i32>} : memref<16x64xf32, #tpu.memory_space<vmem>>, vector<16xf32>,
    %add3A_286 = arith.addf %add3A_281, %get3A_285 : vector<16xf32>
    %get3A_287 = arith.constant 9 : i32
    %get3A_288 = arith.index_cast %get3A_287 : i32 to index
    %get3A_289 = arith.constant 0 : index
    %get3A_290 = tpu.vector_load %arg18[%get3A_288, %get3A_289] {strides = array<i32>} : memref<16x64xf32, #tpu.memory_space<vmem>>, vector<16xf32>,
    %add3A_291 = arith.addf %add3A_286, %get3A_290 : vector<16xf32>
    %get3A_292 = arith.constant 10 : i32
    %get3A_293 = arith.index_cast %get3A_292 : i32 to index
    %get3A_294 = arith.constant 0 : index
    %get3A_295 = tpu.vector_load %arg18[%get3A_293, %get3A_294] {strides = array<i32>} : memref<16x64xf32, #tpu.memory_space<vmem>>, vector<16xf32>,
    %add3A_296 = arith.addf %add3A_291, %get3A_295 : vector<16xf32>
    %get3A_297 = arith.constant 11 : i32
    %get3A_298 = arith.index_cast %get3A_297 : i32 to index
    %get3A_299 = arith.constant 0 : index
    %get3A_300 = tpu.vector_load %arg18[%get3A_298, %get3A_299] {strides = array<i32>} : memref<16x64xf32, #tpu.memory_space<vmem>>, vector<16xf32>,
    %add3A_301 = arith.addf %add3A_296, %get3A_300 : vector<16xf32>
    %get3A_302 = arith.constant 12 : i32
    %get3A_303 = arith.index_cast %get3A_302 : i32 to index
    %get3A_304 = arith.constant 0 : index
    %get3A_305 = tpu.vector_load %arg18[%get3A_303, %get3A_304] {strides = array<i32>} : memref<16x64xf32, #tpu.memory_space<vmem>>, vector<16xf32>,
    %add3A_306 = arith.addf %add3A_301, %get3A_305 : vector<16xf32>
    %get3A_307 = arith.constant 13 : i32
    %get3A_308 = arith.index_cast %get3A_307 : i32 to index
    %get3A_309 = arith.constant 0 : index
    %get3A_310 = tpu.vector_load %arg18[%get3A_308, %get3A_309] {strides = array<i32>} : memref<16x64xf32, #tpu.memory_space<vmem>>, vector<16xf32>,
    %add3A_311 = arith.addf %add3A_306, %get3A_310 : vector<16xf32>
    %get3A_312 = arith.constant 14 : i32
    %get3A_313 = arith.index_cast %get3A_312 : i32 to index
    %get3A_314 = arith.constant 0 : index
    %get3A_315 = tpu.vector_load %arg18[%get3A_313, %get3A_314] {strides = array<i32>} : memref<16x64xf32, #tpu.memory_space<vmem>>, vector<16xf32>,
    %add3A_316 = arith.addf %add3A_311, %get3A_315 : vector<16xf32>
    %get3A_317 = arith.constant 15 : i32
    %get3A_318 = arith.index_cast %get3A_317 : i32 to index
    %get3A_319 = arith.constant 0 : index
    %get3A_320 = tpu.vector_load %arg18[%get3A_318, %get3A_319] {strides = array<i32>} : memref<16x64xf32, #tpu.memory_space<vmem>>, vector<16xf32>,
    %add3A_321 = arith.addf %add3A_316, %get3A_320 : vector<16xf32>
    %max3A_322 = arith.constant 0.000000e+00 : f32
    %max3A_323 = vector.broadcast %max3A_322 : f32 to vector<16xf32>
    %max3A_324 = arith.maximumf %add3A_321, %max3A_323 : vector<16xf32>
    %swap3A_325 = arith.constant 0 : index
    %swap3A_326 = tpu.vector_load %arg19[%swap3A_325] {strides = array<i32>} : memref<64xf32, #tpu.memory_space<vmem>>, vector<16xf32>,
    tpu.vector_store %arg19[%swap3A_325], %max3A_324 {strides = array<i32>} : memref<64xf32, #tpu.memory_space<vmem>>, vector<16xf32>,
    %get3A_327 = arith.constant 0 : i32
    %get3A_328 = arith.index_cast %get3A_327 : i32 to index
    %get3A_329 = arith.constant 16 : index
    %get3A_330 = tpu.vector_load %arg18[%get3A_328, %get3A_329] {strides = array<i32>} : memref<16x64xf32, #tpu.memory_space<vmem>>, vector<16xf32>,
    %get3A_331 = arith.constant 1 : i32
    %get3A_332 = arith.index_cast %get3A_331 : i32 to index
    %get3A_333 = arith.constant 16 : index
    %get3A_334 = tpu.vector_load %arg18[%get3A_332, %get3A_333] {strides = array<i32>} : memref<16x64xf32, #tpu.memory_space<vmem>>, vector<16xf32>,
    %add3A_335 = arith.addf %get3A_330, %get3A_334 : vector<16xf32>
    %get3A_336 = arith.constant 2 : i32
    %get3A_337 = arith.index_cast %get3A_336 : i32 to index
    %get3A_338 = arith.constant 16 : index
    %get3A_339 = tpu.vector_load %arg18[%get3A_337, %get3A_338] {strides = array<i32>} : memref<16x64xf32, #tpu.memory_space<vmem>>, vector<16xf32>,
    %add3A_340 = arith.addf %add3A_335, %get3A_339 : vector<16xf32>
    %get3A_341 = arith.constant 3 : i32
    %get3A_342 = arith.index_cast %get3A_341 : i32 to index
    %get3A_343 = arith.constant 16 : index
    %get3A_344 = tpu.vector_load %arg18[%get3A_342, %get3A_343] {strides = array<i32>} : memref<16x64xf32, #tpu.memory_space<vmem>>, vector<16xf32>,
    %add3A_345 = arith.addf %add3A_340, %get3A_344 : vector<16xf32>
    %get3A_346 = arith.constant 4 : i32
    %get3A_347 = arith.index_cast %get3A_346 : i32 to index
    %get3A_348 = arith.constant 16 : index
    %get3A_349 = tpu.vector_load %arg18[%get3A_347, %get3A_348] {strides = array<i32>} : memref<16x64xf32, #tpu.memory_space<vmem>>, vector<16xf32>,
    %add3A_350 = arith.addf %add3A_345, %get3A_349 : vector<16xf32>
    %get3A_351 = arith.constant 5 : i32
    %get3A_352 = arith.index_cast %get3A_351 : i32 to index
    %get3A_353 = arith.constant 16 : index
    %get3A_354 = tpu.vector_load %arg18[%get3A_352, %get3A_353] {strides = array<i32>} : memref<16x64xf32, #tpu.memory_space<vmem>>, vector<16xf32>,
    %add3A_355 = arith.addf %add3A_350, %get3A_354 : vector<16xf32>
    %get3A_356 = arith.constant 6 : i32
    %get3A_357 = arith.index_cast %get3A_356 : i32 to index
    %get3A_358 = arith.constant 16 : index
    %get3A_359 = tpu.vector_load %arg18[%get3A_357, %get3A_358] {strides = array<i32>} : memref<16x64xf32, #tpu.memory_space<vmem>>, vector<16xf32>,
    %add3A_360 = arith.addf %add3A_355, %get3A_359 : vector<16xf32>
    %get3A_361 = arith.constant 7 : i32
    %get3A_362 = arith.index_cast %get3A_361 : i32 to index
    %get3A_363 = arith.constant 16 : index
    %get3A_364 = tpu.vector_load %arg18[%get3A_362, %get3A_363] {strides = array<i32>} : memref<16x64xf32, #tpu.memory_space<vmem>>, vector<16xf32>,
    %add3A_365 = arith.addf %add3A_360, %get3A_364 : vector<16xf32>
    %get3A_366 = arith.constant 8 : i32
    %get3A_367 = arith.index_cast %get3A_366 : i32 to index
    %get3A_368 = arith.constant 16 : index
    %get3A_369 = tpu.vector_load %arg18[%get3A_367, %get3A_368] {strides = array<i32>} : memref<16x64xf32, #tpu.memory_space<vmem>>, vector<16xf32>,
    %add3A_370 = arith.addf %add3A_365, %get3A_369 : vector<16xf32>
    %get3A_371 = arith.constant 9 : i32
    %get3A_372 = arith.index_cast %get3A_371 : i32 to index
    %get3A_373 = arith.constant 16 : index
    %get3A_374 = tpu.vector_load %arg18[%get3A_372, %get3A_373] {strides = array<i32>} : memref<16x64xf32, #tpu.memory_space<vmem>>, vector<16xf32>,
    %add3A_375 = arith.addf %add3A_370, %get3A_374 : vector<16xf32>
    %get3A_376 = arith.constant 10 : i32
    %get3A_377 = arith.index_cast %get3A_376 : i32 to index
    %get3A_378 = arith.constant 16 : index
    %get3A_379 = tpu.vector_load %arg18[%get3A_377, %get3A_378] {strides = array<i32>} : memref<16x64xf32, #tpu.memory_space<vmem>>, vector<16xf32>,
    %add3A_380 = arith.addf %add3A_375, %get3A_379 : vector<16xf32>
    %get3A_381 = arith.constant 11 : i32
    %get3A_382 = arith.index_cast %get3A_381 : i32 to index
    %get3A_383 = arith.constant 16 : index
    %get3A_384 = tpu.vector_load %arg18[%get3A_382, %get3A_383] {strides = array<i32>} : memref<16x64xf32, #tpu.memory_space<vmem>>, vector<16xf32>,
    %add3A_385 = arith.addf %add3A_380, %get3A_384 : vector<16xf32>
    %get3A_386 = arith.constant 12 : i32
    %get3A_387 = arith.index_cast %get3A_386 : i32 to index
    %get3A_388 = arith.constant 16 : index
    %get3A_389 = tpu.vector_load %arg18[%get3A_387, %get3A_388] {strides = array<i32>} : memref<16x64xf32, #tpu.memory_space<vmem>>, vector<16xf32>,
    %add3A_390 = arith.addf %add3A_385, %get3A_389 : vector<16xf32>
    %get3A_391 = arith.constant 13 : i32
    %get3A_392 = arith.index_cast %get3A_391 : i32 to index
    %get3A_393 = arith.constant 16 : index
    %get3A_394 = tpu.vector_load %arg18[%get3A_392, %get3A_393] {strides = array<i32>} : memref<16x64xf32, #tpu.memory_space<vmem>>, vector<16xf32>,
    %add3A_395 = arith.addf %add3A_390, %get3A_394 : vector<16xf32>
    %get3A_396 = arith.constant 14 : i32
    %get3A_397 = arith.index_cast %get3A_396 : i32 to index
    %get3A_398 = arith.constant 16 : index
    %get3A_399 = tpu.vector_load %arg18[%get3A_397, %get3A_398] {strides = array<i32>} : memref<16x64xf32, #tpu.memory_space<vmem>>, vector<16xf32>,
    %add3A_400 = arith.addf %add3A_395, %get3A_399 : vector<16xf32>
    %get3A_401 = arith.constant 15 : i32
    %get3A_402 = arith.index_cast %get3A_401 : i32 to index
    %get3A_403 = arith.constant 16 : index
    %get3A_404 = tpu.vector_load %arg18[%get3A_402, %get3A_403] {strides = array<i32>} : memref<16x64xf32, #tpu.memory_space<vmem>>, vector<16xf32>,
    %add3A_405 = arith.addf %add3A_400, %get3A_404 : vector<16xf32>
    %max3A_406 = arith.constant 0.000000e+00 : f32
    %max3A_407 = vector.broadcast %max3A_406 : f32 to vector<16xf32>
    %max3A_408 = arith.maximumf %add3A_405, %max3A_407 : vector<16xf32>
    %swap3A_409 = arith.constant 16 : index
    %swap3A_410 = tpu.vector_load %arg19[%swap3A_409] {strides = array<i32>} : memref<64xf32, #tpu.memory_space<vmem>>, vector<16xf32>,
    tpu.vector_store %arg19[%swap3A_409], %max3A_408 {strides = array<i32>} : memref<64xf32, #tpu.memory_space<vmem>>, vector<16xf32>,
    %get3A_411 = arith.constant 0 : i32
    %get3A_412 = arith.index_cast %get3A_411 : i32 to index
    %get3A_413 = arith.constant 32 : index
    %get3A_414 = tpu.vector_load %arg18[%get3A_412, %get3A_413] {strides = array<i32>} : memref<16x64xf32, #tpu.memory_space<vmem>>, vector<16xf32>,
    %get3A_415 = arith.constant 1 : i32
    %get3A_416 = arith.index_cast %get3A_415 : i32 to index
    %get3A_417 = arith.constant 32 : index
    %get3A_418 = tpu.vector_load %arg18[%get3A_416, %get3A_417] {strides = array<i32>} : memref<16x64xf32, #tpu.memory_space<vmem>>, vector<16xf32>,
    %add3A_419 = arith.addf %get3A_414, %get3A_418 : vector<16xf32>
    %get3A_420 = arith.constant 2 : i32
    %get3A_421 = arith.index_cast %get3A_420 : i32 to index
    %get3A_422 = arith.constant 32 : index
    %get3A_423 = tpu.vector_load %arg18[%get3A_421, %get3A_422] {strides = array<i32>} : memref<16x64xf32, #tpu.memory_space<vmem>>, vector<16xf32>,
    %add3A_424 = arith.addf %add3A_419, %get3A_423 : vector<16xf32>
    %get3A_425 = arith.constant 3 : i32
    %get3A_426 = arith.index_cast %get3A_425 : i32 to index
    %get3A_427 = arith.constant 32 : index
    %get3A_428 = tpu.vector_load %arg18[%get3A_426, %get3A_427] {strides = array<i32>} : memref<16x64xf32, #tpu.memory_space<vmem>>, vector<16xf32>,
    %add3A_429 = arith.addf %add3A_424, %get3A_428 : vector<16xf32>
    %get3A_430 = arith.constant 4 : i32
    %get3A_431 = arith.index_cast %get3A_430 : i32 to index
    %get3A_432 = arith.constant 32 : index
    %get3A_433 = tpu.vector_load %arg18[%get3A_431, %get3A_432] {strides = array<i32>} : memref<16x64xf32, #tpu.memory_space<vmem>>, vector<16xf32>,
    %add3A_434 = arith.addf %add3A_429, %get3A_433 : vector<16xf32>
    %get3A_435 = arith.constant 5 : i32
    %get3A_436 = arith.index_cast %get3A_435 : i32 to index
    %get3A_437 = arith.constant 32 : index
    %get3A_438 = tpu.vector_load %arg18[%get3A_436, %get3A_437] {strides = array<i32>} : memref<16x64xf32, #tpu.memory_space<vmem>>, vector<16xf32>,
    %add3A_439 = arith.addf %add3A_434, %get3A_438 : vector<16xf32>
    %get3A_440 = arith.constant 6 : i32
    %get3A_441 = arith.index_cast %get3A_440 : i32 to index
    %get3A_442 = arith.constant 32 : index
    %get3A_443 = tpu.vector_load %arg18[%get3A_441, %get3A_442] {strides = array<i32>} : memref<16x64xf32, #tpu.memory_space<vmem>>, vector<16xf32>,
    %add3A_444 = arith.addf %add3A_439, %get3A_443 : vector<16xf32>
    %get3A_445 = arith.constant 7 : i32
    %get3A_446 = arith.index_cast %get3A_445 : i32 to index
    %get3A_447 = arith.constant 32 : index
    %get3A_448 = tpu.vector_load %arg18[%get3A_446, %get3A_447] {strides = array<i32>} : memref<16x64xf32, #tpu.memory_space<vmem>>, vector<16xf32>,
    %add3A_449 = arith.addf %add3A_444, %get3A_448 : vector<16xf32>
    %get3A_450 = arith.constant 8 : i32
    %get3A_451 = arith.index_cast %get3A_450 : i32 to index
    %get3A_452 = arith.constant 32 : index
    %get3A_453 = tpu.vector_load %arg18[%get3A_451, %get3A_452] {strides = array<i32>} : memref<16x64xf32, #tpu.memory_space<vmem>>, vector<16xf32>,
    %add3A_454 = arith.addf %add3A_449, %get3A_453 : vector<16xf32>
    %get3A_455 = arith.constant 9 : i32
    %get3A_456 = arith.index_cast %get3A_455 : i32 to index
    %get3A_457 = arith.constant 32 : index
    %get3A_458 = tpu.vector_load %arg18[%get3A_456, %get3A_457] {strides = array<i32>} : memref<16x64xf32, #tpu.memory_space<vmem>>, vector<16xf32>,
    %add3A_459 = arith.addf %add3A_454, %get3A_458 : vector<16xf32>
    %get3A_460 = arith.constant 10 : i32
    %get3A_461 = arith.index_cast %get3A_460 : i32 to index
    %get3A_462 = arith.constant 32 : index
    %get3A_463 = tpu.vector_load %arg18[%get3A_461, %get3A_462] {strides = array<i32>} : memref<16x64xf32, #tpu.memory_space<vmem>>, vector<16xf32>,
    %add3A_464 = arith.addf %add3A_459, %get3A_463 : vector<16xf32>
    %get3A_465 = arith.constant 11 : i32
    %get3A_466 = arith.index_cast %get3A_465 : i32 to index
    %get3A_467 = arith.constant 32 : index
    %get3A_468 = tpu.vector_load %arg18[%get3A_466, %get3A_467] {strides = array<i32>} : memref<16x64xf32, #tpu.memory_space<vmem>>, vector<16xf32>,
    %add3A_469 = arith.addf %add3A_464, %get3A_468 : vector<16xf32>
    %get3A_470 = arith.constant 12 : i32
    %get3A_471 = arith.index_cast %get3A_470 : i32 to index
    %get3A_472 = arith.constant 32 : index
    %get3A_473 = tpu.vector_load %arg18[%get3A_471, %get3A_472] {strides = array<i32>} : memref<16x64xf32, #tpu.memory_space<vmem>>, vector<16xf32>,
    %add3A_474 = arith.addf %add3A_469, %get3A_473 : vector<16xf32>
    %get3A_475 = arith.constant 13 : i32
    %get3A_476 = arith.index_cast %get3A_475 : i32 to index
    %get3A_477 = arith.constant 32 : index
    %get3A_478 = tpu.vector_load %arg18[%get3A_476, %get3A_477] {strides = array<i32>} : memref<16x64xf32, #tpu.memory_space<vmem>>, vector<16xf32>,
    %add3A_479 = arith.addf %add3A_474, %get3A_478 : vector<16xf32>
    %get3A_480 = arith.constant 14 : i32
    %get3A_481 = arith.index_cast %get3A_480 : i32 to index
    %get3A_482 = arith.constant 32 : index
    %get3A_483 = tpu.vector_load %arg18[%get3A_481, %get3A_482] {strides = array<i32>} : memref<16x64xf32, #tpu.memory_space<vmem>>, vector<16xf32>,
    %add3A_484 = arith.addf %add3A_479, %get3A_483 : vector<16xf32>
    %get3A_485 = arith.constant 15 : i32
    %get3A_486 = arith.index_cast %get3A_485 : i32 to index
    %get3A_487 = arith.constant 32 : index
    %get3A_488 = tpu.vector_load %arg18[%get3A_486, %get3A_487] {strides = array<i32>} : memref<16x64xf32, #tpu.memory_space<vmem>>, vector<16xf32>,
    %add3A_489 = arith.addf %add3A_484, %get3A_488 : vector<16xf32>
    %max3A_490 = arith.constant 0.000000e+00 : f32
    %max3A_491 = vector.broadcast %max3A_490 : f32 to vector<16xf32>
    %max3A_492 = arith.maximumf %add3A_489, %max3A_491 : vector<16xf32>
    %swap3A_493 = arith.constant 32 : index
    %swap3A_494 = tpu.vector_load %arg19[%swap3A_493] {strides = array<i32>} : memref<64xf32, #tpu.memory_space<vmem>>, vector<16xf32>,
    tpu.vector_store %arg19[%swap3A_493], %max3A_492 {strides = array<i32>} : memref<64xf32, #tpu.memory_space<vmem>>, vector<16xf32>,
    %get3A_495 = arith.constant 0 : i32
    %get3A_496 = arith.index_cast %get3A_495 : i32 to index
    %get3A_497 = arith.constant 48 : index
    %get3A_498 = tpu.vector_load %arg18[%get3A_496, %get3A_497] {strides = array<i32>} : memref<16x64xf32, #tpu.memory_space<vmem>>, vector<16xf32>,
    %get3A_499 = arith.constant 1 : i32
    %get3A_500 = arith.index_cast %get3A_499 : i32 to index
    %get3A_501 = arith.constant 48 : index
    %get3A_502 = tpu.vector_load %arg18[%get3A_500, %get3A_501] {strides = array<i32>} : memref<16x64xf32, #tpu.memory_space<vmem>>, vector<16xf32>,
    %add3A_503 = arith.addf %get3A_498, %get3A_502 : vector<16xf32>
    %get3A_504 = arith.constant 2 : i32
    %get3A_505 = arith.index_cast %get3A_504 : i32 to index
    %get3A_506 = arith.constant 48 : index
    %get3A_507 = tpu.vector_load %arg18[%get3A_505, %get3A_506] {strides = array<i32>} : memref<16x64xf32, #tpu.memory_space<vmem>>, vector<16xf32>,
    %add3A_508 = arith.addf %add3A_503, %get3A_507 : vector<16xf32>
    %get3A_509 = arith.constant 3 : i32
    %get3A_510 = arith.index_cast %get3A_509 : i32 to index
    %get3A_511 = arith.constant 48 : index
    %get3A_512 = tpu.vector_load %arg18[%get3A_510, %get3A_511] {strides = array<i32>} : memref<16x64xf32, #tpu.memory_space<vmem>>, vector<16xf32>,
    %add3A_513 = arith.addf %add3A_508, %get3A_512 : vector<16xf32>
    %get3A_514 = arith.constant 4 : i32
    %get3A_515 = arith.index_cast %get3A_514 : i32 to index
    %get3A_516 = arith.constant 48 : index
    %get3A_517 = tpu.vector_load %arg18[%get3A_515, %get3A_516] {strides = array<i32>} : memref<16x64xf32, #tpu.memory_space<vmem>>, vector<16xf32>,
    %add3A_518 = arith.addf %add3A_513, %get3A_517 : vector<16xf32>
    %get3A_519 = arith.constant 5 : i32
    %get3A_520 = arith.index_cast %get3A_519 : i32 to index
    %get3A_521 = arith.constant 48 : index
    %get3A_522 = tpu.vector_load %arg18[%get3A_520, %get3A_521] {strides = array<i32>} : memref<16x64xf32, #tpu.memory_space<vmem>>, vector<16xf32>,
    %add3A_523 = arith.addf %add3A_518, %get3A_522 : vector<16xf32>
    %get3A_524 = arith.constant 6 : i32
    %get3A_525 = arith.index_cast %get3A_524 : i32 to index
    %get3A_526 = arith.constant 48 : index
    %get3A_527 = tpu.vector_load %arg18[%get3A_525, %get3A_526] {strides = array<i32>} : memref<16x64xf32, #tpu.memory_space<vmem>>, vector<16xf32>,
    %add3A_528 = arith.addf %add3A_523, %get3A_527 : vector<16xf32>
    %get3A_529 = arith.constant 7 : i32
    %get3A_530 = arith.index_cast %get3A_529 : i32 to index
    %get3A_531 = arith.constant 48 : index
    %get3A_532 = tpu.vector_load %arg18[%get3A_530, %get3A_531] {strides = array<i32>} : memref<16x64xf32, #tpu.memory_space<vmem>>, vector<16xf32>,
    %add3A_533 = arith.addf %add3A_528, %get3A_532 : vector<16xf32>
    %get3A_534 = arith.constant 8 : i32
    %get3A_535 = arith.index_cast %get3A_534 : i32 to index
    %get3A_536 = arith.constant 48 : index
    %get3A_537 = tpu.vector_load %arg18[%get3A_535, %get3A_536] {strides = array<i32>} : memref<16x64xf32, #tpu.memory_space<vmem>>, vector<16xf32>,
    %add3A_538 = arith.addf %add3A_533, %get3A_537 : vector<16xf32>
    %get3A_539 = arith.constant 9 : i32
    %get3A_540 = arith.index_cast %get3A_539 : i32 to index
    %get3A_541 = arith.constant 48 : index
    %get3A_542 = tpu.vector_load %arg18[%get3A_540, %get3A_541] {strides = array<i32>} : memref<16x64xf32, #tpu.memory_space<vmem>>, vector<16xf32>,
    %add3A_543 = arith.addf %add3A_538, %get3A_542 : vector<16xf32>
    %get3A_544 = arith.constant 10 : i32
    %get3A_545 = arith.index_cast %get3A_544 : i32 to index
    %get3A_546 = arith.constant 48 : index
    %get3A_547 = tpu.vector_load %arg18[%get3A_545, %get3A_546] {strides = array<i32>} : memref<16x64xf32, #tpu.memory_space<vmem>>, vector<16xf32>,
    %add3A_548 = arith.addf %add3A_543, %get3A_547 : vector<16xf32>
    %get3A_549 = arith.constant 11 : i32
    %get3A_550 = arith.index_cast %get3A_549 : i32 to index
    %get3A_551 = arith.constant 48 : index
    %get3A_552 = tpu.vector_load %arg18[%get3A_550, %get3A_551] {strides = array<i32>} : memref<16x64xf32, #tpu.memory_space<vmem>>, vector<16xf32>,
    %add3A_553 = arith.addf %add3A_548, %get3A_552 : vector<16xf32>
    %get3A_554 = arith.constant 12 : i32
    %get3A_555 = arith.index_cast %get3A_554 : i32 to index
    %get3A_556 = arith.constant 48 : index
    %get3A_557 = tpu.vector_load %arg18[%get3A_555, %get3A_556] {strides = array<i32>} : memref<16x64xf32, #tpu.memory_space<vmem>>, vector<16xf32>,
    %add3A_558 = arith.addf %add3A_553, %get3A_557 : vector<16xf32>
    %get3A_559 = arith.constant 13 : i32
    %get3A_560 = arith.index_cast %get3A_559 : i32 to index
    %get3A_561 = arith.constant 48 : index
    %get3A_562 = tpu.vector_load %arg18[%get3A_560, %get3A_561] {strides = array<i32>} : memref<16x64xf32, #tpu.memory_space<vmem>>, vector<16xf32>,
    %add3A_563 = arith.addf %add3A_558, %get3A_562 : vector<16xf32>
    %get3A_564 = arith.constant 14 : i32
    %get3A_565 = arith.index_cast %get3A_564 : i32 to index
    %get3A_566 = arith.constant 48 : index
    %get3A_567 = tpu.vector_load %arg18[%get3A_565, %get3A_566] {strides = array<i32>} : memref<16x64xf32, #tpu.memory_space<vmem>>, vector<16xf32>,
    %add3A_568 = arith.addf %add3A_563, %get3A_567 : vector<16xf32>
    %get3A_569 = arith.constant 15 : i32
    %get3A_570 = arith.index_cast %get3A_569 : i32 to index
    %get3A_571 = arith.constant 48 : index
    %get3A_572 = tpu.vector_load %arg18[%get3A_570, %get3A_571] {strides = array<i32>} : memref<16x64xf32, #tpu.memory_space<vmem>>, vector<16xf32>,
    %add3A_573 = arith.addf %add3A_568, %get3A_572 : vector<16xf32>
    %max3A_574 = arith.constant 0.000000e+00 : f32
    %max3A_575 = vector.broadcast %max3A_574 : f32 to vector<16xf32>
    %max3A_576 = arith.maximumf %add3A_573, %max3A_575 : vector<16xf32>
    %swap3A_577 = arith.constant 48 : index
    %swap3A_578 = tpu.vector_load %arg19[%swap3A_577] {strides = array<i32>} : memref<64xf32, #tpu.memory_space<vmem>>, vector<16xf32>,
    tpu.vector_store %arg19[%swap3A_577], %max3A_576 {strides = array<i32>} : memref<64xf32, #tpu.memory_space<vmem>>, vector<16xf32>,
    "tpu.region"() ({
      %run_scoped3A = tpu.sem_alloc : memref<!tpu.dma_semaphore, #tpu.memory_space<semaphore_mem>>
      tpu.enqueue_dma source(%arg5 : memref<640x1xf32, #tpu.memory_space<hbm>>) target(%arg14 : memref<640x1xf32, #tpu.memory_space<vmem>>) target_semaphore(%run_scoped3A : memref<!tpu.dma_semaphore, #tpu.memory_space<semaphore_mem>>)
      tpu.wait_dma2 semaphore(%run_scoped3A : memref<!tpu.dma_semaphore, #tpu.memory_space<semaphore_mem>>) src(%arg5 : memref<640x1xf32, #tpu.memory_space<hbm>>) dst(%arg14 : memref<640x1xf32, #tpu.memory_space<vmem>>)
      tpu.yield
    }) : () -> ()
    %scan3A_579 = arith.constant 0 : i32
    %scan3A_580 = arith.constant 64 : i32
    %scan3A_581 = arith.addi %scan3A_579, %scan3A_580 : i32
    %scan3A_582 = arith.constant 1 : i32
    %scan3A_583 = scf.for %scan3A_646 = %scan3A_579 to %scan3A_581 step %scan3A_582 iter_args(%scan3A_647 = %broadcast_in_dim3A_3) -> (vector<16xf32>)  : i32 {
      %broadcast_in_dim3A_648 = vector.broadcast %scan3A_646 : i32 to vector<16xi32>
      %gather3A = tpu.vector_load_idx %arg19[%broadcast_in_dim3A_648] : memref<64xf32, #tpu.memory_space<vmem>>[vector<16xi32>], vector<16xf32>,
      %mul3A_649 = arith.constant 64 : i32
      %mul3A_650 = vector.broadcast %mul3A_649 : i32 to vector<16xi32>
      %mul3A_651 = arith.muli %iota3A, %mul3A_650 : vector<16xi32>
      %add3A_652 = vector.broadcast %scan3A_646 : i32 to vector<16xi32>
      %add3A_653 = arith.addi %mul3A_651, %add3A_652 : vector<16xi32>
      %min3A = arith.constant 639 : i32
      %min3A_654 = vector.broadcast %min3A : i32 to vector<16xi32>
      %min3A_655 = arith.minsi %add3A_653, %min3A_654 : vector<16xi32>
      %broadcast_in_dim3A_656 = arith.constant 0 : i32
      %broadcast_in_dim3A_657 = vector.broadcast %broadcast_in_dim3A_656 : i32 to vector<16xi32>
      %gather3A_658 = tpu.vector_load_idx %arg14[%min3A_655, %broadcast_in_dim3A_657] : memref<640x1xf32, #tpu.memory_space<vmem>>[vector<16xi32>, vector<16xi32>], vector<16xf32>,
      %bitcast3A = vector.bitcast %gather3A_658 : vector<16xf32> to vector<16xi32>
      %add3A_659 = arith.constant 32767 : i32
      %add3A_660 = vector.broadcast %add3A_659 : i32 to vector<16xi32>
      %add3A_661 = arith.addi %bitcast3A, %add3A_660 : vector<16xi32>
      %shift_right_logical3A = arith.constant 16 : i32
      %shift_right_logical3A_662 = vector.broadcast %shift_right_logical3A : i32 to vector<16xi32>
      %shift_right_logical3A_663 = arith.shrui %bitcast3A, %shift_right_logical3A_662 : vector<16xi32>
      %and3A_664 = arith.constant 1 : i32
      %and3A_665 = vector.broadcast %and3A_664 : i32 to vector<16xi32>
      %and3A_666 = arith.andi %shift_right_logical3A_663, %and3A_665 : vector<16xi32>
      %add3A_667 = arith.addi %add3A_661, %and3A_666 : vector<16xi32>
      %and3A_668 = arith.constant -65536 : i32
      %and3A_669 = vector.broadcast %and3A_668 : i32 to vector<16xi32>
      %and3A_670 = arith.andi %add3A_667, %and3A_669 : vector<16xi32>
      %bitcast3A_671 = vector.bitcast %and3A_670 : vector<16xi32> to vector<16xf32>
      %mul3A_672 = arith.mulf %gather3A, %bitcast3A_671 : vector<16xf32>
      %add3A_673 = arith.addf %scan3A_647, %mul3A_672 : vector<16xf32>
      scf.yield %add3A_673 : vector<16xf32>
    }
    %scan3A_584 = arith.constant 64 : i32
    %swap3A_585 = arith.constant 0 : index
    %swap3A_586 = tpu.vector_load %arg20[%swap3A_585] {strides = array<i32>} : memref<16xf32, #tpu.memory_space<vmem>>, vector<16xf32>,
    tpu.vector_store %arg20[%swap3A_585], %scan3A_583 {strides = array<i32>} : memref<16xf32, #tpu.memory_space<vmem>>, vector<16xf32>,
    %parallel_loop3A = arith.constant 0 : i32
    %parallel_loop3A_587 = arith.constant 10240 : i32
    %parallel_loop3A_588 = arith.constant 16 : i32
    scf.for %parallel_loop3A_646 = %parallel_loop3A to %parallel_loop3A_587 step %parallel_loop3A_588  : i32 {
      %parallel_loop3A_647 = arith.index_cast %parallel_loop3A_646 : i32 to index
      %parallel_loop3A_648 = tpu.vector_load %arg9[%parallel_loop3A_647] {strides = array<i32>} : memref<10240xf32, #tpu.memory_space<vmem>>, vector<16xf32>,
      tpu.vector_store %arg9[%parallel_loop3A_647], %broadcast_in_dim3A_3 {strides = array<i32>} : memref<10240xf32, #tpu.memory_space<vmem>>, vector<16xf32>,
    } {sc.loop_unroll_factor = 8 : i64, sc.parallel_access}
    %dma_wait3A = arith.constant 1 : i32
    %dma_wait3A_589 = tpu.memref_slice %arg2[%dma_wait3A, %mul3A_0] : memref<2x320000xi32, #tpu.memory_space<hbm>> -> memref<1x20000xi32, #tpu.memory_space<hbm>>
    %dma_wait3A_590 = tpu.memref_squeeze %dma_wait3A_589 : memref<1x20000xi32, #tpu.memory_space<hbm>> -> memref<20000xi32, #tpu.memory_space<hbm>>
    %dma_wait3A_591 = tpu.memref_slice %arg2[%dma_wait3A, %mul3A_0] : memref<2x320000xi32, #tpu.memory_space<hbm>> -> memref<1x20000xi32, #tpu.memory_space<hbm>>
    %dma_wait3A_592 = tpu.memref_squeeze %dma_wait3A_591 : memref<1x20000xi32, #tpu.memory_space<hbm>> -> memref<20000xi32, #tpu.memory_space<hbm>>
    tpu.wait_dma2 semaphore(%arg27 : memref<!tpu.dma_semaphore, #tpu.memory_space<semaphore_mem>>) src(%dma_wait3A_592 : memref<20000xi32, #tpu.memory_space<hbm>>) dst(%arg8 : memref<20000xi32, #tpu.memory_space<vmem>>)
    %parallel_loop3A_593 = arith.constant 0 : i32
    %parallel_loop3A_594 = arith.constant 20000 : i32
    %parallel_loop3A_595 = arith.constant 16 : i32
    scf.for %parallel_loop3A_646 = %parallel_loop3A_593 to %parallel_loop3A_594 step %parallel_loop3A_595  : i32 {
      %parallel_loop3A_647 = arith.index_cast %parallel_loop3A_646 : i32 to index
      %parallel_loop3A_648 = tpu.vector_load %arg8[%parallel_loop3A_647] {strides = array<i32>} : memref<20000xi32, #tpu.memory_space<vmem>>, vector<16xi32>,
      tpu.vector_store_idx %arg9[%parallel_loop3A_648], %broadcast_in_dim3A_5 {add = true} : memref<10240xf32, #tpu.memory_space<vmem>>[vector<16xi32>], vector<16xf32>,
    } {sc.loop_unroll_factor = 8 : i64, sc.parallel_access}
    "tpu.region"() ({
      %run_scoped3A = tpu.sem_alloc : memref<!tpu.dma_semaphore, #tpu.memory_space<semaphore_mem>>
      %dma_start3A_646 = arith.constant 0 : i32
      %dma_start3A_647 = tpu.memref_slice %arg28[%arg1, %dma_start3A_646] : memref<16x10240xf32, #tpu.memory_space<vmem_shared>> -> memref<1x10240xf32, #tpu.memory_space<vmem_shared>>
      %dma_start3A_648 = tpu.memref_squeeze %dma_start3A_647 : memref<1x10240xf32, #tpu.memory_space<vmem_shared>> -> memref<10240xf32, #tpu.memory_space<vmem_shared>>
      %dma_start3A_649 = arith.constant 0 : i32
      %dma_start3A_650 = tpu.memref_slice %arg28[%arg1, %dma_start3A_649] : memref<16x10240xf32, #tpu.memory_space<vmem_shared>> -> memref<1x10240xf32, #tpu.memory_space<vmem_shared>>
      %dma_start3A_651 = tpu.memref_squeeze %dma_start3A_650 : memref<1x10240xf32, #tpu.memory_space<vmem_shared>> -> memref<10240xf32, #tpu.memory_space<vmem_shared>>
      tpu.enqueue_dma source(%arg9 : memref<10240xf32, #tpu.memory_space<vmem>>) target(%dma_start3A_651 : memref<10240xf32, #tpu.memory_space<vmem_shared>>) target_semaphore(%run_scoped3A : memref<!tpu.dma_semaphore, #tpu.memory_space<semaphore_mem>>)
      %dma_wait3A_652 = arith.constant 0 : i32
      %dma_wait3A_653 = tpu.memref_slice %arg28[%arg1, %dma_wait3A_652] : memref<16x10240xf32, #tpu.memory_space<vmem_shared>> -> memref<1x10240xf32, #tpu.memory_space<vmem_shared>>
      %dma_wait3A_654 = tpu.memref_squeeze %dma_wait3A_653 : memref<1x10240xf32, #tpu.memory_space<vmem_shared>> -> memref<10240xf32, #tpu.memory_space<vmem_shared>>
      %dma_wait3A_655 = arith.constant 0 : i32
      %dma_wait3A_656 = tpu.memref_slice %arg28[%arg1, %dma_wait3A_655] : memref<16x10240xf32, #tpu.memory_space<vmem_shared>> -> memref<1x10240xf32, #tpu.memory_space<vmem_shared>>
      %dma_wait3A_657 = tpu.memref_squeeze %dma_wait3A_656 : memref<1x10240xf32, #tpu.memory_space<vmem_shared>> -> memref<10240xf32, #tpu.memory_space<vmem_shared>>
      tpu.wait_dma2 semaphore(%run_scoped3A : memref<!tpu.dma_semaphore, #tpu.memory_space<semaphore_mem>>) src(%arg9 : memref<10240xf32, #tpu.memory_space<vmem>>) dst(%dma_wait3A_657 : memref<10240xf32, #tpu.memory_space<vmem_shared>>)
      tpu.yield
    }) : () -> ()
    %barrier3A_596 = arith.constant 0 : index
    tpu.barrier barrier_id(%barrier3A_596)
    "tpu.region"() ({
      %run_scoped3A = tpu.sem_alloc : memref<!tpu.dma_semaphore, #tpu.memory_space<semaphore_mem>>
      %dma_start3A_646 = arith.constant 0 : i32
      %dma_start3A_647 = tpu.memref_slice %arg28[%dma_start3A_646, %mul3A_2] : memref<16x10240xf32, #tpu.memory_space<vmem_shared>> -> memref<16x640xf32, #tpu.memory_space<vmem_shared>>
      %dma_start3A_648 = arith.constant 0 : i32
      %dma_start3A_649 = tpu.memref_slice %arg28[%dma_start3A_648, %mul3A_2] : memref<16x10240xf32, #tpu.memory_space<vmem_shared>> -> memref<16x640xf32, #tpu.memory_space<vmem_shared>>
      tpu.enqueue_dma source(%dma_start3A_649 : memref<16x640xf32, #tpu.memory_space<vmem_shared>>) target(%arg21 : memref<16x640xf32, #tpu.memory_space<vmem>>) target_semaphore(%run_scoped3A : memref<!tpu.dma_semaphore, #tpu.memory_space<semaphore_mem>>)
      %dma_wait3A_650 = arith.constant 0 : i32
      %dma_wait3A_651 = tpu.memref_slice %arg28[%dma_wait3A_650, %mul3A_2] : memref<16x10240xf32, #tpu.memory_space<vmem_shared>> -> memref<16x640xf32, #tpu.memory_space<vmem_shared>>
      %dma_wait3A_652 = arith.constant 0 : i32
      %dma_wait3A_653 = tpu.memref_slice %arg28[%dma_wait3A_652, %mul3A_2] : memref<16x10240xf32, #tpu.memory_space<vmem_shared>> -> memref<16x640xf32, #tpu.memory_space<vmem_shared>>
      tpu.wait_dma2 semaphore(%run_scoped3A : memref<!tpu.dma_semaphore, #tpu.memory_space<semaphore_mem>>) src(%dma_wait3A_653 : memref<16x640xf32, #tpu.memory_space<vmem_shared>>) dst(%arg21 : memref<16x640xf32, #tpu.memory_space<vmem>>)
      tpu.yield
    }) : () -> ()
    %parallel_loop3A_597 = arith.constant 0 : i32
    %parallel_loop3A_598 = arith.constant 640 : i32
    %parallel_loop3A_599 = arith.constant 16 : i32
    scf.for %parallel_loop3A_646 = %parallel_loop3A_597 to %parallel_loop3A_598 step %parallel_loop3A_599  : i32 {
      %parallel_loop3A_647 = arith.constant 0 : i32
      %parallel_loop3A_648 = arith.index_cast %parallel_loop3A_647 : i32 to index
      %parallel_loop3A_649 = arith.index_cast %parallel_loop3A_646 : i32 to index
      %parallel_loop3A_650 = tpu.vector_load %arg21[%parallel_loop3A_648, %parallel_loop3A_649] {strides = array<i32>} : memref<16x640xf32, #tpu.memory_space<vmem>>, vector<16xf32>,
      %parallel_loop3A_651 = arith.constant 1 : i32
      %parallel_loop3A_652 = arith.index_cast %parallel_loop3A_651 : i32 to index
      %parallel_loop3A_653 = arith.index_cast %parallel_loop3A_646 : i32 to index
      %parallel_loop3A_654 = tpu.vector_load %arg21[%parallel_loop3A_652, %parallel_loop3A_653] {strides = array<i32>} : memref<16x640xf32, #tpu.memory_space<vmem>>, vector<16xf32>,
      %parallel_loop3A_655 = arith.addf %parallel_loop3A_650, %parallel_loop3A_654 : vector<16xf32>
      %parallel_loop3A_656 = arith.constant 2 : i32
      %parallel_loop3A_657 = arith.index_cast %parallel_loop3A_656 : i32 to index
      %parallel_loop3A_658 = arith.index_cast %parallel_loop3A_646 : i32 to index
      %parallel_loop3A_659 = tpu.vector_load %arg21[%parallel_loop3A_657, %parallel_loop3A_658] {strides = array<i32>} : memref<16x640xf32, #tpu.memory_space<vmem>>, vector<16xf32>,
      %parallel_loop3A_660 = arith.addf %parallel_loop3A_655, %parallel_loop3A_659 : vector<16xf32>
      %parallel_loop3A_661 = arith.constant 3 : i32
      %parallel_loop3A_662 = arith.index_cast %parallel_loop3A_661 : i32 to index
      %parallel_loop3A_663 = arith.index_cast %parallel_loop3A_646 : i32 to index
      %parallel_loop3A_664 = tpu.vector_load %arg21[%parallel_loop3A_662, %parallel_loop3A_663] {strides = array<i32>} : memref<16x640xf32, #tpu.memory_space<vmem>>, vector<16xf32>,
      %parallel_loop3A_665 = arith.addf %parallel_loop3A_660, %parallel_loop3A_664 : vector<16xf32>
      %parallel_loop3A_666 = arith.constant 4 : i32
      %parallel_loop3A_667 = arith.index_cast %parallel_loop3A_666 : i32 to index
      %parallel_loop3A_668 = arith.index_cast %parallel_loop3A_646 : i32 to index
      %parallel_loop3A_669 = tpu.vector_load %arg21[%parallel_loop3A_667, %parallel_loop3A_668] {strides = array<i32>} : memref<16x640xf32, #tpu.memory_space<vmem>>, vector<16xf32>,
      %parallel_loop3A_670 = arith.addf %parallel_loop3A_665, %parallel_loop3A_669 : vector<16xf32>
      %parallel_loop3A_671 = arith.constant 5 : i32
      %parallel_loop3A_672 = arith.index_cast %parallel_loop3A_671 : i32 to index
      %parallel_loop3A_673 = arith.index_cast %parallel_loop3A_646 : i32 to index
      %parallel_loop3A_674 = tpu.vector_load %arg21[%parallel_loop3A_672, %parallel_loop3A_673] {strides = array<i32>} : memref<16x640xf32, #tpu.memory_space<vmem>>, vector<16xf32>,
      %parallel_loop3A_675 = arith.addf %parallel_loop3A_670, %parallel_loop3A_674 : vector<16xf32>
      %parallel_loop3A_676 = arith.constant 6 : i32
      %parallel_loop3A_677 = arith.index_cast %parallel_loop3A_676 : i32 to index
      %parallel_loop3A_678 = arith.index_cast %parallel_loop3A_646 : i32 to index
      %parallel_loop3A_679 = tpu.vector_load %arg21[%parallel_loop3A_677, %parallel_loop3A_678] {strides = array<i32>} : memref<16x640xf32, #tpu.memory_space<vmem>>, vector<16xf32>,
      %parallel_loop3A_680 = arith.addf %parallel_loop3A_675, %parallel_loop3A_679 : vector<16xf32>
      %parallel_loop3A_681 = arith.constant 7 : i32
      %parallel_loop3A_682 = arith.index_cast %parallel_loop3A_681 : i32 to index
      %parallel_loop3A_683 = arith.index_cast %parallel_loop3A_646 : i32 to index
      %parallel_loop3A_684 = tpu.vector_load %arg21[%parallel_loop3A_682, %parallel_loop3A_683] {strides = array<i32>} : memref<16x640xf32, #tpu.memory_space<vmem>>, vector<16xf32>,
      %parallel_loop3A_685 = arith.addf %parallel_loop3A_680, %parallel_loop3A_684 : vector<16xf32>
      %parallel_loop3A_686 = arith.constant 8 : i32
      %parallel_loop3A_687 = arith.index_cast %parallel_loop3A_686 : i32 to index
      %parallel_loop3A_688 = arith.index_cast %parallel_loop3A_646 : i32 to index
      %parallel_loop3A_689 = tpu.vector_load %arg21[%parallel_loop3A_687, %parallel_loop3A_688] {strides = array<i32>} : memref<16x640xf32, #tpu.memory_space<vmem>>, vector<16xf32>,
      %parallel_loop3A_690 = arith.addf %parallel_loop3A_685, %parallel_loop3A_689 : vector<16xf32>
      %parallel_loop3A_691 = arith.constant 9 : i32
      %parallel_loop3A_692 = arith.index_cast %parallel_loop3A_691 : i32 to index
      %parallel_loop3A_693 = arith.index_cast %parallel_loop3A_646 : i32 to index
      %parallel_loop3A_694 = tpu.vector_load %arg21[%parallel_loop3A_692, %parallel_loop3A_693] {strides = array<i32>} : memref<16x640xf32, #tpu.memory_space<vmem>>, vector<16xf32>,
      %parallel_loop3A_695 = arith.addf %parallel_loop3A_690, %parallel_loop3A_694 : vector<16xf32>
      %parallel_loop3A_696 = arith.constant 10 : i32
      %parallel_loop3A_697 = arith.index_cast %parallel_loop3A_696 : i32 to index
      %parallel_loop3A_698 = arith.index_cast %parallel_loop3A_646 : i32 to index
      %parallel_loop3A_699 = tpu.vector_load %arg21[%parallel_loop3A_697, %parallel_loop3A_698] {strides = array<i32>} : memref<16x640xf32, #tpu.memory_space<vmem>>, vector<16xf32>,
      %parallel_loop3A_700 = arith.addf %parallel_loop3A_695, %parallel_loop3A_699 : vector<16xf32>
      %parallel_loop3A_701 = arith.constant 11 : i32
      %parallel_loop3A_702 = arith.index_cast %parallel_loop3A_701 : i32 to index
      %parallel_loop3A_703 = arith.index_cast %parallel_loop3A_646 : i32 to index
      %parallel_loop3A_704 = tpu.vector_load %arg21[%parallel_loop3A_702, %parallel_loop3A_703] {strides = array<i32>} : memref<16x640xf32, #tpu.memory_space<vmem>>, vector<16xf32>,
      %parallel_loop3A_705 = arith.addf %parallel_loop3A_700, %parallel_loop3A_704 : vector<16xf32>
      %parallel_loop3A_706 = arith.constant 12 : i32
      %parallel_loop3A_707 = arith.index_cast %parallel_loop3A_706 : i32 to index
      %parallel_loop3A_708 = arith.index_cast %parallel_loop3A_646 : i32 to index
      %parallel_loop3A_709 = tpu.vector_load %arg21[%parallel_loop3A_707, %parallel_loop3A_708] {strides = array<i32>} : memref<16x640xf32, #tpu.memory_space<vmem>>, vector<16xf32>,
      %parallel_loop3A_710 = arith.addf %parallel_loop3A_705, %parallel_loop3A_709 : vector<16xf32>
      %parallel_loop3A_711 = arith.constant 13 : i32
      %parallel_loop3A_712 = arith.index_cast %parallel_loop3A_711 : i32 to index
      %parallel_loop3A_713 = arith.index_cast %parallel_loop3A_646 : i32 to index
      %parallel_loop3A_714 = tpu.vector_load %arg21[%parallel_loop3A_712, %parallel_loop3A_713] {strides = array<i32>} : memref<16x640xf32, #tpu.memory_space<vmem>>, vector<16xf32>,
      %parallel_loop3A_715 = arith.addf %parallel_loop3A_710, %parallel_loop3A_714 : vector<16xf32>
      %parallel_loop3A_716 = arith.constant 14 : i32
      %parallel_loop3A_717 = arith.index_cast %parallel_loop3A_716 : i32 to index
      %parallel_loop3A_718 = arith.index_cast %parallel_loop3A_646 : i32 to index
      %parallel_loop3A_719 = tpu.vector_load %arg21[%parallel_loop3A_717, %parallel_loop3A_718] {strides = array<i32>} : memref<16x640xf32, #tpu.memory_space<vmem>>, vector<16xf32>,
      %parallel_loop3A_720 = arith.addf %parallel_loop3A_715, %parallel_loop3A_719 : vector<16xf32>
      %parallel_loop3A_721 = arith.constant 15 : i32
      %parallel_loop3A_722 = arith.index_cast %parallel_loop3A_721 : i32 to index
      %parallel_loop3A_723 = arith.index_cast %parallel_loop3A_646 : i32 to index
      %parallel_loop3A_724 = tpu.vector_load %arg21[%parallel_loop3A_722, %parallel_loop3A_723] {strides = array<i32>} : memref<16x640xf32, #tpu.memory_space<vmem>>, vector<16xf32>,
      %parallel_loop3A_725 = arith.addf %parallel_loop3A_720, %parallel_loop3A_724 : vector<16xf32>
      %parallel_loop3A_726 = arith.constant 1.000000e+00 : f32
      %parallel_loop3A_727 = vector.broadcast %parallel_loop3A_726 : f32 to vector<16xf32>
      %parallel_loop3A_728 = arith.addf %parallel_loop3A_725, %parallel_loop3A_727 : vector<16xf32>
      %parallel_loop3A_729 = vector.bitcast %parallel_loop3A_728 : vector<16xf32> to vector<16xi32>
      %parallel_loop3A_730 = arith.constant 1 : i32
      %parallel_loop3A_731 = vector.broadcast %parallel_loop3A_730 : i32 to vector<16xi32>
      %parallel_loop3A_732 = arith.shrui %parallel_loop3A_729, %parallel_loop3A_731 : vector<16xi32>
      %parallel_loop3A_733 = arith.constant 1597463007 : i32
      %parallel_loop3A_734 = vector.broadcast %parallel_loop3A_733 : i32 to vector<16xi32>
      %parallel_loop3A_735 = arith.subi %parallel_loop3A_734, %parallel_loop3A_732 : vector<16xi32>
      %parallel_loop3A_736 = vector.bitcast %parallel_loop3A_735 : vector<16xi32> to vector<16xf32>
      %parallel_loop3A_737 = arith.constant 5.000000e-01 : f32
      %parallel_loop3A_738 = vector.broadcast %parallel_loop3A_737 : f32 to vector<16xf32>
      %parallel_loop3A_739 = arith.mulf %parallel_loop3A_738, %parallel_loop3A_728 : vector<16xf32>
      %parallel_loop3A_740 = arith.mulf %parallel_loop3A_739, %parallel_loop3A_736 : vector<16xf32>
      %parallel_loop3A_741 = arith.mulf %parallel_loop3A_740, %parallel_loop3A_736 : vector<16xf32>
      %parallel_loop3A_742 = arith.constant 1.500000e+00 : f32
      %parallel_loop3A_743 = vector.broadcast %parallel_loop3A_742 : f32 to vector<16xf32>
      %parallel_loop3A_744 = arith.subf %parallel_loop3A_743, %parallel_loop3A_741 : vector<16xf32>
      %parallel_loop3A_745 = arith.mulf %parallel_loop3A_736, %parallel_loop3A_744 : vector<16xf32>
      %parallel_loop3A_746 = arith.constant 5.000000e-01 : f32
      %parallel_loop3A_747 = vector.broadcast %parallel_loop3A_746 : f32 to vector<16xf32>
      %parallel_loop3A_748 = arith.mulf %parallel_loop3A_747, %parallel_loop3A_728 : vector<16xf32>
      %parallel_loop3A_749 = arith.mulf %parallel_loop3A_748, %parallel_loop3A_745 : vector<16xf32>
      %parallel_loop3A_750 = arith.mulf %parallel_loop3A_749, %parallel_loop3A_745 : vector<16xf32>
      %parallel_loop3A_751 = arith.constant 1.500000e+00 : f32
      %parallel_loop3A_752 = vector.broadcast %parallel_loop3A_751 : f32 to vector<16xf32>
      %parallel_loop3A_753 = arith.subf %parallel_loop3A_752, %parallel_loop3A_750 : vector<16xf32>
      %parallel_loop3A_754 = arith.mulf %parallel_loop3A_745, %parallel_loop3A_753 : vector<16xf32>
      %parallel_loop3A_755 = arith.constant 5.000000e-01 : f32
      %parallel_loop3A_756 = vector.broadcast %parallel_loop3A_755 : f32 to vector<16xf32>
      %parallel_loop3A_757 = arith.mulf %parallel_loop3A_756, %parallel_loop3A_728 : vector<16xf32>
      %parallel_loop3A_758 = arith.mulf %parallel_loop3A_757, %parallel_loop3A_754 : vector<16xf32>
      %parallel_loop3A_759 = arith.mulf %parallel_loop3A_758, %parallel_loop3A_754 : vector<16xf32>
      %parallel_loop3A_760 = arith.constant 1.500000e+00 : f32
      %parallel_loop3A_761 = vector.broadcast %parallel_loop3A_760 : f32 to vector<16xf32>
      %parallel_loop3A_762 = arith.subf %parallel_loop3A_761, %parallel_loop3A_759 : vector<16xf32>
      %parallel_loop3A_763 = arith.mulf %parallel_loop3A_754, %parallel_loop3A_762 : vector<16xf32>
      %parallel_loop3A_764 = arith.index_cast %parallel_loop3A_646 : i32 to index
      %parallel_loop3A_765 = tpu.vector_load %arg22[%parallel_loop3A_764] {strides = array<i32>} : memref<640xf32, #tpu.memory_space<vmem>>, vector<16xf32>,
      tpu.vector_store %arg22[%parallel_loop3A_764], %parallel_loop3A_763 {strides = array<i32>} : memref<640xf32, #tpu.memory_space<vmem>>, vector<16xf32>,
    } {sc.loop_unroll_factor = 2 : i64, sc.parallel_access}
    "tpu.region"() ({
      %run_scoped3A = tpu.sem_alloc : memref<!tpu.dma_semaphore, #tpu.memory_space<semaphore_mem>>
      %dma_start3A_646 = tpu.memref_slice %arg29[%mul3A_2] : memref<10240xf32, #tpu.memory_space<vmem_shared>> -> memref<640xf32, #tpu.memory_space<vmem_shared>>
      %dma_start3A_647 = tpu.memref_slice %arg29[%mul3A_2] : memref<10240xf32, #tpu.memory_space<vmem_shared>> -> memref<640xf32, #tpu.memory_space<vmem_shared>>
      tpu.enqueue_dma source(%arg22 : memref<640xf32, #tpu.memory_space<vmem>>) target(%dma_start3A_647 : memref<640xf32, #tpu.memory_space<vmem_shared>>) target_semaphore(%run_scoped3A : memref<!tpu.dma_semaphore, #tpu.memory_space<semaphore_mem>>)
      %dma_wait3A_648 = tpu.memref_slice %arg29[%mul3A_2] : memref<10240xf32, #tpu.memory_space<vmem_shared>> -> memref<640xf32, #tpu.memory_space<vmem_shared>>
      %dma_wait3A_649 = tpu.memref_slice %arg29[%mul3A_2] : memref<10240xf32, #tpu.memory_space<vmem_shared>> -> memref<640xf32, #tpu.memory_space<vmem_shared>>
      tpu.wait_dma2 semaphore(%run_scoped3A : memref<!tpu.dma_semaphore, #tpu.memory_space<semaphore_mem>>) src(%arg22 : memref<640xf32, #tpu.memory_space<vmem>>) dst(%dma_wait3A_649 : memref<640xf32, #tpu.memory_space<vmem_shared>>)
      tpu.yield
    }) : () -> ()
    %barrier3A_600 = arith.constant 0 : index
    tpu.barrier barrier_id(%barrier3A_600)
    "tpu.region"() ({
      %run_scoped3A = tpu.sem_alloc : memref<!tpu.dma_semaphore, #tpu.memory_space<semaphore_mem>>
      tpu.enqueue_dma source(%arg29 : memref<10240xf32, #tpu.memory_space<vmem_shared>>) target(%arg10 : memref<10240xf32, #tpu.memory_space<vmem>>) target_semaphore(%run_scoped3A : memref<!tpu.dma_semaphore, #tpu.memory_space<semaphore_mem>>)
      tpu.wait_dma2 semaphore(%run_scoped3A : memref<!tpu.dma_semaphore, #tpu.memory_space<semaphore_mem>>) src(%arg29 : memref<10240xf32, #tpu.memory_space<vmem_shared>>) dst(%arg10 : memref<10240xf32, #tpu.memory_space<vmem>>)
      tpu.yield
    }) : () -> ()
    %parallel_loop3A_601 = arith.constant 0 : i32
    %parallel_loop3A_602 = arith.constant 10240 : i32
    %parallel_loop3A_603 = arith.constant 16 : i32
    scf.for %parallel_loop3A_646 = %parallel_loop3A_601 to %parallel_loop3A_602 step %parallel_loop3A_603  : i32 {
      %parallel_loop3A_647 = arith.index_cast %parallel_loop3A_646 : i32 to index
      %parallel_loop3A_648 = tpu.vector_load %arg9[%parallel_loop3A_647] {strides = array<i32>} : memref<10240xf32, #tpu.memory_space<vmem>>, vector<16xf32>,
      tpu.vector_store %arg9[%parallel_loop3A_647], %broadcast_in_dim3A_3 {strides = array<i32>} : memref<10240xf32, #tpu.memory_space<vmem>>, vector<16xf32>,
    } {sc.loop_unroll_factor = 8 : i64, sc.parallel_access}
    %dma_wait3A_604 = arith.constant 0 : i32
    %dma_wait3A_605 = tpu.memref_slice %arg2[%dma_wait3A_604, %mul3A_0] : memref<2x320000xi32, #tpu.memory_space<hbm>> -> memref<1x20000xi32, #tpu.memory_space<hbm>>
    %dma_wait3A_606 = tpu.memref_squeeze %dma_wait3A_605 : memref<1x20000xi32, #tpu.memory_space<hbm>> -> memref<20000xi32, #tpu.memory_space<hbm>>
    %dma_wait3A_607 = tpu.memref_slice %arg2[%dma_wait3A_604, %mul3A_0] : memref<2x320000xi32, #tpu.memory_space<hbm>> -> memref<1x20000xi32, #tpu.memory_space<hbm>>
    %dma_wait3A_608 = tpu.memref_squeeze %dma_wait3A_607 : memref<1x20000xi32, #tpu.memory_space<hbm>> -> memref<20000xi32, #tpu.memory_space<hbm>>
    tpu.wait_dma2 semaphore(%arg26 : memref<!tpu.dma_semaphore, #tpu.memory_space<semaphore_mem>>) src(%dma_wait3A_608 : memref<20000xi32, #tpu.memory_space<hbm>>) dst(%arg7 : memref<20000xi32, #tpu.memory_space<vmem>>)
    %parallel_loop3A_609 = arith.constant 0 : i32
    %parallel_loop3A_610 = arith.constant 20000 : i32
    %parallel_loop3A_611 = arith.constant 16 : i32
    scf.for %parallel_loop3A_646 = %parallel_loop3A_609 to %parallel_loop3A_610 step %parallel_loop3A_611  : i32 {
      %parallel_loop3A_647 = arith.index_cast %parallel_loop3A_646 : i32 to index
      %parallel_loop3A_648 = tpu.vector_load %arg7[%parallel_loop3A_647] {strides = array<i32>} : memref<20000xi32, #tpu.memory_space<vmem>>, vector<16xi32>,
      %parallel_loop3A_649 = tpu.vector_load_idx %arg10[%parallel_loop3A_648] : memref<10240xf32, #tpu.memory_space<vmem>>[vector<16xi32>], vector<16xf32>,
      %parallel_loop3A_650 = arith.index_cast %parallel_loop3A_646 : i32 to index
      %parallel_loop3A_651 = tpu.vector_load %arg8[%parallel_loop3A_650] {strides = array<i32>} : memref<20000xi32, #tpu.memory_space<vmem>>, vector<16xi32>,
      tpu.vector_store_idx %arg9[%parallel_loop3A_651], %parallel_loop3A_649 {add = true} : memref<10240xf32, #tpu.memory_space<vmem>>[vector<16xi32>], vector<16xf32>,
    } {sc.loop_unroll_factor = 8 : i64, sc.parallel_access}
    "tpu.region"() ({
      %run_scoped3A = tpu.sem_alloc : memref<!tpu.dma_semaphore, #tpu.memory_space<semaphore_mem>>
      %dma_start3A_646 = arith.constant 0 : i32
      %dma_start3A_647 = tpu.memref_slice %arg28[%arg1, %dma_start3A_646] : memref<16x10240xf32, #tpu.memory_space<vmem_shared>> -> memref<1x10240xf32, #tpu.memory_space<vmem_shared>>
      %dma_start3A_648 = tpu.memref_squeeze %dma_start3A_647 : memref<1x10240xf32, #tpu.memory_space<vmem_shared>> -> memref<10240xf32, #tpu.memory_space<vmem_shared>>
      %dma_start3A_649 = arith.constant 0 : i32
      %dma_start3A_650 = tpu.memref_slice %arg28[%arg1, %dma_start3A_649] : memref<16x10240xf32, #tpu.memory_space<vmem_shared>> -> memref<1x10240xf32, #tpu.memory_space<vmem_shared>>
      %dma_start3A_651 = tpu.memref_squeeze %dma_start3A_650 : memref<1x10240xf32, #tpu.memory_space<vmem_shared>> -> memref<10240xf32, #tpu.memory_space<vmem_shared>>
      tpu.enqueue_dma source(%arg9 : memref<10240xf32, #tpu.memory_space<vmem>>) target(%dma_start3A_651 : memref<10240xf32, #tpu.memory_space<vmem_shared>>) target_semaphore(%run_scoped3A : memref<!tpu.dma_semaphore, #tpu.memory_space<semaphore_mem>>)
      %dma_wait3A_652 = arith.constant 0 : i32
      %dma_wait3A_653 = tpu.memref_slice %arg28[%arg1, %dma_wait3A_652] : memref<16x10240xf32, #tpu.memory_space<vmem_shared>> -> memref<1x10240xf32, #tpu.memory_space<vmem_shared>>
      %dma_wait3A_654 = tpu.memref_squeeze %dma_wait3A_653 : memref<1x10240xf32, #tpu.memory_space<vmem_shared>> -> memref<10240xf32, #tpu.memory_space<vmem_shared>>
      %dma_wait3A_655 = arith.constant 0 : i32
      %dma_wait3A_656 = tpu.memref_slice %arg28[%arg1, %dma_wait3A_655] : memref<16x10240xf32, #tpu.memory_space<vmem_shared>> -> memref<1x10240xf32, #tpu.memory_space<vmem_shared>>
      %dma_wait3A_657 = tpu.memref_squeeze %dma_wait3A_656 : memref<1x10240xf32, #tpu.memory_space<vmem_shared>> -> memref<10240xf32, #tpu.memory_space<vmem_shared>>
      tpu.wait_dma2 semaphore(%run_scoped3A : memref<!tpu.dma_semaphore, #tpu.memory_space<semaphore_mem>>) src(%arg9 : memref<10240xf32, #tpu.memory_space<vmem>>) dst(%dma_wait3A_657 : memref<10240xf32, #tpu.memory_space<vmem_shared>>)
      tpu.yield
    }) : () -> ()
    %barrier3A_612 = arith.constant 0 : index
    tpu.barrier barrier_id(%barrier3A_612)
    "tpu.region"() ({
      %run_scoped3A = tpu.sem_alloc : memref<!tpu.dma_semaphore, #tpu.memory_space<semaphore_mem>>
      %dma_start3A_646 = arith.constant 0 : i32
      %dma_start3A_647 = tpu.memref_slice %arg28[%dma_start3A_646, %mul3A_2] : memref<16x10240xf32, #tpu.memory_space<vmem_shared>> -> memref<16x640xf32, #tpu.memory_space<vmem_shared>>
      %dma_start3A_648 = arith.constant 0 : i32
      %dma_start3A_649 = tpu.memref_slice %arg28[%dma_start3A_648, %mul3A_2] : memref<16x10240xf32, #tpu.memory_space<vmem_shared>> -> memref<16x640xf32, #tpu.memory_space<vmem_shared>>
      tpu.enqueue_dma source(%dma_start3A_649 : memref<16x640xf32, #tpu.memory_space<vmem_shared>>) target(%arg21 : memref<16x640xf32, #tpu.memory_space<vmem>>) target_semaphore(%run_scoped3A : memref<!tpu.dma_semaphore, #tpu.memory_space<semaphore_mem>>)
      %dma_wait3A_650 = arith.constant 0 : i32
      %dma_wait3A_651 = tpu.memref_slice %arg28[%dma_wait3A_650, %mul3A_2] : memref<16x10240xf32, #tpu.memory_space<vmem_shared>> -> memref<16x640xf32, #tpu.memory_space<vmem_shared>>
      %dma_wait3A_652 = arith.constant 0 : i32
      %dma_wait3A_653 = tpu.memref_slice %arg28[%dma_wait3A_652, %mul3A_2] : memref<16x10240xf32, #tpu.memory_space<vmem_shared>> -> memref<16x640xf32, #tpu.memory_space<vmem_shared>>
      tpu.wait_dma2 semaphore(%run_scoped3A : memref<!tpu.dma_semaphore, #tpu.memory_space<semaphore_mem>>) src(%dma_wait3A_653 : memref<16x640xf32, #tpu.memory_space<vmem_shared>>) dst(%arg21 : memref<16x640xf32, #tpu.memory_space<vmem>>)
      tpu.yield
    }) : () -> ()
    %parallel_loop3A_613 = arith.constant 0 : i32
    %parallel_loop3A_614 = arith.constant 640 : i32
    %parallel_loop3A_615 = arith.constant 16 : i32
    scf.for %parallel_loop3A_646 = %parallel_loop3A_613 to %parallel_loop3A_614 step %parallel_loop3A_615  : i32 {
      %parallel_loop3A_647 = arith.constant 0 : i32
      %parallel_loop3A_648 = arith.index_cast %parallel_loop3A_647 : i32 to index
      %parallel_loop3A_649 = arith.index_cast %parallel_loop3A_646 : i32 to index
      %parallel_loop3A_650 = tpu.vector_load %arg21[%parallel_loop3A_648, %parallel_loop3A_649] {strides = array<i32>} : memref<16x640xf32, #tpu.memory_space<vmem>>, vector<16xf32>,
      %parallel_loop3A_651 = arith.constant 1 : i32
      %parallel_loop3A_652 = arith.index_cast %parallel_loop3A_651 : i32 to index
      %parallel_loop3A_653 = arith.index_cast %parallel_loop3A_646 : i32 to index
      %parallel_loop3A_654 = tpu.vector_load %arg21[%parallel_loop3A_652, %parallel_loop3A_653] {strides = array<i32>} : memref<16x640xf32, #tpu.memory_space<vmem>>, vector<16xf32>,
      %parallel_loop3A_655 = arith.addf %parallel_loop3A_650, %parallel_loop3A_654 : vector<16xf32>
      %parallel_loop3A_656 = arith.constant 2 : i32
      %parallel_loop3A_657 = arith.index_cast %parallel_loop3A_656 : i32 to index
      %parallel_loop3A_658 = arith.index_cast %parallel_loop3A_646 : i32 to index
      %parallel_loop3A_659 = tpu.vector_load %arg21[%parallel_loop3A_657, %parallel_loop3A_658] {strides = array<i32>} : memref<16x640xf32, #tpu.memory_space<vmem>>, vector<16xf32>,
      %parallel_loop3A_660 = arith.addf %parallel_loop3A_655, %parallel_loop3A_659 : vector<16xf32>
      %parallel_loop3A_661 = arith.constant 3 : i32
      %parallel_loop3A_662 = arith.index_cast %parallel_loop3A_661 : i32 to index
      %parallel_loop3A_663 = arith.index_cast %parallel_loop3A_646 : i32 to index
      %parallel_loop3A_664 = tpu.vector_load %arg21[%parallel_loop3A_662, %parallel_loop3A_663] {strides = array<i32>} : memref<16x640xf32, #tpu.memory_space<vmem>>, vector<16xf32>,
      %parallel_loop3A_665 = arith.addf %parallel_loop3A_660, %parallel_loop3A_664 : vector<16xf32>
      %parallel_loop3A_666 = arith.constant 4 : i32
      %parallel_loop3A_667 = arith.index_cast %parallel_loop3A_666 : i32 to index
      %parallel_loop3A_668 = arith.index_cast %parallel_loop3A_646 : i32 to index
      %parallel_loop3A_669 = tpu.vector_load %arg21[%parallel_loop3A_667, %parallel_loop3A_668] {strides = array<i32>} : memref<16x640xf32, #tpu.memory_space<vmem>>, vector<16xf32>,
      %parallel_loop3A_670 = arith.addf %parallel_loop3A_665, %parallel_loop3A_669 : vector<16xf32>
      %parallel_loop3A_671 = arith.constant 5 : i32
      %parallel_loop3A_672 = arith.index_cast %parallel_loop3A_671 : i32 to index
      %parallel_loop3A_673 = arith.index_cast %parallel_loop3A_646 : i32 to index
      %parallel_loop3A_674 = tpu.vector_load %arg21[%parallel_loop3A_672, %parallel_loop3A_673] {strides = array<i32>} : memref<16x640xf32, #tpu.memory_space<vmem>>, vector<16xf32>,
      %parallel_loop3A_675 = arith.addf %parallel_loop3A_670, %parallel_loop3A_674 : vector<16xf32>
      %parallel_loop3A_676 = arith.constant 6 : i32
      %parallel_loop3A_677 = arith.index_cast %parallel_loop3A_676 : i32 to index
      %parallel_loop3A_678 = arith.index_cast %parallel_loop3A_646 : i32 to index
      %parallel_loop3A_679 = tpu.vector_load %arg21[%parallel_loop3A_677, %parallel_loop3A_678] {strides = array<i32>} : memref<16x640xf32, #tpu.memory_space<vmem>>, vector<16xf32>,
      %parallel_loop3A_680 = arith.addf %parallel_loop3A_675, %parallel_loop3A_679 : vector<16xf32>
      %parallel_loop3A_681 = arith.constant 7 : i32
      %parallel_loop3A_682 = arith.index_cast %parallel_loop3A_681 : i32 to index
      %parallel_loop3A_683 = arith.index_cast %parallel_loop3A_646 : i32 to index
      %parallel_loop3A_684 = tpu.vector_load %arg21[%parallel_loop3A_682, %parallel_loop3A_683] {strides = array<i32>} : memref<16x640xf32, #tpu.memory_space<vmem>>, vector<16xf32>,
      %parallel_loop3A_685 = arith.addf %parallel_loop3A_680, %parallel_loop3A_684 : vector<16xf32>
      %parallel_loop3A_686 = arith.constant 8 : i32
      %parallel_loop3A_687 = arith.index_cast %parallel_loop3A_686 : i32 to index
      %parallel_loop3A_688 = arith.index_cast %parallel_loop3A_646 : i32 to index
      %parallel_loop3A_689 = tpu.vector_load %arg21[%parallel_loop3A_687, %parallel_loop3A_688] {strides = array<i32>} : memref<16x640xf32, #tpu.memory_space<vmem>>, vector<16xf32>,
      %parallel_loop3A_690 = arith.addf %parallel_loop3A_685, %parallel_loop3A_689 : vector<16xf32>
      %parallel_loop3A_691 = arith.constant 9 : i32
      %parallel_loop3A_692 = arith.index_cast %parallel_loop3A_691 : i32 to index
      %parallel_loop3A_693 = arith.index_cast %parallel_loop3A_646 : i32 to index
      %parallel_loop3A_694 = tpu.vector_load %arg21[%parallel_loop3A_692, %parallel_loop3A_693] {strides = array<i32>} : memref<16x640xf32, #tpu.memory_space<vmem>>, vector<16xf32>,
      %parallel_loop3A_695 = arith.addf %parallel_loop3A_690, %parallel_loop3A_694 : vector<16xf32>
      %parallel_loop3A_696 = arith.constant 10 : i32
      %parallel_loop3A_697 = arith.index_cast %parallel_loop3A_696 : i32 to index
      %parallel_loop3A_698 = arith.index_cast %parallel_loop3A_646 : i32 to index
      %parallel_loop3A_699 = tpu.vector_load %arg21[%parallel_loop3A_697, %parallel_loop3A_698] {strides = array<i32>} : memref<16x640xf32, #tpu.memory_space<vmem>>, vector<16xf32>,
      %parallel_loop3A_700 = arith.addf %parallel_loop3A_695, %parallel_loop3A_699 : vector<16xf32>
      %parallel_loop3A_701 = arith.constant 11 : i32
      %parallel_loop3A_702 = arith.index_cast %parallel_loop3A_701 : i32 to index
      %parallel_loop3A_703 = arith.index_cast %parallel_loop3A_646 : i32 to index
      %parallel_loop3A_704 = tpu.vector_load %arg21[%parallel_loop3A_702, %parallel_loop3A_703] {strides = array<i32>} : memref<16x640xf32, #tpu.memory_space<vmem>>, vector<16xf32>,
      %parallel_loop3A_705 = arith.addf %parallel_loop3A_700, %parallel_loop3A_704 : vector<16xf32>
      %parallel_loop3A_706 = arith.constant 12 : i32
      %parallel_loop3A_707 = arith.index_cast %parallel_loop3A_706 : i32 to index
      %parallel_loop3A_708 = arith.index_cast %parallel_loop3A_646 : i32 to index
      %parallel_loop3A_709 = tpu.vector_load %arg21[%parallel_loop3A_707, %parallel_loop3A_708] {strides = array<i32>} : memref<16x640xf32, #tpu.memory_space<vmem>>, vector<16xf32>,
      %parallel_loop3A_710 = arith.addf %parallel_loop3A_705, %parallel_loop3A_709 : vector<16xf32>
      %parallel_loop3A_711 = arith.constant 13 : i32
      %parallel_loop3A_712 = arith.index_cast %parallel_loop3A_711 : i32 to index
      %parallel_loop3A_713 = arith.index_cast %parallel_loop3A_646 : i32 to index
      %parallel_loop3A_714 = tpu.vector_load %arg21[%parallel_loop3A_712, %parallel_loop3A_713] {strides = array<i32>} : memref<16x640xf32, #tpu.memory_space<vmem>>, vector<16xf32>,
      %parallel_loop3A_715 = arith.addf %parallel_loop3A_710, %parallel_loop3A_714 : vector<16xf32>
      %parallel_loop3A_716 = arith.constant 14 : i32
      %parallel_loop3A_717 = arith.index_cast %parallel_loop3A_716 : i32 to index
      %parallel_loop3A_718 = arith.index_cast %parallel_loop3A_646 : i32 to index
      %parallel_loop3A_719 = tpu.vector_load %arg21[%parallel_loop3A_717, %parallel_loop3A_718] {strides = array<i32>} : memref<16x640xf32, #tpu.memory_space<vmem>>, vector<16xf32>,
      %parallel_loop3A_720 = arith.addf %parallel_loop3A_715, %parallel_loop3A_719 : vector<16xf32>
      %parallel_loop3A_721 = arith.constant 15 : i32
      %parallel_loop3A_722 = arith.index_cast %parallel_loop3A_721 : i32 to index
      %parallel_loop3A_723 = arith.index_cast %parallel_loop3A_646 : i32 to index
      %parallel_loop3A_724 = tpu.vector_load %arg21[%parallel_loop3A_722, %parallel_loop3A_723] {strides = array<i32>} : memref<16x640xf32, #tpu.memory_space<vmem>>, vector<16xf32>,
      %parallel_loop3A_725 = arith.addf %parallel_loop3A_720, %parallel_loop3A_724 : vector<16xf32>
      %parallel_loop3A_726 = arith.index_cast %parallel_loop3A_646 : i32 to index
      %parallel_loop3A_727 = tpu.vector_load %arg22[%parallel_loop3A_726] {strides = array<i32>} : memref<640xf32, #tpu.memory_space<vmem>>, vector<16xf32>,
      %parallel_loop3A_728 = arith.addf %parallel_loop3A_725, %parallel_loop3A_727 : vector<16xf32>
      %parallel_loop3A_729 = arith.mulf %parallel_loop3A_727, %parallel_loop3A_728 : vector<16xf32>
      %parallel_loop3A_730 = arith.mulf %parallel_loop3A_729, %parallel_loop3A_727 : vector<16xf32>
      %parallel_loop3A_731 = arith.index_cast %parallel_loop3A_646 : i32 to index
      %parallel_loop3A_732 = tpu.vector_load %arg23[%parallel_loop3A_731] {strides = array<i32>} : memref<640xf32, #tpu.memory_space<vmem>>, vector<16xf32>,
      tpu.vector_store %arg23[%parallel_loop3A_731], %parallel_loop3A_730 {strides = array<i32>} : memref<640xf32, #tpu.memory_space<vmem>>, vector<16xf32>,
    } {sc.loop_unroll_factor = 2 : i64, sc.parallel_access}
    "tpu.region"() ({
      %run_scoped3A = tpu.sem_alloc : memref<!tpu.dma_semaphore, #tpu.memory_space<semaphore_mem>>
      %dma_start3A_646 = tpu.memref_slice %arg29[%mul3A_2] : memref<10240xf32, #tpu.memory_space<vmem_shared>> -> memref<640xf32, #tpu.memory_space<vmem_shared>>
      %dma_start3A_647 = tpu.memref_slice %arg29[%mul3A_2] : memref<10240xf32, #tpu.memory_space<vmem_shared>> -> memref<640xf32, #tpu.memory_space<vmem_shared>>
      tpu.enqueue_dma source(%arg23 : memref<640xf32, #tpu.memory_space<vmem>>) target(%dma_start3A_647 : memref<640xf32, #tpu.memory_space<vmem_shared>>) target_semaphore(%run_scoped3A : memref<!tpu.dma_semaphore, #tpu.memory_space<semaphore_mem>>)
      %dma_wait3A_648 = tpu.memref_slice %arg29[%mul3A_2] : memref<10240xf32, #tpu.memory_space<vmem_shared>> -> memref<640xf32, #tpu.memory_space<vmem_shared>>
      %dma_wait3A_649 = tpu.memref_slice %arg29[%mul3A_2] : memref<10240xf32, #tpu.memory_space<vmem_shared>> -> memref<640xf32, #tpu.memory_space<vmem_shared>>
      tpu.wait_dma2 semaphore(%run_scoped3A : memref<!tpu.dma_semaphore, #tpu.memory_space<semaphore_mem>>) src(%arg23 : memref<640xf32, #tpu.memory_space<vmem>>) dst(%dma_wait3A_649 : memref<640xf32, #tpu.memory_space<vmem_shared>>)
      tpu.yield
    }) : () -> ()
    %barrier3A_616 = arith.constant 0 : index
    tpu.barrier barrier_id(%barrier3A_616)
    "tpu.region"() ({
      %run_scoped3A = tpu.sem_alloc : memref<!tpu.dma_semaphore, #tpu.memory_space<semaphore_mem>>
      tpu.enqueue_dma source(%arg29 : memref<10240xf32, #tpu.memory_space<vmem_shared>>) target(%arg11 : memref<10240xf32, #tpu.memory_space<vmem>>) target_semaphore(%run_scoped3A : memref<!tpu.dma_semaphore, #tpu.memory_space<semaphore_mem>>)
      tpu.wait_dma2 semaphore(%run_scoped3A : memref<!tpu.dma_semaphore, #tpu.memory_space<semaphore_mem>>) src(%arg29 : memref<10240xf32, #tpu.memory_space<vmem_shared>>) dst(%arg11 : memref<10240xf32, #tpu.memory_space<vmem>>)
      tpu.yield
    }) : () -> ()
    %parallel_loop3A_617 = arith.constant 0 : i32
    %parallel_loop3A_618 = arith.constant 10240 : i32
    %parallel_loop3A_619 = arith.constant 16 : i32
    scf.for %parallel_loop3A_646 = %parallel_loop3A_617 to %parallel_loop3A_618 step %parallel_loop3A_619  : i32 {
      %parallel_loop3A_647 = arith.index_cast %parallel_loop3A_646 : i32 to index
      %parallel_loop3A_648 = tpu.vector_load %arg9[%parallel_loop3A_647] {strides = array<i32>} : memref<10240xf32, #tpu.memory_space<vmem>>, vector<16xf32>,
      tpu.vector_store %arg9[%parallel_loop3A_647], %broadcast_in_dim3A_3 {strides = array<i32>} : memref<10240xf32, #tpu.memory_space<vmem>>, vector<16xf32>,
    } {sc.loop_unroll_factor = 8 : i64, sc.parallel_access}
    %parallel_loop3A_620 = arith.constant 0 : i32
    %parallel_loop3A_621 = arith.constant 20000 : i32
    %parallel_loop3A_622 = arith.constant 16 : i32
    scf.for %parallel_loop3A_646 = %parallel_loop3A_620 to %parallel_loop3A_621 step %parallel_loop3A_622  : i32 {
      %parallel_loop3A_647 = arith.index_cast %parallel_loop3A_646 : i32 to index
      %parallel_loop3A_648 = tpu.vector_load %arg7[%parallel_loop3A_647] {strides = array<i32>} : memref<20000xi32, #tpu.memory_space<vmem>>, vector<16xi32>,
      %parallel_loop3A_649 = tpu.vector_load_idx %arg11[%parallel_loop3A_648] : memref<10240xf32, #tpu.memory_space<vmem>>[vector<16xi32>], vector<16xf32>,
      %parallel_loop3A_650 = arith.index_cast %parallel_loop3A_646 : i32 to index
      %parallel_loop3A_651 = tpu.vector_load %arg8[%parallel_loop3A_650] {strides = array<i32>} : memref<20000xi32, #tpu.memory_space<vmem>>, vector<16xi32>,
      tpu.vector_store_idx %arg9[%parallel_loop3A_651], %parallel_loop3A_649 {add = true} : memref<10240xf32, #tpu.memory_space<vmem>>[vector<16xi32>], vector<16xf32>,
    } {sc.loop_unroll_factor = 8 : i64, sc.parallel_access}
    "tpu.region"() ({
      %run_scoped3A = tpu.sem_alloc : memref<!tpu.dma_semaphore, #tpu.memory_space<semaphore_mem>>
      %dma_start3A_646 = arith.constant 0 : i32
      %dma_start3A_647 = tpu.memref_slice %arg28[%arg1, %dma_start3A_646] : memref<16x10240xf32, #tpu.memory_space<vmem_shared>> -> memref<1x10240xf32, #tpu.memory_space<vmem_shared>>
      %dma_start3A_648 = tpu.memref_squeeze %dma_start3A_647 : memref<1x10240xf32, #tpu.memory_space<vmem_shared>> -> memref<10240xf32, #tpu.memory_space<vmem_shared>>
      %dma_start3A_649 = arith.constant 0 : i32
      %dma_start3A_650 = tpu.memref_slice %arg28[%arg1, %dma_start3A_649] : memref<16x10240xf32, #tpu.memory_space<vmem_shared>> -> memref<1x10240xf32, #tpu.memory_space<vmem_shared>>
      %dma_start3A_651 = tpu.memref_squeeze %dma_start3A_650 : memref<1x10240xf32, #tpu.memory_space<vmem_shared>> -> memref<10240xf32, #tpu.memory_space<vmem_shared>>
      tpu.enqueue_dma source(%arg9 : memref<10240xf32, #tpu.memory_space<vmem>>) target(%dma_start3A_651 : memref<10240xf32, #tpu.memory_space<vmem_shared>>) target_semaphore(%run_scoped3A : memref<!tpu.dma_semaphore, #tpu.memory_space<semaphore_mem>>)
      %dma_wait3A_652 = arith.constant 0 : i32
      %dma_wait3A_653 = tpu.memref_slice %arg28[%arg1, %dma_wait3A_652] : memref<16x10240xf32, #tpu.memory_space<vmem_shared>> -> memref<1x10240xf32, #tpu.memory_space<vmem_shared>>
      %dma_wait3A_654 = tpu.memref_squeeze %dma_wait3A_653 : memref<1x10240xf32, #tpu.memory_space<vmem_shared>> -> memref<10240xf32, #tpu.memory_space<vmem_shared>>
      %dma_wait3A_655 = arith.constant 0 : i32
      %dma_wait3A_656 = tpu.memref_slice %arg28[%arg1, %dma_wait3A_655] : memref<16x10240xf32, #tpu.memory_space<vmem_shared>> -> memref<1x10240xf32, #tpu.memory_space<vmem_shared>>
      %dma_wait3A_657 = tpu.memref_squeeze %dma_wait3A_656 : memref<1x10240xf32, #tpu.memory_space<vmem_shared>> -> memref<10240xf32, #tpu.memory_space<vmem_shared>>
      tpu.wait_dma2 semaphore(%run_scoped3A : memref<!tpu.dma_semaphore, #tpu.memory_space<semaphore_mem>>) src(%arg9 : memref<10240xf32, #tpu.memory_space<vmem>>) dst(%dma_wait3A_657 : memref<10240xf32, #tpu.memory_space<vmem_shared>>)
      tpu.yield
    }) : () -> ()
    %barrier3A_623 = arith.constant 0 : index
    tpu.barrier barrier_id(%barrier3A_623)
    "tpu.region"() ({
      %run_scoped3A = tpu.sem_alloc : memref<!tpu.dma_semaphore, #tpu.memory_space<semaphore_mem>>
      %dma_start3A_646 = arith.constant 0 : i32
      %dma_start3A_647 = tpu.memref_slice %arg28[%dma_start3A_646, %mul3A_2] : memref<16x10240xf32, #tpu.memory_space<vmem_shared>> -> memref<16x640xf32, #tpu.memory_space<vmem_shared>>
      %dma_start3A_648 = arith.constant 0 : i32
      %dma_start3A_649 = tpu.memref_slice %arg28[%dma_start3A_648, %mul3A_2] : memref<16x10240xf32, #tpu.memory_space<vmem_shared>> -> memref<16x640xf32, #tpu.memory_space<vmem_shared>>
      tpu.enqueue_dma source(%dma_start3A_649 : memref<16x640xf32, #tpu.memory_space<vmem_shared>>) target(%arg21 : memref<16x640xf32, #tpu.memory_space<vmem>>) target_semaphore(%run_scoped3A : memref<!tpu.dma_semaphore, #tpu.memory_space<semaphore_mem>>)
      %dma_wait3A_650 = arith.constant 0 : i32
      %dma_wait3A_651 = tpu.memref_slice %arg28[%dma_wait3A_650, %mul3A_2] : memref<16x10240xf32, #tpu.memory_space<vmem_shared>> -> memref<16x640xf32, #tpu.memory_space<vmem_shared>>
      %dma_wait3A_652 = arith.constant 0 : i32
      %dma_wait3A_653 = tpu.memref_slice %arg28[%dma_wait3A_652, %mul3A_2] : memref<16x10240xf32, #tpu.memory_space<vmem_shared>> -> memref<16x640xf32, #tpu.memory_space<vmem_shared>>
      tpu.wait_dma2 semaphore(%run_scoped3A : memref<!tpu.dma_semaphore, #tpu.memory_space<semaphore_mem>>) src(%dma_wait3A_653 : memref<16x640xf32, #tpu.memory_space<vmem_shared>>) dst(%arg21 : memref<16x640xf32, #tpu.memory_space<vmem>>)
      tpu.yield
    }) : () -> ()
    %parallel_loop3A_624 = arith.constant 0 : i32
    %parallel_loop3A_625 = arith.constant 640 : i32
    %parallel_loop3A_626 = arith.constant 16 : i32
    scf.for %parallel_loop3A_646 = %parallel_loop3A_624 to %parallel_loop3A_625 step %parallel_loop3A_626  : i32 {
      %parallel_loop3A_647 = arith.constant 0 : i32
      %parallel_loop3A_648 = arith.index_cast %parallel_loop3A_647 : i32 to index
      %parallel_loop3A_649 = arith.index_cast %parallel_loop3A_646 : i32 to index
      %parallel_loop3A_650 = tpu.vector_load %arg21[%parallel_loop3A_648, %parallel_loop3A_649] {strides = array<i32>} : memref<16x640xf32, #tpu.memory_space<vmem>>, vector<16xf32>,
      %parallel_loop3A_651 = arith.constant 1 : i32
      %parallel_loop3A_652 = arith.index_cast %parallel_loop3A_651 : i32 to index
      %parallel_loop3A_653 = arith.index_cast %parallel_loop3A_646 : i32 to index
      %parallel_loop3A_654 = tpu.vector_load %arg21[%parallel_loop3A_652, %parallel_loop3A_653] {strides = array<i32>} : memref<16x640xf32, #tpu.memory_space<vmem>>, vector<16xf32>,
      %parallel_loop3A_655 = arith.addf %parallel_loop3A_650, %parallel_loop3A_654 : vector<16xf32>
      %parallel_loop3A_656 = arith.constant 2 : i32
      %parallel_loop3A_657 = arith.index_cast %parallel_loop3A_656 : i32 to index
      %parallel_loop3A_658 = arith.index_cast %parallel_loop3A_646 : i32 to index
      %parallel_loop3A_659 = tpu.vector_load %arg21[%parallel_loop3A_657, %parallel_loop3A_658] {strides = array<i32>} : memref<16x640xf32, #tpu.memory_space<vmem>>, vector<16xf32>,
      %parallel_loop3A_660 = arith.addf %parallel_loop3A_655, %parallel_loop3A_659 : vector<16xf32>
      %parallel_loop3A_661 = arith.constant 3 : i32
      %parallel_loop3A_662 = arith.index_cast %parallel_loop3A_661 : i32 to index
      %parallel_loop3A_663 = arith.index_cast %parallel_loop3A_646 : i32 to index
      %parallel_loop3A_664 = tpu.vector_load %arg21[%parallel_loop3A_662, %parallel_loop3A_663] {strides = array<i32>} : memref<16x640xf32, #tpu.memory_space<vmem>>, vector<16xf32>,
      %parallel_loop3A_665 = arith.addf %parallel_loop3A_660, %parallel_loop3A_664 : vector<16xf32>
      %parallel_loop3A_666 = arith.constant 4 : i32
      %parallel_loop3A_667 = arith.index_cast %parallel_loop3A_666 : i32 to index
      %parallel_loop3A_668 = arith.index_cast %parallel_loop3A_646 : i32 to index
      %parallel_loop3A_669 = tpu.vector_load %arg21[%parallel_loop3A_667, %parallel_loop3A_668] {strides = array<i32>} : memref<16x640xf32, #tpu.memory_space<vmem>>, vector<16xf32>,
      %parallel_loop3A_670 = arith.addf %parallel_loop3A_665, %parallel_loop3A_669 : vector<16xf32>
      %parallel_loop3A_671 = arith.constant 5 : i32
      %parallel_loop3A_672 = arith.index_cast %parallel_loop3A_671 : i32 to index
      %parallel_loop3A_673 = arith.index_cast %parallel_loop3A_646 : i32 to index
      %parallel_loop3A_674 = tpu.vector_load %arg21[%parallel_loop3A_672, %parallel_loop3A_673] {strides = array<i32>} : memref<16x640xf32, #tpu.memory_space<vmem>>, vector<16xf32>,
      %parallel_loop3A_675 = arith.addf %parallel_loop3A_670, %parallel_loop3A_674 : vector<16xf32>
      %parallel_loop3A_676 = arith.constant 6 : i32
      %parallel_loop3A_677 = arith.index_cast %parallel_loop3A_676 : i32 to index
      %parallel_loop3A_678 = arith.index_cast %parallel_loop3A_646 : i32 to index
      %parallel_loop3A_679 = tpu.vector_load %arg21[%parallel_loop3A_677, %parallel_loop3A_678] {strides = array<i32>} : memref<16x640xf32, #tpu.memory_space<vmem>>, vector<16xf32>,
      %parallel_loop3A_680 = arith.addf %parallel_loop3A_675, %parallel_loop3A_679 : vector<16xf32>
      %parallel_loop3A_681 = arith.constant 7 : i32
      %parallel_loop3A_682 = arith.index_cast %parallel_loop3A_681 : i32 to index
      %parallel_loop3A_683 = arith.index_cast %parallel_loop3A_646 : i32 to index
      %parallel_loop3A_684 = tpu.vector_load %arg21[%parallel_loop3A_682, %parallel_loop3A_683] {strides = array<i32>} : memref<16x640xf32, #tpu.memory_space<vmem>>, vector<16xf32>,
      %parallel_loop3A_685 = arith.addf %parallel_loop3A_680, %parallel_loop3A_684 : vector<16xf32>
      %parallel_loop3A_686 = arith.constant 8 : i32
      %parallel_loop3A_687 = arith.index_cast %parallel_loop3A_686 : i32 to index
      %parallel_loop3A_688 = arith.index_cast %parallel_loop3A_646 : i32 to index
      %parallel_loop3A_689 = tpu.vector_load %arg21[%parallel_loop3A_687, %parallel_loop3A_688] {strides = array<i32>} : memref<16x640xf32, #tpu.memory_space<vmem>>, vector<16xf32>,
      %parallel_loop3A_690 = arith.addf %parallel_loop3A_685, %parallel_loop3A_689 : vector<16xf32>
      %parallel_loop3A_691 = arith.constant 9 : i32
      %parallel_loop3A_692 = arith.index_cast %parallel_loop3A_691 : i32 to index
      %parallel_loop3A_693 = arith.index_cast %parallel_loop3A_646 : i32 to index
      %parallel_loop3A_694 = tpu.vector_load %arg21[%parallel_loop3A_692, %parallel_loop3A_693] {strides = array<i32>} : memref<16x640xf32, #tpu.memory_space<vmem>>, vector<16xf32>,
      %parallel_loop3A_695 = arith.addf %parallel_loop3A_690, %parallel_loop3A_694 : vector<16xf32>
      %parallel_loop3A_696 = arith.constant 10 : i32
      %parallel_loop3A_697 = arith.index_cast %parallel_loop3A_696 : i32 to index
      %parallel_loop3A_698 = arith.index_cast %parallel_loop3A_646 : i32 to index
      %parallel_loop3A_699 = tpu.vector_load %arg21[%parallel_loop3A_697, %parallel_loop3A_698] {strides = array<i32>} : memref<16x640xf32, #tpu.memory_space<vmem>>, vector<16xf32>,
      %parallel_loop3A_700 = arith.addf %parallel_loop3A_695, %parallel_loop3A_699 : vector<16xf32>
      %parallel_loop3A_701 = arith.constant 11 : i32
      %parallel_loop3A_702 = arith.index_cast %parallel_loop3A_701 : i32 to index
      %parallel_loop3A_703 = arith.index_cast %parallel_loop3A_646 : i32 to index
      %parallel_loop3A_704 = tpu.vector_load %arg21[%parallel_loop3A_702, %parallel_loop3A_703] {strides = array<i32>} : memref<16x640xf32, #tpu.memory_space<vmem>>, vector<16xf32>,
      %parallel_loop3A_705 = arith.addf %parallel_loop3A_700, %parallel_loop3A_704 : vector<16xf32>
      %parallel_loop3A_706 = arith.constant 12 : i32
      %parallel_loop3A_707 = arith.index_cast %parallel_loop3A_706 : i32 to index
      %parallel_loop3A_708 = arith.index_cast %parallel_loop3A_646 : i32 to index
      %parallel_loop3A_709 = tpu.vector_load %arg21[%parallel_loop3A_707, %parallel_loop3A_708] {strides = array<i32>} : memref<16x640xf32, #tpu.memory_space<vmem>>, vector<16xf32>,
      %parallel_loop3A_710 = arith.addf %parallel_loop3A_705, %parallel_loop3A_709 : vector<16xf32>
      %parallel_loop3A_711 = arith.constant 13 : i32
      %parallel_loop3A_712 = arith.index_cast %parallel_loop3A_711 : i32 to index
      %parallel_loop3A_713 = arith.index_cast %parallel_loop3A_646 : i32 to index
      %parallel_loop3A_714 = tpu.vector_load %arg21[%parallel_loop3A_712, %parallel_loop3A_713] {strides = array<i32>} : memref<16x640xf32, #tpu.memory_space<vmem>>, vector<16xf32>,
      %parallel_loop3A_715 = arith.addf %parallel_loop3A_710, %parallel_loop3A_714 : vector<16xf32>
      %parallel_loop3A_716 = arith.constant 14 : i32
      %parallel_loop3A_717 = arith.index_cast %parallel_loop3A_716 : i32 to index
      %parallel_loop3A_718 = arith.index_cast %parallel_loop3A_646 : i32 to index
      %parallel_loop3A_719 = tpu.vector_load %arg21[%parallel_loop3A_717, %parallel_loop3A_718] {strides = array<i32>} : memref<16x640xf32, #tpu.memory_space<vmem>>, vector<16xf32>,
      %parallel_loop3A_720 = arith.addf %parallel_loop3A_715, %parallel_loop3A_719 : vector<16xf32>
      %parallel_loop3A_721 = arith.constant 15 : i32
      %parallel_loop3A_722 = arith.index_cast %parallel_loop3A_721 : i32 to index
      %parallel_loop3A_723 = arith.index_cast %parallel_loop3A_646 : i32 to index
      %parallel_loop3A_724 = tpu.vector_load %arg21[%parallel_loop3A_722, %parallel_loop3A_723] {strides = array<i32>} : memref<16x640xf32, #tpu.memory_space<vmem>>, vector<16xf32>,
      %parallel_loop3A_725 = arith.addf %parallel_loop3A_720, %parallel_loop3A_724 : vector<16xf32>
      %parallel_loop3A_726 = arith.index_cast %parallel_loop3A_646 : i32 to index
      %parallel_loop3A_727 = tpu.vector_load %arg22[%parallel_loop3A_726] {strides = array<i32>} : memref<640xf32, #tpu.memory_space<vmem>>, vector<16xf32>,
      %parallel_loop3A_728 = arith.index_cast %parallel_loop3A_646 : i32 to index
      %parallel_loop3A_729 = tpu.vector_load %arg23[%parallel_loop3A_728] {strides = array<i32>} : memref<640xf32, #tpu.memory_space<vmem>>, vector<16xf32>,
      %parallel_loop3A_730 = arith.addf %parallel_loop3A_729, %parallel_loop3A_725 : vector<16xf32>
      %parallel_loop3A_731 = arith.mulf %parallel_loop3A_727, %parallel_loop3A_730 : vector<16xf32>
      %parallel_loop3A_732 = arith.index_cast %parallel_loop3A_646 : i32 to index
      %parallel_loop3A_733 = tpu.vector_load %arg24[%parallel_loop3A_732] {strides = array<i32>} : memref<640xf32, #tpu.memory_space<vmem>>, vector<16xf32>,
      tpu.vector_store %arg24[%parallel_loop3A_732], %parallel_loop3A_731 {strides = array<i32>} : memref<640xf32, #tpu.memory_space<vmem>>, vector<16xf32>,
    } {sc.loop_unroll_factor = 2 : i64, sc.parallel_access}
    %mul3A_627 = arith.constant 64 : i32
    %mul3A_628 = arith.muli %arg1, %mul3A_627 : i32
    %scan3A_629 = arith.constant 0 : i32
    %scan3A_630 = arith.constant 0 : i32
    %scan3A_631 = arith.constant 4 : i32
    %scan3A_632 = arith.addi %scan3A_630, %scan3A_631 : i32
    %scan3A_633 = arith.constant 1 : i32
    scf.for %scan3A_646 = %scan3A_630 to %scan3A_632 step %scan3A_633  : i32 {
      %scan3A_647 = arith.constant 0 : i32
      %scan3A_648 = arith.constant 640 : i32
      %scan3A_649 = arith.addi %scan3A_647, %scan3A_648 : i32
      %scan3A_650 = arith.constant 1 : i32
      %scan3A_651 = scf.for %scan3A_657 = %scan3A_647 to %scan3A_649 step %scan3A_650 iter_args(%scan3A_658 = %broadcast_in_dim3A_3) -> (vector<16xf32>)  : i32 {
        %shift_right_logical3A = arith.constant 6 : i32
        %shift_right_logical3A_659 = arith.shrui %scan3A_657, %shift_right_logical3A : i32
        %and3A_660 = arith.constant 63 : i32
        %and3A_661 = arith.andi %scan3A_657, %and3A_660 : i32
        %mul3A_662 = arith.constant 160 : i32
        %mul3A_663 = arith.muli %mul3A_662, %scan3A_646 : i32
        %mul3A_664 = arith.constant 10 : i32
        %mul3A_665 = vector.broadcast %mul3A_664 : i32 to vector<16xi32>
        %mul3A_666 = arith.muli %iota3A, %mul3A_665 : vector<16xi32>
        %add3A_667 = vector.broadcast %mul3A_663 : i32 to vector<16xi32>
        %add3A_668 = arith.addi %add3A_667, %mul3A_666 : vector<16xi32>
        %add3A_669 = vector.broadcast %shift_right_logical3A_659 : i32 to vector<16xi32>
        %add3A_670 = arith.addi %add3A_668, %add3A_669 : vector<16xi32>
        %gather3A = tpu.vector_load_idx %arg24[%add3A_670] : memref<640xf32, #tpu.memory_space<vmem>>[vector<16xi32>], vector<16xf32>,
        %broadcast_in_dim3A_671 = vector.broadcast %and3A_661 : i32 to vector<16xi32>
        %gather3A_672 = tpu.vector_load_idx %arg19[%broadcast_in_dim3A_671] : memref<64xf32, #tpu.memory_space<vmem>>[vector<16xi32>], vector<16xf32>,
        %broadcast_in_dim3A_673 = vector.broadcast %scan3A_657 : i32 to vector<16xi32>
        %broadcast_in_dim3A_674 = arith.constant 0 : i32
        %broadcast_in_dim3A_675 = vector.broadcast %broadcast_in_dim3A_674 : i32 to vector<16xi32>
        %gather3A_676 = tpu.vector_load_idx %arg14[%broadcast_in_dim3A_673, %broadcast_in_dim3A_675] : memref<640x1xf32, #tpu.memory_space<vmem>>[vector<16xi32>, vector<16xi32>], vector<16xf32>,
        %mul3A_677 = arith.mulf %gather3A, %gather3A_672 : vector<16xf32>
        %bitcast3A = vector.bitcast %mul3A_677 : vector<16xf32> to vector<16xi32>
        %add3A_678 = arith.constant 32767 : i32
        %add3A_679 = vector.broadcast %add3A_678 : i32 to vector<16xi32>
        %add3A_680 = arith.addi %bitcast3A, %add3A_679 : vector<16xi32>
        %shift_right_logical3A_681 = arith.constant 16 : i32
        %shift_right_logical3A_682 = vector.broadcast %shift_right_logical3A_681 : i32 to vector<16xi32>
        %shift_right_logical3A_683 = arith.shrui %bitcast3A, %shift_right_logical3A_682 : vector<16xi32>
        %and3A_684 = arith.constant 1 : i32
        %and3A_685 = vector.broadcast %and3A_684 : i32 to vector<16xi32>
        %and3A_686 = arith.andi %shift_right_logical3A_683, %and3A_685 : vector<16xi32>
        %add3A_687 = arith.addi %add3A_680, %and3A_686 : vector<16xi32>
        %and3A_688 = arith.constant -65536 : i32
        %and3A_689 = vector.broadcast %and3A_688 : i32 to vector<16xi32>
        %and3A_690 = arith.andi %add3A_687, %and3A_689 : vector<16xi32>
        %bitcast3A_691 = vector.bitcast %and3A_690 : vector<16xi32> to vector<16xf32>
        %bitcast3A_692 = vector.bitcast %gather3A_676 : vector<16xf32> to vector<16xi32>
        %add3A_693 = arith.constant 32767 : i32
        %add3A_694 = vector.broadcast %add3A_693 : i32 to vector<16xi32>
        %add3A_695 = arith.addi %bitcast3A_692, %add3A_694 : vector<16xi32>
        %shift_right_logical3A_696 = arith.constant 16 : i32
        %shift_right_logical3A_697 = vector.broadcast %shift_right_logical3A_696 : i32 to vector<16xi32>
        %shift_right_logical3A_698 = arith.shrui %bitcast3A_692, %shift_right_logical3A_697 : vector<16xi32>
        %and3A_699 = arith.constant 1 : i32
        %and3A_700 = vector.broadcast %and3A_699 : i32 to vector<16xi32>
        %and3A_701 = arith.andi %shift_right_logical3A_698, %and3A_700 : vector<16xi32>
        %add3A_702 = arith.addi %add3A_695, %and3A_701 : vector<16xi32>
        %and3A_703 = arith.constant -65536 : i32
        %and3A_704 = vector.broadcast %and3A_703 : i32 to vector<16xi32>
        %and3A_705 = arith.andi %add3A_702, %and3A_704 : vector<16xi32>
        %bitcast3A_706 = vector.bitcast %and3A_705 : vector<16xi32> to vector<16xf32>
        %mul3A_707 = arith.mulf %bitcast3A_691, %bitcast3A_706 : vector<16xf32>
        %add3A_708 = arith.addf %scan3A_658, %mul3A_707 : vector<16xf32>
        scf.yield %add3A_708 : vector<16xf32>
      }
      %scan3A_652 = arith.constant 640 : i32
      %mul3A_653 = arith.constant 16 : i32
      %mul3A_654 = arith.muli %scan3A_646, %mul3A_653 : i32
      %swap3A_655 = arith.index_cast %mul3A_654 : i32 to index
      %swap3A_656 = tpu.vector_load %arg25[%swap3A_655] {strides = array<i32>} : memref<64xf32, #tpu.memory_space<vmem>>, vector<16xf32>,
      tpu.vector_store %arg25[%swap3A_655], %scan3A_651 {strides = array<i32>} : memref<64xf32, #tpu.memory_space<vmem>>, vector<16xf32>,
    }
    %scan3A_634 = arith.constant 4 : i32
    %eq3A = arith.constant 0 : i32
    %eq3A_635 = arith.cmpi eq, %arg0, %eq3A : i32
    %lt3A = arith.constant 15 : i32
    %lt3A_636 = arith.cmpi slt, %arg1, %lt3A : i32
    %and3A = arith.andi %eq3A_635, %lt3A_636 : i1
    %convert_element_type3A = arith.extui %and3A : i1 to i32
    %cond3A = arith.constant 0 : i32
    %cond3A_637 = arith.cmpi ne, %convert_element_type3A, %cond3A : i32
    scf.if %cond3A_637 {
      "tpu.region"() ({
        %run_scoped3A = tpu.sem_alloc : memref<!tpu.dma_semaphore, #tpu.memory_space<semaphore_mem>>
        %dma_start3A_646 = tpu.memref_slice %arg6[%mul3A_628] : memref<1000xf32, #tpu.memory_space<hbm>> -> memref<64xf32, #tpu.memory_space<hbm>>
        %dma_start3A_647 = tpu.memref_slice %arg6[%mul3A_628] : memref<1000xf32, #tpu.memory_space<hbm>> -> memref<64xf32, #tpu.memory_space<hbm>>
        tpu.enqueue_dma source(%arg25 : memref<64xf32, #tpu.memory_space<vmem>>) target(%dma_start3A_647 : memref<64xf32, #tpu.memory_space<hbm>>) target_semaphore(%run_scoped3A : memref<!tpu.dma_semaphore, #tpu.memory_space<semaphore_mem>>)
        %dma_wait3A_648 = tpu.memref_slice %arg6[%mul3A_628] : memref<1000xf32, #tpu.memory_space<hbm>> -> memref<64xf32, #tpu.memory_space<hbm>>
        %dma_wait3A_649 = tpu.memref_slice %arg6[%mul3A_628] : memref<1000xf32, #tpu.memory_space<hbm>> -> memref<64xf32, #tpu.memory_space<hbm>>
        tpu.wait_dma2 semaphore(%run_scoped3A : memref<!tpu.dma_semaphore, #tpu.memory_space<semaphore_mem>>) src(%arg25 : memref<64xf32, #tpu.memory_space<vmem>>) dst(%dma_wait3A_649 : memref<64xf32, #tpu.memory_space<hbm>>)
        tpu.yield
      }) : () -> ()
    } else {
    }
    %eq3A_638 = arith.constant 0 : i32
    %eq3A_639 = arith.cmpi eq, %arg0, %eq3A_638 : i32
    %eq3A_640 = arith.constant 15 : i32
    %eq3A_641 = arith.cmpi eq, %arg1, %eq3A_640 : i32
    %and3A_642 = arith.andi %eq3A_639, %eq3A_641 : i1
    %convert_element_type3A_643 = arith.extui %and3A_642 : i1 to i32
    %cond3A_644 = arith.constant 0 : i32
    %cond3A_645 = arith.cmpi ne, %convert_element_type3A_643, %cond3A_644 : i32
    scf.if %cond3A_645 {
      "tpu.region"() ({
        %run_scoped3A = tpu.sem_alloc : memref<!tpu.dma_semaphore, #tpu.memory_space<semaphore_mem>>
        %dma_start3A_646 = arith.constant 0 : i32
        %dma_start3A_647 = tpu.memref_slice %arg25[%dma_start3A_646] : memref<64xf32, #tpu.memory_space<vmem>> -> memref<40xf32, #tpu.memory_space<vmem>>
        %dma_start3A_648 = arith.constant 960 : i32
        %dma_start3A_649 = tpu.memref_slice %arg6[%dma_start3A_648] : memref<1000xf32, #tpu.memory_space<hbm>> -> memref<40xf32, #tpu.memory_space<hbm>>
        %dma_start3A_650 = arith.constant 960 : i32
        %dma_start3A_651 = tpu.memref_slice %arg6[%dma_start3A_650] : memref<1000xf32, #tpu.memory_space<hbm>> -> memref<40xf32, #tpu.memory_space<hbm>>
        %dma_start3A_652 = arith.constant 0 : i32
        %dma_start3A_653 = tpu.memref_slice %arg25[%dma_start3A_652] : memref<64xf32, #tpu.memory_space<vmem>> -> memref<40xf32, #tpu.memory_space<vmem>>
        tpu.enqueue_dma source(%dma_start3A_653 : memref<40xf32, #tpu.memory_space<vmem>>) target(%dma_start3A_651 : memref<40xf32, #tpu.memory_space<hbm>>) target_semaphore(%run_scoped3A : memref<!tpu.dma_semaphore, #tpu.memory_space<semaphore_mem>>)
        %dma_wait3A_654 = arith.constant 0 : i32
        %dma_wait3A_655 = tpu.memref_slice %arg25[%dma_wait3A_654] : memref<64xf32, #tpu.memory_space<vmem>> -> memref<40xf32, #tpu.memory_space<vmem>>
        %dma_wait3A_656 = arith.constant 960 : i32
        %dma_wait3A_657 = tpu.memref_slice %arg6[%dma_wait3A_656] : memref<1000xf32, #tpu.memory_space<hbm>> -> memref<40xf32, #tpu.memory_space<hbm>>
        %dma_wait3A_658 = arith.constant 960 : i32
        %dma_wait3A_659 = tpu.memref_slice %arg6[%dma_wait3A_658] : memref<1000xf32, #tpu.memory_space<hbm>> -> memref<40xf32, #tpu.memory_space<hbm>>
        %dma_wait3A_660 = arith.constant 0 : i32
        %dma_wait3A_661 = tpu.memref_slice %arg25[%dma_wait3A_660] : memref<64xf32, #tpu.memory_space<vmem>> -> memref<40xf32, #tpu.memory_space<vmem>>
        tpu.wait_dma2 semaphore(%run_scoped3A : memref<!tpu.dma_semaphore, #tpu.memory_space<semaphore_mem>>) src(%dma_wait3A_661 : memref<40xf32, #tpu.memory_space<vmem>>) dst(%dma_wait3A_659 : memref<40xf32, #tpu.memory_space<hbm>>)
        tpu.yield
      }) : () -> ()
    } else {
    }
    return
  }
}

</mosaic_0001>

<sc_bundles>
// kernel: _run_sc.3.cloned.1.call-start
scs
__scs_entry_jumppad:
0x0: {  	(pc) =	sbr.rel $0x88, $3  }
0x1: {  	(tag) =	ssettag $0x0;
	lr =	simm.s32 $0x1  }
0x2: {  	[smem:$0x3F9D] =	sst lr;
	_ =	strace $0xD0000000  }
0x3: {  	_ = 	snop  }
0x4: {  	_ = 	snop  }
0x5: {  	_ = 	snop  }
0x6: {  	_ = 	snop  }
0x7: {  	_ = 	snop  }
__scs_overlays_trampoline_lowered:
0x8: {  	[smem:$0x3FAC] =	sst s0  }
0x9: {  	[smem:$0x3FAD] =	sst s1  }
0xa: {  	[smem:$0x3FAE] =	sst s2  }
0xb: {  	[smem:$0x3FAF] =	sst s3  }
0xc: {  	[smem:$0x3FB0] =	sst s4  }
0xd: {  	[smem:$0x3FB1] =	sst s5  }
0xe: {  	[smem:$0x3FB2] =	sst s6  }
0xf: {  	[smem:$0x3FB3] =	sst s7  }
0x10: {  	[smem:$0x3FB4] =	sst s8  }
0x11: {  	[smem:$0x3FB5] =	sst s9;
	s0 =	simm.s32 @!p0 $0x0  }
0x12: {  	s1 =	sld [smem:$0x3F9B];
	s0 =	simm.s32 @p0 $0x1  }
0x13: {  	[smem:$0x3FB6] =	sst s0;
	s0 =	simm.s32 @!p1 $0x0  }
0x14: {  	s2 =	sld [smem:$0x3F9A];
	s0 =	simm.s32 @p1 $0x1  }
0x15: {  	[smem:$0x3FB7] =	sst s0;
	s0 =	simm.s32 @!p2 $0x0  }
0x16: {  	s3 =	sld [smem:$0x3FDB];
	s0 =	simm.s32 @p2 $0x1  }
0x17: {  	s4 =	simm.s32 $0x1BF5;
	[smem:$0x3FB9] =	sst s0  }
0x18: {  	s0 =	sld [smem:$0x3F9C];
	_ =	swait.ge [sflag:s4], $0x0  }
0x19: {  	s7 =	sld [smem:$0x3F9D]  }
0x1a: {  	s8 =	sadd.s32 $0xFFFFE003, lr  }
0x1b: {  	s9 =	sadd.s32 $0xFFFFFEF7, lr;
	s5 =	simm.s32 $0xFFFFFFFF;
	p2 =	slt.u32 s8, $0xFFFFF086  }
0x1c: {  	p1 =	slt.u32 s9, $0xF7A;
	s5 =	simm.s32 @!p2 $0x0  }
0x1d: {  	s5 =	simm.s32 @p1 $0x1;
	p0 =	seq.s32 s7, s2  }
0x1e: {  	s7 =	smul.u32 @!p0 $0xF7A, s2;
	p2 =	seq.s32 @!p0 s5, $0x0  }
0x1f: {  	s9 =	smul.u32 $0xF7A, s1;
	s8 =	simm.s32 @!p0 $0x1BF5;
	p2 =	por !p2, p0  }
0x20: {  	[sflag:s8] =	ssyncset.s32 @!p0 $0xFFFFF086;
	s6 =	sadd.s32 @!p0 s3, s7;
	s7 =	simm.s32 @!p0 $0x108  }
0x21: {  	s3 =	sadd.s32 s3, s9;
	s6 =	sadd.s32 @!p0 $0x88, s6;
	s7 =	simm.s32 @p2 $0x1082  }
0x22: {  	[simem:s7], [sflag:s8] =	dma.local @!p0 [hbm:s6], $0xF7A  }
0x23: {  	s9 =	sor.u32 $0xD0000000, s2;
	s6 =	simm.s32 $0x108;
	_ =	swait.ge @!p0 [sflag:s8], $0x0  }
0x24: {  	s3 =	sadd.s32 $0x88, s3;
	s6 =	simm.s32 @!p1 $0x1082;
	[sflag:s4] =	ssyncset.s32 $0xFFFFF086  }
0x25: {  	[simem:s6], [sflag:s4] =	dma.local [hbm:s3], $0xF7A  }
0x26: {  	[smem:$0x3F9D] =	sst s1;
	(tag) =	ssettag s2;
	_ =	strace s9  }
0x27: {  	s1 =	sld [smem:$0x3FAD]  }
0x28: {  	s2 =	sld [smem:$0x3FAE]  }
0x29: {  	s4 =	sld [smem:$0x3FB0]  }
0x2a: {  	p0 =	seq.s32 s5, $0x0;
	s5 =	sld [smem:$0x3FB1]  }
0x2b: {  	s6 =	sld [smem:$0x3FB2]  }
0x2c: {  	s7 =	sld [smem:$0x3FB3]  }
0x2d: {  	s3 =	simm.s32 $0x108;
	s8 =	sld [smem:$0x3FB4]  }
0x2e: {  	s3 =	simm.s32 @!p0 $0x1082;
	s9 =	sld [smem:$0x3FB5]  }
0x2f: {  	lr =	sadd.s32 s0, s3;
	s0 =	sld [smem:$0x3FAC]  }
0x30: {  	s3 =	sld [smem:$0x3FAF]  }
0x31: {  	[smem:$0x3FB8] =	sst s10  }
0x32: {  	s10 =	sld [smem:$0x3FB6];
	_ =	sdelay $0x3  }
0x33: {  	p0 =	seq.s32 s10, $0x1;
	s10 =	sld [smem:$0x3FB8];
	_ =	sdelay $0x3  }
0x34: {  	[smem:$0x3FB8] =	sst s10  }
0x35: {  	s10 =	sld [smem:$0x3FB7];
	_ =	sdelay $0x3  }
0x36: {  	p1 =	seq.s32 s10, $0x1;
	s10 =	sld [smem:$0x3FB8];
	_ =	sdelay $0x3  }
0x37: {  	[smem:$0x3FB8] =	sst s10  }
0x38: {  	s10 =	sld [smem:$0x3FB9]  }
0x39: {  	_ = 	snop;
	(pc) =	sbr.ind lr, $3  }
0x3a: {  	_ = 	snop  }
0x3b: {  	_ = 	snop  }
0x3c: {  	p2 =	seq.s32 s10, $0x1;
	s10 =	sld [smem:$0x3FB8]  }
0x3d: {  	_ =	shalt  }
0x3e: {  	_ =	shalt  }
0x3f: {  	_ =	shalt  }
0x40: {  	_ =	shalt  }
0x41: {  	_ =	shalt  }
0x42: {  	_ =	shalt  }
0x43: {  	_ =	shalt  }
0x44: {  	_ =	shalt  }
0x45: {  	_ =	shalt  }
0x46: {  	_ =	shalt  }
0x47: {  	_ =	shalt  }
0x48: {  	_ =	shalt  }
0x49: {  	_ =	shalt  }
0x4a: {  	_ =	shalt  }
0x4b: {  	_ =	shalt  }
0x4c: {  	_ =	shalt  }
0x4d: {  	_ =	shalt  }
0x4e: {  	_ =	shalt  }
0x4f: {  	_ =	shalt  }
0x50: {  	_ =	shalt  }
0x51: {  	_ =	shalt  }
0x52: {  	_ =	shalt  }
0x53: {  	_ =	shalt  }
0x54: {  	_ =	shalt  }
0x55: {  	_ =	shalt  }
0x56: {  	_ =	shalt  }
0x57: {  	_ =	shalt  }
0x58: {  	_ =	shalt  }
0x59: {  	_ =	shalt  }
0x5a: {  	_ =	shalt  }
0x5b: {  	_ =	shalt  }
0x5c: {  	_ =	shalt  }
0x5d: {  	_ =	shalt  }
0x5e: {  	_ =	shalt  }
0x5f: {  	_ =	shalt  }
0x60: {  	_ =	shalt  }
0x61: {  	_ =	shalt  }
0x62: {  	_ =	shalt  }
0x63: {  	_ =	shalt  }
0x64: {  	_ =	shalt  }
0x65: {  	_ =	shalt  }
0x66: {  	_ =	shalt  }
0x67: {  	_ =	shalt  }
0x68: {  	_ =	shalt  }
0x69: {  	_ =	shalt  }
0x6a: {  	_ =	shalt  }
0x6b: {  	_ =	shalt  }
0x6c: {  	_ =	shalt  }
0x6d: {  	_ =	shalt  }
0x6e: {  	_ =	shalt  }
0x6f: {  	_ =	shalt  }
0x70: {  	_ =	shalt  }
0x71: {  	_ =	shalt  }
0x72: {  	_ =	shalt  }
0x73: {  	_ =	shalt  }
0x74: {  	_ =	shalt  }
0x75: {  	_ =	shalt  }
0x76: {  	_ =	shalt  }
0x77: {  	_ =	shalt  }
0x78: {  	_ =	shalt  }
0x79: {  	_ =	shalt  }
0x7a: {  	_ =	shalt  }
0x7b: {  	_ =	shalt  }
0x7c: {  	_ =	shalt  }
0x7d: {  	_ =	shalt  }
0x7e: {  	_ =	shalt  }
0x7f: {  	_ =	shalt  }
0x80: {  	_ =	shalt  }
0x81: {  	_ =	shalt  }
0x82: {  	_ =	shalt  }
0x83: {  	_ =	shalt  }
0x84: {  	_ =	shalt  }
0x85: {  	_ =	shalt  }
0x86: {  	_ =	shalt  }
0x87: {  	_ =	shalt  }
.Lfunc_end0:
.L_simem_size_0:
called_computation_lowered:
.L_overlay_start_0:
0x88: {  	s0 =	sld [smem:$0x3FD9]  }
0x89: {  	s1 =	sld [smem:$0x3FFE];
	_ =	sdelay $0x3  }
0x8a: {  	s0 =	sadd.s32 s1, s0  }
0x8b: {  	[smem:$0x3FC4] =	sst s0  }
0x8c: {  	_ = 	snop  }
0x8d: {  	s0 =	sld [smem:$0x3FD0];
	(tm) =	ssettm $0x1  }
0x8e: {  	s16 =	sld [smem:$0x3FFB];
	_ =	sdelay $0x3  }
0x8f: {  	_ =	strace s16  }
0x90: {  	s1 =	sld [smem:$0x3FFC];
	_ =	sdelay $0x3  }
0x91: {  	_ =	strace s1  }
0x92: {  	s1 =	sld [smem:$0x3FFD];
	_ =	sdelay $0x3  }
0x93: {  	_ =	strace s1  }
0x94: {  	_ =	strace $0x8FFFFFFF  }
0x95: {  	s17 =	sld [smem:$0x3FDB];
	_ =	sdelay $0x1  }
0x96: {  	s2 =	simm.s32 $_scs_section_size  }
0x97: {  	s3 =	simm.s32 $_size__tile_overlayer_lowered;
	s4 =	simm.s32 $_tile_overlayer_lowered  }
0x98: {  	s20 =	simm.s32 $0x1BFF;
	s19 =	sshll.u32 s4, $0x1;
	s1 =	sadd.s32 s2, s17  }
0x99: {  	s5 =	simm.s32 $0x0;
	s18 =	sshll.u32 s3, $0x1;
	s3 =	sadd.s32 s19, s1  }
0x9a: {  	[timem:s5], [sflag:s20] =	dma.local [hbm:s3], s18  }
0x9b: {  	_ =	swait.ge [sflag:s20], s18  }
0x9c: {  	s2 =	ssub.s32 $0x0, s18;
	[sflag:s20] =	ssyncset.done $0x0  }
0x9d: {  	[sflag:s20] =	ssyncadd.s32 s2;
	_ =	sdelay $0x1  }
0x9e: {  	s21 =	simm.s32 $0x1B8B  }
0x9f: {  	_ =	swait.ge [sflag:s21], $0x1  }
0xa0: {  	[sflag:s21] =	ssyncset.done $0x0  }
0xa1: {  	s23 =	simm.s32 $0x1B8E;
	s22 =	sld [smem:$0x3FFE];
	[sflag:s21] =	ssyncadd.s32 $0xFFFFFFFF  }
0xa2: {  	s24 =	simm.s32 $execute0_lowered;
	[smem:$0x3FD2] =	sst s23  }
0xa3: {  	s3 =	sshll.u32 s24, $0x1;
	_ =	strace $0x80000046;
	[dreg:$0x1] =	wrdreg $0xFFFFFFFF  }
0xa4: {  	s25 =	simm.s32 $_size_execute0_lowered;
	s1 =	sadd.s32 s1, s3;
	[dreg:$0x0] =	wrdreg $0x0  }
0xa5: {  	s3 =	sshll.u32 s25, $0x1;
	[dreg:$0x2] =	wrdreg s1  }
0xa6: {  	[dreg:$0x3] =	wrdreg s3  }
0xa7: {  	[dreg:$0x4] =	wrdreg $0xC0  }
0xa8: {  	_ =	task [dreg:s5], $0x5FFFF  }
0xa9: {  	[dreg:$0x1] =	wrdreg $0xFFFFFFFF  }
0xaa: {  	[dreg:$0x0] =	wrdreg $0x60  }
0xab: {  	[dreg:$0x2] =	wrdreg s22  }
0xac: {  	[dreg:$0x3] =	wrdreg s0  }
0xad: {  	[dreg:$0x4] =	wrdreg $0x16A600  }
0xae: {  	[dreg:$0x5] =	wrdreg $0x192600  }
0xaf: {  	[dreg:$0x6] =	wrdreg $0x9  }
0xb0: {  	_ =	task.clear_ibuf [dreg:s5], $0x7FFFF;
	_ =	strace $0x90000046  }
0xb1: {  	s26 =	simm.s32 $0x9;
	_ =	strace $0x80000048  }
0xb2: {  	_ =	swait.ge [sflag:s26], $0x1  }
0xb3: {  	[sflag:s26] =	ssyncadd.s32 $0xFFFFFFFF  }
0xb4: {  	_ =	strace $0x90000048  }
0xb5: {  	_ =	sfence  }
0xb6: {  	s28 =	sld [smem:$0x0];
	_ =	sdelay $0x1  }
0xb7: {  	s29 =	srdreg.scid  }
0xb8: {  	s30 =	sshll.u32 s29, $0xD;
	s31 =	sshrl.u32 s29, $0x2  }
0xb9: {  	s2 =	sand.u32 $0x4000, s30;
	s1 =	sand.u32 $0x1, s29;
	s0 =	sadd.s32 s31, s28  }
0xba: {  	s1 =	sor.u32 s2, s1;
	s0 =	sshll.u32 s0, $0x11  }
0xbb: {  	s0 =	sor.u32 s0, s1  }
0xbc: {  	s0 =	sadd.s32 $0x8F2B, s0  }
0xbd: {  	[sflag:s0] =	ssyncadd.remote.s32 $0x1  }
0xbe: {  	_ =	sfence.sel $0xFFFF  }
0xbf: {  	[dreg:$0x0] =	wrdreg $0xFFFFFFFF;
	(pc) =	sbr.abs _section_cstart, $3  }
0xc0: {  	[dreg:$0x1] =	wrdreg $0xFFFFFFFF  }
0xc1: {  	_ =	task.clear_ibuf [dreg:s5], $0x2FFFF;
	_ =	strace $0x9FFFFFFF  }
0xc2: {  	(tm) =	ssettm $0x7FFFFFFF  }
0xc3: {  	_ =	shalt  }
tec
execute0_lowered:
.L_overlay_start_1:
0x0: {  	(tag) =	ssettag $0x1  }
0x1: {  	s6 =	rddreg [dreg:$0x0]  }
0x2: {  	s2 =	rddreg [dreg:$0x1];
	s0 =	stileid.u32  }
0x3: {  	s5 =	rddreg [dreg:$0x2];
	s4 =	smul.u32 $0x4E20, s0  }
0x4: {  	s3 =	rddreg [dreg:$0x3]  }
0x5: {  	s1 =	rddreg [dreg:$0x4];
	s7 =	simm.s32 $0x0;
	s4 =	sshrl.u32 s4, $0x3  }
0x6: {  	s10 =	simm.s32 $0x4E20;
	[smem:$0x7FF] =	sst s7;
	s4 =	sadd.s32 s4, s6  }
0x7: {  	s8 =	sshll.u32 s0, $0x8;
	_ =	strace $0x80000047;
	s9 =	sadd.s32 $0xBC40, s4  }
0x8: {  	[tilespmem:s10], [sflag:$0x2] =	stream.linear.gather [hbm4b:s9+s7], $0x4E20, $0x38;
	[tilespmem:$0x194E0] =	vst v63  }
0x9: {  	s8 =	sadd.s32 s8, s6;
	s4 =	sadd.s32 $0x2000, s4  }
0xa: {  	[tilespmem:s7], [sflag:$0x1] =	stream.linear.gather [hbm4b:s4+s7], $0x4E20, $0x38;
	[tilespmem:$0x194E0] =	vst v63  }
0xb: {  	s19 =	simm.s32 $0x11440;
	s20 =	simm.s32 $0x3;
	s18 =	sadd.s32 $0x400, s8  }
0xc: {  	[tilespmem:s19], [sflag:$0x3] =	stream.linear.gather [hbm4b:s18+s7], $0x800, $0x38;
	[tilespmem:$0x194E0] =	vst v63  }
0xd: {  	_ =	swait.ge [sflag:s20], $0x800  }
0xe: {  	[sflag:s20] =	ssyncset.done $0x0  }
0xf: {  	[sflag:s20] =	ssyncadd.s32 $0xFFFFF800  }
0x10: {  	v0 =	vld [tilespmem:$0x11440]  }
0x11: {  	v1 =	vld [tilespmem:$0x11540]  }
0x12: {  	v42 =	vld [tilespmem:$0x11AF0]  }
0x13: {  	v46 =	vld [tilespmem:$0x11800]  }
0x14: {  	v47 =	vld [tilespmem:$0x11900]  }
0x15: {  	v2 =	vld [tilespmem:$0x11640]  }
0x16: {  	v3 =	vshrl.u32 v0, $0x10  }
0x17: {  	v4 =	vld [tilespmem:$0x11740];
	v43 =	vshrl.u32 v42, $0x10;
	v3 =	vand.u32 $0x1, v3  }
0x18: {  	v49 =	vshrl.u32 v46, $0x10;
	v0 =	vadd.s32 v3, v0;
	v3 =	vshrl.u32 v1, $0x10  }
0x19: {  	v5 =	vld [tilespmem:$0x11840];
	v51 =	vshrl.u32 v47, $0x10;
	v0 =	vadd.s32 $0x7FFF, v0;
	v3 =	vand.u32 $0x1, v3  }
0x1a: {  	v0 =	vand.u32 $0xFFFF0000, v0;
	v1 =	vadd.s32 v3, v1;
	v3 =	vshrl.u32 v2, $0x10  }
0x1b: {  	v6 =	vld [tilespmem:$0x11940];
	v0 =	vadd.f32 $0.0e+00, v0;
	v1 =	vadd.s32 $0x7FFF, v1;
	v3 =	vand.u32 $0x1, v3  }
0x1c: {  	v1 =	vand.u32 $0xFFFF0000, v1;
	v2 =	vadd.s32 v3, v2;
	v3 =	vshrl.u32 v4, $0x10  }
0x1d: {  	v0 =	vadd.f32 v1, v0;
	v1 =	vadd.s32 $0x7FFF, v2;
	v2 =	vand.u32 $0x1, v3;
	v3 =	vld [tilespmem:$0x11A40]  }
0x1e: {  	v19 =	vld [tilespmem:$0x11A00];
	v1 =	vand.u32 $0xFFFF0000, v1;
	v2 =	vadd.s32 v2, v4;
	v4 =	vshrl.u32 v5, $0x10  }
0x1f: {  	v50 =	vld [tilespmem:$0x11B00];
	v0 =	vadd.f32 v1, v0;
	v1 =	vadd.s32 $0x7FFF, v2;
	v2 =	vand.u32 $0x1, v4  }
0x20: {  	v56 =	vld [tilespmem:$0x11610];
	v4 =	vshrl.u32 v6, $0x10;
	v1 =	vand.u32 $0xFFFF0000, v1;
	v2 =	vadd.s32 v2, v5  }
0x21: {  	v0 =	vadd.f32 v1, v0;
	v1 =	vadd.s32 $0x7FFF, v2;
	v2 =	vand.u32 $0x1, v4;
	v4 =	vld [tilespmem:$0x11450]  }
0x22: {  	v1 =	vand.u32 $0xFFFF0000, v1;
	v2 =	vadd.s32 v2, v6;
	v5 =	vshrl.u32 v3, $0x10;
	v6 =	vld [tilespmem:$0x11B40]  }
0x23: {  	v0 =	vadd.f32 v1, v0;
	v1 =	vadd.s32 $0x7FFF, v2;
	v2 =	vand.u32 $0x1, v5;
	v5 =	vld [tilespmem:$0x11550]  }
0x24: {  	v52 =	vshrl.u32 v19, $0x10;
	v1 =	vand.u32 $0xFFFF0000, v1;
	v2 =	vadd.s32 v2, v3  }
0x25: {  	v54 =	vshrl.u32 v50, $0x10;
	v0 =	vadd.f32 v1, v0;
	v1 =	vadd.s32 $0x7FFF, v2;
	v2 =	vld [tilespmem:$0x11650]  }
0x26: {  	v58 =	vshrl.u32 v56, $0x10;
	v1 =	vand.u32 $0xFFFF0000, v1;
	v3 =	vshrl.u32 v4, $0x10  }
0x27: {  	v7 =	vld [tilespmem:$0x11750];
	v0 =	vadd.f32 v1, v0;
	v1 =	vshrl.u32 v6, $0x10;
	v3 =	vand.u32 $0x1, v3  }
0x28: {  	v1 =	vand.u32 $0x1, v1;
	v3 =	vadd.s32 v3, v4;
	v4 =	vshrl.u32 v5, $0x10  }
0x29: {  	v1 =	vadd.s32 v1, v6;
	v3 =	vadd.s32 $0x7FFF, v3;
	v4 =	vand.u32 $0x1, v4;
	v6 =	vld [tilespmem:$0x11850]  }
0x2a: {  	v3 =	vand.u32 $0xFFFF0000, v3;
	v4 =	vadd.s32 v4, v5;
	v5 =	vshrl.u32 v2, $0x10  }
0x2b: {  	v8 =	vld [tilespmem:$0x11950];
	v3 =	vadd.f32 $0.0e+00, v3;
	v4 =	vadd.s32 $0x7FFF, v4;
	v5 =	vand.u32 $0x1, v5  }
0x2c: {  	v4 =	vand.u32 $0xFFFF0000, v4;
	v2 =	vadd.s32 v5, v2;
	v5 =	vshrl.u32 v7, $0x10  }
0x2d: {  	v3 =	vadd.f32 v4, v3;
	v2 =	vadd.s32 $0x7FFF, v2;
	v4 =	vand.u32 $0x1, v5;
	v5 =	vld [tilespmem:$0x11A50]  }
0x2e: {  	v2 =	vand.u32 $0xFFFF0000, v2;
	v4 =	vadd.s32 v4, v7;
	v7 =	vshrl.u32 v6, $0x10  }
0x2f: {  	v2 =	vadd.f32 v2, v3;
	v3 =	vadd.s32 $0x7FFF, v4;
	v4 =	vand.u32 $0x1, v7  }
0x30: {  	v3 =	vand.u32 $0xFFFF0000, v3;
	v4 =	vadd.s32 v4, v6;
	v6 =	vshrl.u32 v8, $0x10  }
0x31: {  	v2 =	vadd.f32 v3, v2;
	v3 =	vadd.s32 $0x7FFF, v4;
	v4 =	vand.u32 $0x1, v6;
	v6 =	vld [tilespmem:$0x11460]  }
0x32: {  	v3 =	vand.u32 $0xFFFF0000, v3;
	v4 =	vadd.s32 v4, v8;
	v7 =	vshrl.u32 v5, $0x10;
	v8 =	vld [tilespmem:$0x11B50]  }
0x33: {  	v2 =	vadd.f32 v3, v2;
	v3 =	vadd.s32 $0x7FFF, v4;
	v4 =	vand.u32 $0x1, v7;
	v7 =	vld [tilespmem:$0x11560]  }
0x34: {  	v1 =	vadd.s32 $0x7FFF, v1;
	v3 =	vand.u32 $0xFFFF0000, v3;
	v4 =	vadd.s32 v4, v5  }
0x35: {  	v1 =	vand.u32 $0xFFFF0000, v1;
	v2 =	vadd.f32 v3, v2;
	v3 =	vadd.s32 $0x7FFF, v4;
	v4 =	vld [tilespmem:$0x11660]  }
0x36: {  	v0 =	vadd.f32 v1, v0;
	v1 =	vand.u32 $0xFFFF0000, v3;
	v3 =	vshrl.u32 v6, $0x10  }
0x37: {  	v5 =	vld [tilespmem:$0x11760];
	v1 =	vadd.f32 v1, v2;
	v2 =	vshrl.u32 v8, $0x10;
	v3 =	vand.u32 $0x1, v3  }
0x38: {  	v2 =	vand.u32 $0x1, v2;
	v3 =	vadd.s32 v3, v6;
	v6 =	vshrl.u32 v7, $0x10  }
0x39: {  	v2 =	vadd.s32 v2, v8;
	v3 =	vadd.s32 $0x7FFF, v3;
	v6 =	vand.u32 $0x1, v6;
	v8 =	vld [tilespmem:$0x11860]  }
0x3a: {  	v3 =	vand.u32 $0xFFFF0000, v3;
	v6 =	vadd.s32 v6, v7;
	v7 =	vshrl.u32 v4, $0x10  }
0x3b: {  	v9 =	vld [tilespmem:$0x11960];
	v3 =	vadd.f32 $0.0e+00, v3;
	v6 =	vadd.s32 $0x7FFF, v6;
	v7 =	vand.u32 $0x1, v7  }
0x3c: {  	v6 =	vand.u32 $0xFFFF0000, v6;
	v4 =	vadd.s32 v7, v4;
	v7 =	vshrl.u32 v5, $0x10  }
0x3d: {  	v3 =	vadd.f32 v6, v3;
	v4 =	vadd.s32 $0x7FFF, v4;
	v6 =	vand.u32 $0x1, v7;
	v7 =	vld [tilespmem:$0x11A60]  }
0x3e: {  	v4 =	vand.u32 $0xFFFF0000, v4;
	v5 =	vadd.s32 v6, v5;
	v6 =	vshrl.u32 v8, $0x10  }
0x3f: {  	v3 =	vadd.f32 v4, v3;
	v4 =	vadd.s32 $0x7FFF, v5;
	v5 =	vand.u32 $0x1, v6  }
0x40: {  	v6 =	vshrl.u32 v9, $0x10;
	v4 =	vand.u32 $0xFFFF0000, v4;
	v5 =	vadd.s32 v5, v8  }
0x41: {  	v3 =	vadd.f32 v4, v3;
	v4 =	vadd.s32 $0x7FFF, v5;
	v5 =	vand.u32 $0x1, v6;
	v6 =	vld [tilespmem:$0x11470]  }
0x42: {  	v4 =	vand.u32 $0xFFFF0000, v4;
	v5 =	vadd.s32 v5, v9;
	v8 =	vshrl.u32 v7, $0x10;
	v9 =	vld [tilespmem:$0x11B60]  }
0x43: {  	v3 =	vadd.f32 v4, v3;
	v4 =	vadd.s32 $0x7FFF, v5;
	v5 =	vand.u32 $0x1, v8;
	v8 =	vld [tilespmem:$0x11570]  }
0x44: {  	v2 =	vadd.s32 $0x7FFF, v2;
	v4 =	vand.u32 $0xFFFF0000, v4;
	v5 =	vadd.s32 v5, v7  }
0x45: {  	v2 =	vand.u32 $0xFFFF0000, v2;
	v3 =	vadd.f32 v4, v3;
	v4 =	vadd.s32 $0x7FFF, v5;
	v5 =	vld [tilespmem:$0x11670]  }
0x46: {  	v1 =	vadd.f32 v2, v1;
	v2 =	vand.u32 $0xFFFF0000, v4;
	v4 =	vshrl.u32 v6, $0x10  }
0x47: {  	v7 =	vld [tilespmem:$0x11770];
	v2 =	vadd.f32 v2, v3;
	v3 =	vshrl.u32 v9, $0x10;
	v4 =	vand.u32 $0x1, v4  }
0x48: {  	v3 =	vand.u32 $0x1, v3;
	v4 =	vadd.s32 v4, v6;
	v6 =	vshrl.u32 v8, $0x10  }
0x49: {  	v3 =	vadd.s32 v3, v9;
	v4 =	vadd.s32 $0x7FFF, v4;
	v6 =	vand.u32 $0x1, v6;
	v9 =	vld [tilespmem:$0x11870]  }
0x4a: {  	v4 =	vand.u32 $0xFFFF0000, v4;
	v6 =	vadd.s32 v6, v8;
	v8 =	vshrl.u32 v5, $0x10  }
0x4b: {  	v10 =	vld [tilespmem:$0x11970];
	v4 =	vadd.f32 $0.0e+00, v4;
	v6 =	vadd.s32 $0x7FFF, v6;
	v8 =	vand.u32 $0x1, v8  }
0x4c: {  	v6 =	vand.u32 $0xFFFF0000, v6;
	v5 =	vadd.s32 v8, v5;
	v8 =	vshrl.u32 v7, $0x10  }
0x4d: {  	v4 =	vadd.f32 v6, v4;
	v5 =	vadd.s32 $0x7FFF, v5;
	v6 =	vand.u32 $0x1, v8;
	v8 =	vld [tilespmem:$0x11A70]  }
0x4e: {  	v5 =	vand.u32 $0xFFFF0000, v5;
	v6 =	vadd.s32 v6, v7;
	v7 =	vshrl.u32 v9, $0x10  }
0x4f: {  	v4 =	vadd.f32 v5, v4;
	v5 =	vadd.s32 $0x7FFF, v6;
	v6 =	vand.u32 $0x1, v7  }
0x50: {  	v7 =	vshrl.u32 v10, $0x10;
	v5 =	vand.u32 $0xFFFF0000, v5;
	v6 =	vadd.s32 v6, v9  }
0x51: {  	v4 =	vadd.f32 v5, v4;
	v5 =	vadd.s32 $0x7FFF, v6;
	v6 =	vand.u32 $0x1, v7;
	v7 =	vld [tilespmem:$0x11480]  }
0x52: {  	v5 =	vand.u32 $0xFFFF0000, v5;
	v6 =	vadd.s32 v6, v10;
	v9 =	vshrl.u32 v8, $0x10;
	v10 =	vld [tilespmem:$0x11B70]  }
0x53: {  	v4 =	vadd.f32 v5, v4;
	v5 =	vadd.s32 $0x7FFF, v6;
	v6 =	vand.u32 $0x1, v9;
	v9 =	vld [tilespmem:$0x11580]  }
0x54: {  	v3 =	vadd.s32 $0x7FFF, v3;
	v5 =	vand.u32 $0xFFFF0000, v5;
	v6 =	vadd.s32 v6, v8  }
0x55: {  	v3 =	vand.u32 $0xFFFF0000, v3;
	v4 =	vadd.f32 v5, v4;
	v5 =	vadd.s32 $0x7FFF, v6;
	v6 =	vld [tilespmem:$0x11680]  }
0x56: {  	v2 =	vadd.f32 v3, v2;
	v3 =	vand.u32 $0xFFFF0000, v5;
	v5 =	vshrl.u32 v7, $0x10  }
0x57: {  	v8 =	vld [tilespmem:$0x11780];
	v3 =	vadd.f32 v3, v4;
	v4 =	vshrl.u32 v10, $0x10;
	v5 =	vand.u32 $0x1, v5  }
0x58: {  	v4 =	vand.u32 $0x1, v4;
	v5 =	vadd.s32 v5, v7;
	v7 =	vshrl.u32 v9, $0x10  }
0x59: {  	v4 =	vadd.s32 v4, v10;
	v5 =	vadd.s32 $0x7FFF, v5;
	v7 =	vand.u32 $0x1, v7;
	v10 =	vld [tilespmem:$0x11880]  }
0x5a: {  	v5 =	vand.u32 $0xFFFF0000, v5;
	v7 =	vadd.s32 v7, v9;
	v9 =	vshrl.u32 v6, $0x10  }
0x5b: {  	v11 =	vld [tilespmem:$0x11980];
	v5 =	vadd.f32 $0.0e+00, v5;
	v7 =	vadd.s32 $0x7FFF, v7;
	v9 =	vand.u32 $0x1, v9  }
0x5c: {  	v7 =	vand.u32 $0xFFFF0000, v7;
	v6 =	vadd.s32 v9, v6;
	v9 =	vshrl.u32 v8, $0x10  }
0x5d: {  	v5 =	vadd.f32 v7, v5;
	v6 =	vadd.s32 $0x7FFF, v6;
	v7 =	vand.u32 $0x1, v9;
	v9 =	vld [tilespmem:$0x11A80]  }
0x5e: {  	v6 =	vand.u32 $0xFFFF0000, v6;
	v7 =	vadd.s32 v7, v8;
	v8 =	vshrl.u32 v10, $0x10  }
0x5f: {  	v5 =	vadd.f32 v6, v5;
	v6 =	vadd.s32 $0x7FFF, v7;
	v7 =	vand.u32 $0x1, v8  }
0x60: {  	v8 =	vshrl.u32 v11, $0x10;
	v6 =	vand.u32 $0xFFFF0000, v6;
	v7 =	vadd.s32 v7, v10  }
0x61: {  	v5 =	vadd.f32 v6, v5;
	v6 =	vadd.s32 $0x7FFF, v7;
	v7 =	vand.u32 $0x1, v8;
	v8 =	vld [tilespmem:$0x11490]  }
0x62: {  	v6 =	vand.u32 $0xFFFF0000, v6;
	v7 =	vadd.s32 v7, v11;
	v10 =	vshrl.u32 v9, $0x10;
	v11 =	vld [tilespmem:$0x11B80]  }
0x63: {  	v5 =	vadd.f32 v6, v5;
	v6 =	vadd.s32 $0x7FFF, v7;
	v7 =	vand.u32 $0x1, v10;
	v10 =	vld [tilespmem:$0x11590]  }
0x64: {  	v4 =	vadd.s32 $0x7FFF, v4;
	v6 =	vand.u32 $0xFFFF0000, v6;
	v7 =	vadd.s32 v7, v9  }
0x65: {  	v4 =	vand.u32 $0xFFFF0000, v4;
	v5 =	vadd.f32 v6, v5;
	v6 =	vadd.s32 $0x7FFF, v7;
	v7 =	vld [tilespmem:$0x11690]  }
0x66: {  	v3 =	vadd.f32 v4, v3;
	v4 =	vand.u32 $0xFFFF0000, v6;
	v6 =	vshrl.u32 v8, $0x10  }
0x67: {  	v9 =	vld [tilespmem:$0x11790];
	v4 =	vadd.f32 v4, v5;
	v5 =	vshrl.u32 v11, $0x10;
	v6 =	vand.u32 $0x1, v6  }
0x68: {  	v5 =	vand.u32 $0x1, v5;
	v6 =	vadd.s32 v6, v8;
	v8 =	vshrl.u32 v10, $0x10  }
0x69: {  	v5 =	vadd.s32 v5, v11;
	v6 =	vadd.s32 $0x7FFF, v6;
	v8 =	vand.u32 $0x1, v8;
	v11 =	vld [tilespmem:$0x11890]  }
0x6a: {  	v6 =	vand.u32 $0xFFFF0000, v6;
	v8 =	vadd.s32 v8, v10;
	v10 =	vshrl.u32 v7, $0x10  }
0x6b: {  	v12 =	vld [tilespmem:$0x11990];
	v6 =	vadd.f32 $0.0e+00, v6;
	v8 =	vadd.s32 $0x7FFF, v8;
	v10 =	vand.u32 $0x1, v10  }
0x6c: {  	v8 =	vand.u32 $0xFFFF0000, v8;
	v7 =	vadd.s32 v10, v7;
	v10 =	vshrl.u32 v9, $0x10  }
0x6d: {  	v6 =	vadd.f32 v8, v6;
	v7 =	vadd.s32 $0x7FFF, v7;
	v8 =	vand.u32 $0x1, v10;
	v10 =	vld [tilespmem:$0x11A90]  }
0x6e: {  	v7 =	vand.u32 $0xFFFF0000, v7;
	v8 =	vadd.s32 v8, v9;
	v9 =	vshrl.u32 v11, $0x10  }
0x6f: {  	v6 =	vadd.f32 v7, v6;
	v7 =	vadd.s32 $0x7FFF, v8;
	v8 =	vand.u32 $0x1, v9  }
0x70: {  	v9 =	vshrl.u32 v12, $0x10;
	v7 =	vand.u32 $0xFFFF0000, v7;
	v8 =	vadd.s32 v8, v11  }
0x71: {  	v6 =	vadd.f32 v7, v6;
	v7 =	vadd.s32 $0x7FFF, v8;
	v8 =	vand.u32 $0x1, v9;
	v9 =	vld [tilespmem:$0x114A0]  }
0x72: {  	v7 =	vand.u32 $0xFFFF0000, v7;
	v8 =	vadd.s32 v8, v12;
	v11 =	vshrl.u32 v10, $0x10;
	v12 =	vld [tilespmem:$0x11B90]  }
0x73: {  	v6 =	vadd.f32 v7, v6;
	v7 =	vadd.s32 $0x7FFF, v8;
	v8 =	vand.u32 $0x1, v11;
	v11 =	vld [tilespmem:$0x115A0]  }
0x74: {  	v5 =	vadd.s32 $0x7FFF, v5;
	v7 =	vand.u32 $0xFFFF0000, v7;
	v8 =	vadd.s32 v8, v10  }
0x75: {  	v5 =	vand.u32 $0xFFFF0000, v5;
	v6 =	vadd.f32 v7, v6;
	v7 =	vadd.s32 $0x7FFF, v8;
	v8 =	vld [tilespmem:$0x116A0]  }
0x76: {  	v4 =	vadd.f32 v5, v4;
	v5 =	vand.u32 $0xFFFF0000, v7;
	v7 =	vshrl.u32 v9, $0x10  }
0x77: {  	v10 =	vld [tilespmem:$0x117A0];
	v5 =	vadd.f32 v5, v6;
	v6 =	vshrl.u32 v12, $0x10;
	v7 =	vand.u32 $0x1, v7  }
0x78: {  	v6 =	vand.u32 $0x1, v6;
	v7 =	vadd.s32 v7, v9;
	v9 =	vshrl.u32 v11, $0x10  }
0x79: {  	v6 =	vadd.s32 v6, v12;
	v7 =	vadd.s32 $0x7FFF, v7;
	v9 =	vand.u32 $0x1, v9;
	v12 =	vld [tilespmem:$0x118A0]  }
0x7a: {  	v7 =	vand.u32 $0xFFFF0000, v7;
	v9 =	vadd.s32 v9, v11;
	v11 =	vshrl.u32 v8, $0x10  }
0x7b: {  	v13 =	vld [tilespmem:$0x119A0];
	v7 =	vadd.f32 $0.0e+00, v7;
	v9 =	vadd.s32 $0x7FFF, v9;
	v11 =	vand.u32 $0x1, v11  }
0x7c: {  	v9 =	vand.u32 $0xFFFF0000, v9;
	v8 =	vadd.s32 v11, v8;
	v11 =	vshrl.u32 v10, $0x10  }
0x7d: {  	v7 =	vadd.f32 v9, v7;
	v8 =	vadd.s32 $0x7FFF, v8;
	v9 =	vand.u32 $0x1, v11;
	v11 =	vld [tilespmem:$0x11AA0]  }
0x7e: {  	v8 =	vand.u32 $0xFFFF0000, v8;
	v9 =	vadd.s32 v9, v10;
	v10 =	vshrl.u32 v12, $0x10  }
0x7f: {  	v7 =	vadd.f32 v8, v7;
	v8 =	vadd.s32 $0x7FFF, v9;
	v9 =	vand.u32 $0x1, v10  }
0x80: {  	v10 =	vshrl.u32 v13, $0x10;
	v8 =	vand.u32 $0xFFFF0000, v8;
	v9 =	vadd.s32 v9, v12  }
0x81: {  	v7 =	vadd.f32 v8, v7;
	v8 =	vadd.s32 $0x7FFF, v9;
	v9 =	vand.u32 $0x1, v10;
	v10 =	vld [tilespmem:$0x114B0]  }
0x82: {  	v8 =	vand.u32 $0xFFFF0000, v8;
	v9 =	vadd.s32 v9, v13;
	v12 =	vshrl.u32 v11, $0x10;
	v13 =	vld [tilespmem:$0x11BA0]  }
0x83: {  	v7 =	vadd.f32 v8, v7;
	v8 =	vadd.s32 $0x7FFF, v9;
	v9 =	vand.u32 $0x1, v12;
	v12 =	vld [tilespmem:$0x115B0]  }
0x84: {  	v6 =	vadd.s32 $0x7FFF, v6;
	v8 =	vand.u32 $0xFFFF0000, v8;
	v9 =	vadd.s32 v9, v11  }
0x85: {  	v6 =	vand.u32 $0xFFFF0000, v6;
	v7 =	vadd.f32 v8, v7;
	v8 =	vadd.s32 $0x7FFF, v9;
	v9 =	vld [tilespmem:$0x116B0]  }
0x86: {  	v5 =	vadd.f32 v6, v5;
	v6 =	vand.u32 $0xFFFF0000, v8;
	v8 =	vshrl.u32 v10, $0x10  }
0x87: {  	v11 =	vld [tilespmem:$0x117B0];
	v6 =	vadd.f32 v6, v7;
	v7 =	vshrl.u32 v13, $0x10;
	v8 =	vand.u32 $0x1, v8  }
0x88: {  	v7 =	vand.u32 $0x1, v7;
	v8 =	vadd.s32 v8, v10;
	v10 =	vshrl.u32 v12, $0x10  }
0x89: {  	v7 =	vadd.s32 v7, v13;
	v8 =	vadd.s32 $0x7FFF, v8;
	v10 =	vand.u32 $0x1, v10;
	v13 =	vld [tilespmem:$0x118B0]  }
0x8a: {  	v8 =	vand.u32 $0xFFFF0000, v8;
	v10 =	vadd.s32 v10, v12;
	v12 =	vshrl.u32 v9, $0x10  }
0x8b: {  	v14 =	vld [tilespmem:$0x119B0];
	v8 =	vadd.f32 $0.0e+00, v8;
	v10 =	vadd.s32 $0x7FFF, v10;
	v12 =	vand.u32 $0x1, v12  }
0x8c: {  	v10 =	vand.u32 $0xFFFF0000, v10;
	v9 =	vadd.s32 v12, v9;
	v12 =	vshrl.u32 v11, $0x10  }
0x8d: {  	v8 =	vadd.f32 v10, v8;
	v9 =	vadd.s32 $0x7FFF, v9;
	v10 =	vand.u32 $0x1, v12;
	v12 =	vld [tilespmem:$0x11AB0]  }
0x8e: {  	v9 =	vand.u32 $0xFFFF0000, v9;
	v10 =	vadd.s32 v10, v11;
	v11 =	vshrl.u32 v13, $0x10  }
0x8f: {  	v8 =	vadd.f32 v9, v8;
	v9 =	vadd.s32 $0x7FFF, v10;
	v10 =	vand.u32 $0x1, v11  }
0x90: {  	v11 =	vshrl.u32 v14, $0x10;
	v9 =	vand.u32 $0xFFFF0000, v9;
	v10 =	vadd.s32 v10, v13  }
0x91: {  	v8 =	vadd.f32 v9, v8;
	v9 =	vadd.s32 $0x7FFF, v10;
	v10 =	vand.u32 $0x1, v11;
	v11 =	vld [tilespmem:$0x114C0]  }
0x92: {  	v9 =	vand.u32 $0xFFFF0000, v9;
	v10 =	vadd.s32 v10, v14;
	v13 =	vshrl.u32 v12, $0x10;
	v14 =	vld [tilespmem:$0x11BB0]  }
0x93: {  	v8 =	vadd.f32 v9, v8;
	v9 =	vadd.s32 $0x7FFF, v10;
	v10 =	vand.u32 $0x1, v13;
	v13 =	vld [tilespmem:$0x115C0]  }
0x94: {  	v7 =	vadd.s32 $0x7FFF, v7;
	v9 =	vand.u32 $0xFFFF0000, v9;
	v10 =	vadd.s32 v10, v12  }
0x95: {  	v7 =	vand.u32 $0xFFFF0000, v7;
	v8 =	vadd.f32 v9, v8;
	v9 =	vadd.s32 $0x7FFF, v10;
	v10 =	vld [tilespmem:$0x116C0]  }
0x96: {  	v6 =	vadd.f32 v7, v6;
	v7 =	vand.u32 $0xFFFF0000, v9;
	v9 =	vshrl.u32 v11, $0x10  }
0x97: {  	v12 =	vld [tilespmem:$0x117C0];
	v7 =	vadd.f32 v7, v8;
	v8 =	vshrl.u32 v14, $0x10;
	v9 =	vand.u32 $0x1, v9  }
0x98: {  	v8 =	vand.u32 $0x1, v8;
	v9 =	vadd.s32 v9, v11;
	v11 =	vshrl.u32 v13, $0x10  }
0x99: {  	v8 =	vadd.s32 v8, v14;
	v9 =	vadd.s32 $0x7FFF, v9;
	v11 =	vand.u32 $0x1, v11;
	v14 =	vld [tilespmem:$0x118C0]  }
0x9a: {  	v9 =	vand.u32 $0xFFFF0000, v9;
	v11 =	vadd.s32 v11, v13;
	v13 =	vshrl.u32 v10, $0x10  }
0x9b: {  	v15 =	vld [tilespmem:$0x119C0];
	v9 =	vadd.f32 $0.0e+00, v9;
	v11 =	vadd.s32 $0x7FFF, v11;
	v13 =	vand.u32 $0x1, v13  }
0x9c: {  	v11 =	vand.u32 $0xFFFF0000, v11;
	v10 =	vadd.s32 v13, v10;
	v13 =	vshrl.u32 v12, $0x10  }
0x9d: {  	v9 =	vadd.f32 v11, v9;
	v10 =	vadd.s32 $0x7FFF, v10;
	v11 =	vand.u32 $0x1, v13;
	v13 =	vld [tilespmem:$0x11AC0]  }
0x9e: {  	v10 =	vand.u32 $0xFFFF0000, v10;
	v11 =	vadd.s32 v11, v12;
	v12 =	vshrl.u32 v14, $0x10  }
0x9f: {  	v9 =	vadd.f32 v10, v9;
	v10 =	vadd.s32 $0x7FFF, v11;
	v11 =	vand.u32 $0x1, v12  }
0xa0: {  	v12 =	vshrl.u32 v15, $0x10;
	v10 =	vand.u32 $0xFFFF0000, v10;
	v11 =	vadd.s32 v11, v14  }
0xa1: {  	v9 =	vadd.f32 v10, v9;
	v10 =	vadd.s32 $0x7FFF, v11;
	v11 =	vand.u32 $0x1, v12;
	v12 =	vld [tilespmem:$0x114D0]  }
0xa2: {  	v10 =	vand.u32 $0xFFFF0000, v10;
	v11 =	vadd.s32 v11, v15;
	v14 =	vshrl.u32 v13, $0x10;
	v15 =	vld [tilespmem:$0x11BC0]  }
0xa3: {  	v9 =	vadd.f32 v10, v9;
	v10 =	vadd.s32 $0x7FFF, v11;
	v11 =	vand.u32 $0x1, v14;
	v14 =	vld [tilespmem:$0x115D0]  }
0xa4: {  	v8 =	vadd.s32 $0x7FFF, v8;
	v10 =	vand.u32 $0xFFFF0000, v10;
	v11 =	vadd.s32 v11, v13  }
0xa5: {  	v8 =	vand.u32 $0xFFFF0000, v8;
	v9 =	vadd.f32 v10, v9;
	v10 =	vadd.s32 $0x7FFF, v11;
	v11 =	vld [tilespmem:$0x116D0]  }
0xa6: {  	v7 =	vadd.f32 v8, v7;
	v8 =	vand.u32 $0xFFFF0000, v10;
	v10 =	vshrl.u32 v12, $0x10  }
0xa7: {  	v13 =	vld [tilespmem:$0x117D0];
	v8 =	vadd.f32 v8, v9;
	v9 =	vshrl.u32 v15, $0x10;
	v10 =	vand.u32 $0x1, v10  }
0xa8: {  	v9 =	vand.u32 $0x1, v9;
	v10 =	vadd.s32 v10, v12;
	v12 =	vshrl.u32 v14, $0x10  }
0xa9: {  	v9 =	vadd.s32 v9, v15;
	v10 =	vadd.s32 $0x7FFF, v10;
	v12 =	vand.u32 $0x1, v12;
	v15 =	vld [tilespmem:$0x118D0]  }
0xaa: {  	v10 =	vand.u32 $0xFFFF0000, v10;
	v12 =	vadd.s32 v12, v14;
	v14 =	vshrl.u32 v11, $0x10  }
0xab: {  	v16 =	vld [tilespmem:$0x119D0];
	v10 =	vadd.f32 $0.0e+00, v10;
	v12 =	vadd.s32 $0x7FFF, v12;
	v14 =	vand.u32 $0x1, v14  }
0xac: {  	v12 =	vand.u32 $0xFFFF0000, v12;
	v11 =	vadd.s32 v14, v11;
	v14 =	vshrl.u32 v13, $0x10  }
0xad: {  	v10 =	vadd.f32 v12, v10;
	v11 =	vadd.s32 $0x7FFF, v11;
	v12 =	vand.u32 $0x1, v14;
	v14 =	vld [tilespmem:$0x11AD0]  }
0xae: {  	v11 =	vand.u32 $0xFFFF0000, v11;
	v12 =	vadd.s32 v12, v13;
	v13 =	vshrl.u32 v15, $0x10  }
0xaf: {  	v10 =	vadd.f32 v11, v10;
	v11 =	vadd.s32 $0x7FFF, v12;
	v12 =	vand.u32 $0x1, v13  }
0xb0: {  	v13 =	vshrl.u32 v16, $0x10;
	v11 =	vand.u32 $0xFFFF0000, v11;
	v12 =	vadd.s32 v12, v15  }
0xb1: {  	v10 =	vadd.f32 v11, v10;
	v11 =	vadd.s32 $0x7FFF, v12;
	v12 =	vand.u32 $0x1, v13;
	v13 =	vld [tilespmem:$0x114E0]  }
0xb2: {  	v34 =	vld [tilespmem:$0x11BD0];
	v11 =	vand.u32 $0xFFFF0000, v11;
	v12 =	vadd.s32 v12, v16;
	v15 =	vshrl.u32 v14, $0x10  }
0xb3: {  	v10 =	vadd.f32 v11, v10;
	v11 =	vadd.s32 $0x7FFF, v12;
	v12 =	vand.u32 $0x1, v15;
	v15 =	vld [tilespmem:$0x115E0]  }
0xb4: {  	v9 =	vadd.s32 $0x7FFF, v9;
	v11 =	vand.u32 $0xFFFF0000, v11;
	v12 =	vadd.s32 v12, v14  }
0xb5: {  	v9 =	vand.u32 $0xFFFF0000, v9;
	v10 =	vadd.f32 v11, v10;
	v11 =	vadd.s32 $0x7FFF, v12;
	v12 =	vld [tilespmem:$0x116E0]  }
0xb6: {  	v8 =	vadd.f32 v9, v8;
	v9 =	vand.u32 $0xFFFF0000, v11;
	v11 =	vshrl.u32 v13, $0x10  }
0xb7: {  	v14 =	vld [tilespmem:$0x117E0];
	v9 =	vadd.f32 v9, v10;
	v10 =	vshrl.u32 v34, $0x10;
	v11 =	vand.u32 $0x1, v11  }
0xb8: {  	v10 =	vand.u32 $0x1, v10;
	v11 =	vadd.s32 v11, v13;
	v13 =	vshrl.u32 v15, $0x10  }
0xb9: {  	v35 =	vld [tilespmem:$0x118E0];
	v10 =	vadd.s32 v10, v34;
	v11 =	vadd.s32 $0x7FFF, v11;
	v13 =	vand.u32 $0x1, v13  }
0xba: {  	v11 =	vand.u32 $0xFFFF0000, v11;
	v13 =	vadd.s32 v13, v15;
	v15 =	vshrl.u32 v12, $0x10  }
0xbb: {  	v17 =	vld [tilespmem:$0x119E0];
	v11 =	vadd.f32 $0.0e+00, v11;
	v13 =	vadd.s32 $0x7FFF, v13;
	v15 =	vand.u32 $0x1, v15  }
0xbc: {  	v13 =	vand.u32 $0xFFFF0000, v13;
	v12 =	vadd.s32 v15, v12;
	v15 =	vshrl.u32 v14, $0x10  }
0xbd: {  	v11 =	vadd.f32 v13, v11;
	v12 =	vadd.s32 $0x7FFF, v12;
	v13 =	vand.u32 $0x1, v15;
	v15 =	vld [tilespmem:$0x11AE0]  }
0xbe: {  	v12 =	vand.u32 $0xFFFF0000, v12;
	v13 =	vadd.s32 v13, v14;
	v14 =	vshrl.u32 v35, $0x10  }
0xbf: {  	v11 =	vadd.f32 v12, v11;
	v12 =	vadd.s32 $0x7FFF, v13;
	v13 =	vand.u32 $0x1, v14  }
0xc0: {  	v37 =	vld [tilespmem:$0x11BE0];
	v14 =	vshrl.u32 v17, $0x10;
	v12 =	vand.u32 $0xFFFF0000, v12;
	v13 =	vadd.s32 v13, v35  }
0xc1: {  	v11 =	vadd.f32 v12, v11;
	v12 =	vadd.s32 $0x7FFF, v13;
	v13 =	vand.u32 $0x1, v14;
	v14 =	vld [tilespmem:$0x114F0]  }
0xc2: {  	v57 =	vld [tilespmem:$0x11810];
	v12 =	vand.u32 $0xFFFF0000, v12;
	v13 =	vadd.s32 v13, v17;
	v36 =	vshrl.u32 v15, $0x10  }
0xc3: {  	v38 =	vld [tilespmem:$0x115F0];
	v11 =	vadd.f32 v12, v11;
	v12 =	vadd.s32 $0x7FFF, v13;
	v13 =	vand.u32 $0x1, v36  }
0xc4: {  	v10 =	vadd.s32 $0x7FFF, v10;
	v12 =	vand.u32 $0xFFFF0000, v12;
	v13 =	vadd.s32 v13, v15  }
0xc5: {  	v10 =	vand.u32 $0xFFFF0000, v10;
	v11 =	vadd.f32 v12, v11;
	v12 =	vadd.s32 $0x7FFF, v13;
	v13 =	vld [tilespmem:$0x116F0]  }
0xc6: {  	v9 =	vadd.f32 v10, v9;
	v10 =	vand.u32 $0xFFFF0000, v12;
	v12 =	vshrl.u32 v14, $0x10  }
0xc7: {  	v61 =	vshrl.u32 v57, $0x10;
	v15 =	vld [tilespmem:$0x117F0];
	v10 =	vadd.f32 v10, v11;
	v12 =	vand.u32 $0x1, v12  }
0xc8: {  	v11 =	vshrl.u32 v37, $0x10;
	v12 =	vadd.s32 v12, v14;
	v14 =	vshrl.u32 v38, $0x10  }
0xc9: {  	v39 =	vld [tilespmem:$0x118F0];
	v11 =	vand.u32 $0x1, v11;
	v12 =	vadd.s32 $0x7FFF, v12;
	v14 =	vand.u32 $0x1, v14  }
0xca: {  	v12 =	vand.u32 $0xFFFF0000, v12;
	v14 =	vadd.s32 v14, v38;
	v40 =	vshrl.u32 v13, $0x10  }
0xcb: {  	v18 =	vld [tilespmem:$0x119F0];
	v12 =	vadd.f32 $0.0e+00, v12;
	v14 =	vadd.s32 $0x7FFF, v14;
	v16 =	vand.u32 $0x1, v40  }
0xcc: {  	v41 =	vshrl.u32 v15, $0x10;
	v14 =	vand.u32 $0xFFFF0000, v14;
	v13 =	vadd.s32 v16, v13  }
0xcd: {  	v12 =	vadd.f32 v14, v12;
	v13 =	vadd.s32 $0x7FFF, v13;
	v14 =	vand.u32 $0x1, v41  }
0xce: {  	v13 =	vand.u32 $0xFFFF0000, v13;
	v14 =	vadd.s32 v14, v15;
	v15 =	vshrl.u32 v39, $0x10  }
0xcf: {  	v45 =	vld [tilespmem:$0x11600];
	v12 =	vadd.f32 v13, v12;
	v13 =	vadd.s32 $0x7FFF, v14;
	v14 =	vand.u32 $0x1, v15  }
0xd0: {  	v59 =	vld [tilespmem:$0x11910];
	v15 =	vshrl.u32 v18, $0x10;
	v13 =	vand.u32 $0xFFFF0000, v13;
	v14 =	vadd.s32 v14, v39  }
0xd1: {  	v12 =	vadd.f32 v13, v12;
	v13 =	vadd.s32 $0x7FFF, v14;
	v14 =	vand.u32 $0x1, v15;
	v15 =	vld [tilespmem:$0x11500]  }
0xd2: {  	v20 =	vld [tilespmem:$0x11A10];
	v11 =	vadd.s32 v11, v37;
	v13 =	vand.u32 $0xFFFF0000, v13;
	v14 =	vadd.s32 v14, v18  }
0xd3: {  	v63 =	vld [tilespmem:$0x11B10];
	v12 =	vadd.f32 v13, v12;
	v13 =	vadd.s32 $0x7FFF, v14;
	v14 =	vand.u32 $0x1, v43  }
0xd4: {  	v11 =	vadd.s32 $0x7FFF, v11;
	v13 =	vand.u32 $0xFFFF0000, v13;
	v14 =	vadd.s32 v14, v42  }
0xd5: {  	v11 =	vand.u32 $0xFFFF0000, v11;
	v12 =	vadd.f32 v13, v12;
	v13 =	vadd.s32 $0x7FFF, v14;
	v14 =	vld [tilespmem:$0x11700]  }
0xd6: {  	v10 =	vadd.f32 v11, v10;
	v11 =	vand.u32 $0xFFFF0000, v13;
	v13 =	vshrl.u32 v15, $0x10  }
0xd7: {  	v24 =	vshrl.u32 v59, $0x10;
	v26 =	vshrl.u32 v20, $0x10;
	v13 =	vand.u32 $0x1, v13  }
0xd8: {  	v29 =	vshrl.u32 v63, $0x10;
	v13 =	vadd.s32 v13, v15;
	v15 =	vshrl.u32 v45, $0x10  }
0xd9: {  	v44 =	vld [tilespmem:$0x11BF0];
	v62 =	vand.u32 $0x1, v61;
	v13 =	vadd.s32 $0x7FFF, v13;
	v15 =	vand.u32 $0x1, v15  }
0xda: {  	v13 =	vand.u32 $0xFFFF0000, v13;
	v15 =	vadd.s32 v15, v45;
	v48 =	vshrl.u32 v14, $0x10  }
0xdb: {  	v13 =	vadd.f32 $0.0e+00, v13;
	v15 =	vadd.s32 $0x7FFF, v15;
	v17 =	vand.u32 $0x1, v48  }
0xdc: {  	v11 =	vadd.f32 v11, v12;
	v15 =	vand.u32 $0xFFFF0000, v15;
	v14 =	vadd.s32 v17, v14  }
0xdd: {  	v13 =	vadd.f32 v15, v13;
	v14 =	vadd.s32 $0x7FFF, v14;
	v15 =	vand.u32 $0x1, v49  }
0xde: {  	v12 =	vshrl.u32 v44, $0x10;
	v14 =	vand.u32 $0xFFFF0000, v14;
	v15 =	vadd.s32 v15, v46  }
0xdf: {  	v13 =	vadd.f32 v14, v13;
	v14 =	vadd.s32 $0x7FFF, v15;
	v15 =	vand.u32 $0x1, v51  }
0xe0: {  	v12 =	vand.u32 $0x1, v12;
	v14 =	vand.u32 $0xFFFF0000, v14;
	v15 =	vadd.s32 v15, v47  }
0xe1: {  	v53 =	vld [tilespmem:$0x11510];
	v13 =	vadd.f32 v14, v13;
	v14 =	vadd.s32 $0x7FFF, v15;
	v15 =	vand.u32 $0x1, v52  }
0xe2: {  	v12 =	vadd.s32 v12, v44;
	v14 =	vand.u32 $0xFFFF0000, v14;
	v15 =	vadd.s32 v15, v19  }
0xe3: {  	v22 =	vld [tilespmem:$0x11A30];
	v13 =	vadd.f32 v14, v13;
	v14 =	vadd.s32 $0x7FFF, v15;
	v15 =	vand.u32 $0x1, v54  }
0xe4: {  	v32 =	vld [tilespmem:$0x11620];
	v12 =	vadd.s32 $0x7FFF, v12;
	v14 =	vand.u32 $0xFFFF0000, v14;
	v15 =	vadd.s32 v15, v50  }
0xe5: {  	v12 =	vand.u32 $0xFFFF0000, v12;
	v13 =	vadd.f32 v14, v13;
	v14 =	vadd.s32 $0x7FFF, v15;
	v15 =	vld [tilespmem:$0x11710]  }
0xe6: {  	v11 =	vadd.f32 v12, v11;
	v12 =	vand.u32 $0xFFFF0000, v14;
	v14 =	vshrl.u32 v53, $0x10  }
0xe7: {  	v33 =	vld [tilespmem:$0x11720];
	v25 =	vand.u32 $0x1, v24;
	v27 =	vand.u32 $0x1, v26;
	v14 =	vand.u32 $0x1, v14  }
0xe8: {  	v31 =	vand.u32 $0x1, v29;
	[tilespmem:$0x13480] =	vst v4;
	v4 =	vshrl.u32 v22, $0x10;
	v34 =	vld [tilespmem:$0x11820];
	v14 =	vadd.s32 v14, v53  }
0xe9: {  	v35 =	vshrl.u32 v32, $0x10;
	v36 =	vld [tilespmem:$0x11920];
	v16 =	vand.u32 $0x1, v58;
	v14 =	vadd.s32 $0x7FFF, v14  }
0xea: {  	v16 =	vadd.s32 v16, v56;
	v14 =	vand.u32 $0xFFFF0000, v14;
	v60 =	vshrl.u32 v15, $0x10  }
0xeb: {  	v16 =	vadd.s32 $0x7FFF, v16;
	v14 =	vadd.f32 $0.0e+00, v14;
	v18 =	vand.u32 $0x1, v60  }
0xec: {  	v55 =	vld [tilespmem:$0x11C00];
	v37 =	vshrl.u32 v33, $0x10;
	v16 =	vand.u32 $0xFFFF0000, v16;
	v15 =	vadd.s32 v18, v15  }
0xed: {  	v38 =	vshrl.u32 v34, $0x10;
	v14 =	vadd.f32 v16, v14;
	v15 =	vadd.s32 $0x7FFF, v15  }
0xee: {  	v41 =	vshrl.u32 v36, $0x10;
	v16 =	vadd.s32 v62, v57;
	v15 =	vand.u32 $0xFFFF0000, v15  }
0xef: {  	v39 =	vand.u32 $0x1, v38;
	v14 =	vadd.f32 v15, v14;
	v15 =	vadd.s32 $0x7FFF, v16  }
0xf0: {  	v12 =	vadd.f32 v12, v13;
	v16 =	vadd.s32 v25, v59;
	v15 =	vand.u32 $0xFFFF0000, v15  }
0xf1: {  	v28 =	vld [tilespmem:$0x11520];
	v13 =	vshrl.u32 v55, $0x10;
	v14 =	vadd.f32 v15, v14;
	v15 =	vadd.s32 $0x7FFF, v16  }
0xf2: {  	v13 =	vand.u32 $0x1, v13;
	v16 =	vadd.s32 v27, v20;
	v15 =	vand.u32 $0xFFFF0000, v15  }
0xf3: {  	v21 =	vld [tilespmem:$0x11A20];
	v13 =	vadd.s32 v13, v55;
	v14 =	vadd.f32 v15, v14;
	v15 =	vadd.s32 $0x7FFF, v16  }
0xf4: {  	v40 =	vld [tilespmem:$0x11B20];
	v13 =	vadd.s32 $0x7FFF, v13;
	v16 =	vadd.s32 v31, v63;
	v15 =	vand.u32 $0xFFFF0000, v15  }
0xf5: {  	v13 =	vand.u32 $0xFFFF0000, v13;
	v14 =	vadd.f32 v15, v14;
	v15 =	vadd.s32 $0x7FFF, v16  }
0xf6: {  	v56 =	vld [tilespmem:$0x11830];
	v12 =	vadd.f32 v13, v12;
	v13 =	vand.u32 $0xFFFF0000, v15;
	v15 =	vshrl.u32 v28, $0x10  }
0xf7: {  	v43 =	vand.u32 $0x1, v41;
	v17 =	vand.u32 $0x1, v35;
	v47 =	vld [tilespmem:$0x11530];
	v15 =	vand.u32 $0x1, v15  }
0xf8: {  	v44 =	vshrl.u32 v21, $0x10;
	v17 =	vadd.s32 v17, v32;
	v15 =	vadd.s32 v15, v28  }
0xf9: {  	v48 =	vshrl.u32 v40, $0x10;
	v17 =	vadd.s32 $0x7FFF, v17;
	v52 =	vld [tilespmem:$0x11630];
	v15 =	vadd.s32 $0x7FFF, v15  }
0xfa: {  	v46 =	vand.u32 $0x1, v44;
	v17 =	vand.u32 $0xFFFF0000, v17;
	v15 =	vand.u32 $0xFFFF0000, v15  }
0xfb: {  	v51 =	vand.u32 $0x1, v48;
	v19 =	vand.u32 $0x1, v37;
	v15 =	vadd.f32 $0.0e+00, v15  }
0xfc: {  	v55 =	vshrl.u32 v47, $0x10;
	v60 =	vshrl.u32 v56, $0x10;
	v16 =	vadd.s32 v19, v33  }
0xfd: {  	v54 =	vld [tilespmem:$0x11730];
	v61 =	vand.u32 $0x1, v60;
	v16 =	vadd.s32 $0x7FFF, v16;
	v15 =	vadd.f32 v17, v15  }
0xfe: {  	v57 =	vshrl.u32 v52, $0x10;
	v16 =	vand.u32 $0xFFFF0000, v16;
	v17 =	vadd.s32 v39, v34  }
0xff: {  	v30 =	vld [tilespmem:$0x11C10];
	[tilespmem:$0x13460] =	vst v2;
	v2 =	vadd.s32 v61, v56;
	v42 =	vadd.s32 $0x7FFF, v17;
	v15 =	vadd.f32 v16, v15  }
0x100: {  	v18 =	vand.u32 $0x1, v57;
	v17 =	vadd.s32 v43, v36;
	v16 =	vand.u32 $0xFFFF0000, v42  }
0x101: {  	v18 =	vadd.s32 v18, v52;
	v45 =	vadd.s32 $0x7FFF, v17;
	v15 =	vadd.f32 v16, v15  }
0x102: {  	v59 =	vshrl.u32 v54, $0x10;
	v17 =	vadd.s32 v46, v21;
	v16 =	vand.u32 $0xFFFF0000, v45  }
0x103: {  	v18 =	vadd.s32 $0x7FFF, v18;
	v50 =	vadd.s32 $0x7FFF, v17;
	v15 =	vadd.f32 v16, v15  }
0x104: {  	v13 =	vadd.f32 v13, v14;
	v14 =	vshrl.u32 v30, $0x10;
	v16 =	vand.u32 $0xFFFF0000, v50  }
0x105: {  	v14 =	vand.u32 $0x1, v14;
	v15 =	vadd.f32 v16, v15;
	v16 =	vand.u32 $0x1, v55  }
0x106: {  	v49 =	vld [tilespmem:$0x11C20];
	v20 =	vand.u32 $0x1, v59;
	v14 =	vadd.s32 v14, v30;
	v16 =	vadd.s32 v16, v47  }
0x107: {  	[tilespmem:$0x13440] =	vst v0;
	v58 =	vld [tilespmem:$0x11930];
	v0 =	vand.u32 $0xFFFF0000, v18;
	v14 =	vadd.s32 $0x7FFF, v14;
	v16 =	vadd.s32 $0x7FFF, v16  }
0x108: {  	v14 =	vand.u32 $0xFFFF0000, v14;
	v17 =	vadd.s32 v51, v40;
	v16 =	vand.u32 $0xFFFF0000, v16  }
0x109: {  	v53 =	vadd.s32 $0x7FFF, v17;
	v17 =	vadd.s32 v20, v54;
	v16 =	vadd.f32 $0.0e+00, v16  }
0x10a: {  	[tilespmem:$0x13450] =	vst v1;
	v13 =	vadd.f32 v14, v13;
	v14 =	vand.u32 $0xFFFF0000, v53;
	v1 =	vadd.s32 $0x7FFF, v17  }
0x10b: {  	v62 =	vld [tilespmem:$0x11B30];
	v14 =	vadd.f32 v14, v15;
	v15 =	vshrl.u32 v49, $0x10;
	v0 =	vadd.f32 v0, v16  }
0x10c: {  	v63 =	vshrl.u32 v58, $0x10;
	v1 =	vand.u32 $0xFFFF0000, v1;
	v15 =	vand.u32 $0x1, v15  }
0x10d: {  	[tilespmem:$0x13470] =	vst v3;
	v3 =	vld [tilespmem:$0x11C30];
	v0 =	vadd.f32 v1, v0;
	v1 =	vadd.s32 $0x7FFF, v2;
	v2 =	vand.u32 $0x1, v63  }
0x10e: {  	v15 =	vadd.s32 v15, v49;
	v1 =	vand.u32 $0xFFFF0000, v1;
	v2 =	vadd.s32 v2, v58  }
0x10f: {  	[tilespmem:$0x13490] =	vst v5;
	v0 =	vadd.f32 v1, v0;
	v1 =	vadd.s32 $0x7FFF, v2;
	v2 =	vand.u32 $0x1, v4  }
0x110: {  	[tilespmem:$0x134A0] =	vst v6;
	v4 =	vshrl.u32 v62, $0x10;
	v1 =	vand.u32 $0xFFFF0000, v1;
	v2 =	vadd.s32 v2, v22  }
0x111: {  	[tilespmem:$0x134B0] =	vst v7;
	v0 =	vadd.f32 v1, v0;
	v1 =	vadd.s32 $0x7FFF, v2;
	v2 =	vand.u32 $0x1, v4  }
0x112: {  	[tilespmem:$0x134C0] =	vst v8;
	v4 =	vshrl.u32 v3, $0x10;
	v1 =	vand.u32 $0xFFFF0000, v1;
	v2 =	vadd.s32 v2, v62  }
0x113: {  	[tilespmem:$0x134D0] =	vst v9;
	v0 =	vadd.f32 v1, v0;
	v1 =	vadd.s32 $0x7FFF, v2;
	v2 =	vand.u32 $0x1, v4  }
0x114: {  	[tilespmem:$0x134E0] =	vst v10;
	v4 =	vadd.s32 $0x7FFF, v15;
	v1 =	vand.u32 $0xFFFF0000, v1;
	v2 =	vadd.s32 v2, v3  }
0x115: {  	[tilespmem:$0x134F0] =	vst v11;
	v3 =	vand.u32 $0xFFFF0000, v4;
	v0 =	vadd.f32 v1, v0;
	v1 =	vadd.s32 $0x7FFF, v2  }
0x116: {  	s21 =	smul.u32 $0xA000, s0;
	[tilespmem:$0x13500] =	vst v12;
	v2 =	vadd.f32 v3, v14;
	v1 =	vand.u32 $0xFFFF0000, v1  }
0x117: {  	[tilespmem:$0x13510] =	vst v13;
	v0 =	vadd.f32 v1, v0  }
0x118: {  	s4 =	sshrl.u32 s21, $0x2;
	[tilespmem:$0x13520] =	vst v2  }
0x119: {  	s22 =	simm.s32 $0x13440;
	s4 =	sadd.s32 s4, s5;
	[tilespmem:$0x13530] =	vst v0  }
0x11a: {  	[spmem:s4] =	stream.linear.scatter [tilespmem:s22], [sflag:$0x3], $0x100, $0x38;
	[tilespmem:$0x194E0] =	vst v63  }
0x11b: {  	_ =	swait.ge [sflag:s20], $0x100  }
0x11c: {  	s24 =	simm.s32 $0x10;
	[sflag:s20] =	ssyncset.done $0x0  }
0x11d: {  	s11 =	simm.s32 $0x2800;
	s23 =	sshll.u32 s0, $0x4;
	[sflag:s20] =	ssyncadd.s32 $0xFFFFFF00  }
0x11e: {  	s12 =	simm.s32 $0x13550;
	s9 =	sadd.s32 s23, s5;
	[bflag:$0x0] =	sbarrier.arrive $0xFFFF  }
0x11f: {  	[tilespmem:s12], [sflag:$0x3] =	stream.strided.gather [spmem:s9], $0x100, s11, s24, $0x38;
	[tilespmem:$0x194E0] =	vst v63  }
0x120: {  	_ =	swait.ge [sflag:s20], $0x100  }
0x121: {  	[sflag:s20] =	ssyncset.done $0x0  }
0x122: {  	[sflag:s20] =	ssyncadd.s32 $0xFFFFFF00  }
0x123: {  	v0 =	vld [tilespmem:$0x13550]  }
0x124: {  	v1 =	vld [tilespmem:$0x13560];
	_ =	sdelay $0x1  }
0x125: {  	v2 =	vld [tilespmem:$0x13570];
	_ =	sdelay $0x1  }
0x126: {  	v3 =	vld [tilespmem:$0x13580]  }
0x127: {  	v0 =	vadd.f32 v1, v0  }
0x128: {  	v1 =	vld [tilespmem:$0x13590]  }
0x129: {  	v0 =	vadd.f32 v2, v0  }
0x12a: {  	v2 =	vld [tilespmem:$0x135A0]  }
0x12b: {  	v0 =	vadd.f32 v3, v0  }
0x12c: {  	v3 =	vld [tilespmem:$0x135B0]  }
0x12d: {  	v0 =	vadd.f32 v1, v0  }
0x12e: {  	v1 =	vld [tilespmem:$0x135C0]  }
0x12f: {  	v0 =	vadd.f32 v2, v0  }
0x130: {  	v2 =	vld [tilespmem:$0x135D0]  }
0x131: {  	v0 =	vadd.f32 v3, v0  }
0x132: {  	v3 =	vld [tilespmem:$0x135E0]  }
0x133: {  	v0 =	vadd.f32 v1, v0  }
0x134: {  	v1 =	vld [tilespmem:$0x135F0]  }
0x135: {  	v0 =	vadd.f32 v2, v0  }
0x136: {  	v2 =	vld [tilespmem:$0x13600]  }
0x137: {  	v0 =	vadd.f32 v3, v0  }
0x138: {  	v3 =	vld [tilespmem:$0x13610]  }
0x139: {  	v0 =	vadd.f32 v1, v0  }
0x13a: {  	v1 =	vld [tilespmem:$0x13620]  }
0x13b: {  	v0 =	vadd.f32 v2, v0  }
0x13c: {  	v2 =	vld [tilespmem:$0x13630]  }
0x13d: {  	v0 =	vadd.f32 v3, v0  }
0x13e: {  	v3 =	vld [tilespmem:$0x13640]  }
0x13f: {  	v0 =	vadd.f32 v1, v0;
	_ =	sdelay $0x1  }
0x140: {  	v0 =	vadd.f32 v2, v0;
	_ =	sdelay $0x1  }
0x141: {  	v0 =	vadd.f32 v3, v0  }
0x142: {  	s25 =	sshll.u32 s0, $0x7  }
0x143: {  	s9 =	sadd.s32 s25, s6;
	v0 =	vmax.f32 v0, $0.0e+00  }
0x144: {  	s26 =	simm.s32 $0x11C40;
	s9 =	sadd.s32 $0x1400, s9;
	[tilespmem:$0x13540] =	vst v0  }
0x145: {  	[tilespmem:s26], [sflag:$0x3] =	stream.linear.gather [hbm4b:s9+s7], $0x400, $0x38;
	[tilespmem:$0x194E0] =	vst v63  }
0x146: {  	_ =	swait.ge [sflag:s20], $0x400  }
0x147: {  	[sflag:s20] =	ssyncset.done $0x0  }
0x148: {  	s28 =	simm.s32 $0x11C60;
	[sflag:s20] =	ssyncadd.s32 $0xFFFFFC00  }
0x149: {  	v1 =	vld [tilespmem:s28+$0x10]  }
0x14a: {  	v3 =	vld [tilespmem:s28+$0xFFFFFFE0]  }
0x14b: {  	v2 =	vmov s7;
	v4 =	vld [tilespmem:s28+$0xFFFFFFF0];
	_ =	sdelay $0x1  }
0x14c: {  	v6 =	vld [tilespmem:s28+$0x0]  }
0x14d: {  	s29 =	simm.s32 $0x1  }
0x14e: {  	v9 =	vmov s29;
	s7 =	simm.s32 $0x13540;
	v5 =	vshrl.u32 v1, $0x10  }
0x14f: {  	v2 =	vld.idx.msk [tilespmem:v2+s7+$0x0], $0xffff;
	v7 =	vshrl.u32 v3, $0x10;
	v8 =	vshrl.u32 v4, $0x10;
	v5 =	vand.u32 $0x1, v5  }
0x150: {  	s30 =	simm.s32 $0x11CA0;
	v7 =	vand.u32 $0x1, v7;
	v1 =	vadd.s32 v5, v1;
	v5 =	vand.u32 $0x1, v8  }
0x151: {  	v11 =	vld [tilespmem:s30+$0x10];
	v8 =	vshrl.u32 v6, $0x10;
	v3 =	vadd.s32 v7, v3;
	v1 =	vadd.s32 $0x7FFF, v1  }
0x152: {  	v8 =	vand.u32 $0x1, v8;
	v4 =	vadd.s32 v5, v4;
	v5 =	vld [tilespmem:s30+$0xFFFFFFE0];
	v3 =	vadd.s32 $0x7FFF, v3  }
0x153: {  	v7 =	vld [tilespmem:s30+$0xFFFFFFF0];
	v1 =	vand.u32 $0xFFFF0000, v1;
	v4 =	vadd.s32 $0x7FFF, v4;
	v6 =	vadd.s32 v8, v6  }
0x154: {  	v3 =	vand.u32 $0xFFFF0000, v3;
	v1 =	vmul.f32 v1, v2;
	v8 =	vadd.s32 $0x7FFF, v6  }
0x155: {  	v3 =	vmul.f32 v3, v2;
	v4 =	vand.u32 $0xFFFF0000, v4;
	v8 =	vand.u32 $0xFFFF0000, v8  }
0x156: {  	v10 =	vmul.f32 v4, v2;
	v4 =	vmul.f32 v8, v2;
	v2 =	vshrl.u32 v11, $0x10  }
0x157: {  	v0 =	vimm.f32 $0.0e+00;
	v6 =	vld [tilespmem:s30+$0x0];
	v8 =	vshrl.u32 v5, $0x10;
	v12 =	vand.u32 $0x1, v2  }
0x158: {  	v2 =	vadd.f32 v10, v0;
	v10 =	vand.u32 $0x1, v8;
	v8 =	vshrl.u32 v7, $0x10  }
0x159: {  	v12 =	vadd.s32 v12, v11;
	v11 =	vand.u32 $0x1, v8;
	v8 =	vld.idx.msk [tilespmem:v9+s7+$0x0], $0xffff;
	_ =	sdelay $0x1  }
0x15a: {  	v1 =	vadd.f32 v1, v0  }
0x15b: {  	s31 =	simm.s32 $0x2;
	v3 =	vadd.f32 v3, v0;
	v13 =	vshrl.u32 v6, $0x10;
	v14 =	vadd.s32 $0x7FFF, v12  }
0x15c: {  	s8 =	simm.s32 $0x11CE0;
	s6 =	sadd.s32 $0x1C00, s6;
	s9 =	simm.s32 $0x3;
	v9 =	vmov s31;
	v12 =	vand.u32 $0x1, v13;
	v13 =	vand.u32 $0xFFFF0000, v14  }
.LBB2_1:
0x15d: {  	p0 =	sne.s32 s9, $0xF;
	v14 =	vld [tilespmem:s8+$0x10];
	v10 =	vadd.s32 v10, v5;
	v7 =	vadd.s32 v11, v7;
	v11 =	vmul.f32 v13, v8  }
0x15e: {  	v6 =	vadd.s32 v12, v6;
	v5 =	vld [tilespmem:s8+$0xFFFFFFE0];
	v10 =	vadd.s32 $0x7FFF, v10;
	v13 =	vadd.s32 $0x7FFF, v7  }
0x15f: {  	v12 =	vadd.s32 $0x7FFF, v6;
	v7 =	vld [tilespmem:s8+$0xFFFFFFF0];
	v10 =	vand.u32 $0xFFFF0000, v10;
	v1 =	vadd.f32 v11, v1  }
0x160: {  	v11 =	vand.u32 $0xFFFF0000, v13;
	v12 =	vand.u32 $0xFFFF0000, v12;
	v6 =	vld [tilespmem:s8+$0x0];
	v10 =	vmul.f32 v10, v8  }
0x161: {  	v0 =	vadd.f32 v4, v0;
	v11 =	vmul.f32 v11, v8;
	v4 =	vmul.f32 v12, v8;
	v8 =	vld.idx.msk [tilespmem:v9+s7+$0x0], $0xffff  }
.Ltmp0:
0x162: {  	v9 =	vshrl.u32 v14, $0x10;
	v3 =	vadd.f32 v10, v3;
	(pc) =	sbr.rel @p0 .LBB2_1-.Ltmp0, $4  }
0x163: {  	v2 =	vadd.f32 v11, v2;
	v10 =	vshrl.u32 v5, $0x10;
	v9 =	vand.u32 $0x1, v9  }
0x164: {  	v10 =	vand.u32 $0x1, v10;
	v11 =	vshrl.u32 v7, $0x10;
	v9 =	vadd.s32 v9, v14  }
0x165: {  	v11 =	vand.u32 $0x1, v11;
	v12 =	vshrl.u32 v6, $0x10;
	v13 =	vadd.s32 $0x7FFF, v9  }
0x166: {  	s8 =	sadd.s32 $0x40, s8;
	v9 =	vmov s9;
	s9 =	sadd.s32 $0x1, s9;
	v12 =	vand.u32 $0x1, v12;
	v13 =	vand.u32 $0xFFFF0000, v13  }
0x167: {  	v14 =	vld [tilespmem:s8+$0x10]  }
0x168: {  	v46 =	vld [tilespmem:s8+$0xFFFFFFE0]  }
0x169: {  	v5 =	vadd.s32 v10, v5;
	v7 =	vadd.s32 v11, v7;
	v48 =	vld [tilespmem:s8+$0xFFFFFFF0]  }
0x16a: {  	v47 =	vmul.f32 v13, v8;
	v6 =	vadd.s32 v12, v6;
	v49 =	vld [tilespmem:s8+$0x0];
	v5 =	vadd.s32 $0x7FFF, v5  }
0x16b: {  	v7 =	vadd.s32 $0x7FFF, v7;
	v6 =	vadd.s32 $0x7FFF, v6;
	v5 =	vand.u32 $0xFFFF0000, v5  }
0x16c: {  	v7 =	vand.u32 $0xFFFF0000, v7;
	v6 =	vand.u32 $0xFFFF0000, v6;
	v5 =	vmul.f32 v5, v8  }
0x16d: {  	v0 =	vadd.f32 v4, v0;
	v7 =	vmul.f32 v7, v8;
	v6 =	vmul.f32 v6, v8  }
0x16e: {  	v4 =	vshrl.u32 v14, $0x10;
	v3 =	vadd.f32 v5, v3;
	v5 =	vshrl.u32 v46, $0x10  }
0x16f: {  	v8 =	vld.idx.msk [tilespmem:v9+s7+$0x0], $0xffff;
	v2 =	vadd.f32 v7, v2;
	v7 =	vshrl.u32 v48, $0x10;
	v50 =	vshrl.u32 v49, $0x10  }
0x170: {  	v0 =	vadd.f32 v6, v0;
	v4 =	vand.u32 $0x1, v4;
	v5 =	vand.u32 $0x1, v5  }
0x171: {  	v7 =	vand.u32 $0x1, v7;
	v9 =	vand.u32 $0x1, v50;
	v5 =	vadd.s32 v5, v46  }
0x172: {  	v4 =	vadd.s32 v4, v14;
	v7 =	vadd.s32 v7, v48;
	v5 =	vadd.s32 $0x7FFF, v5  }
0x173: {  	v9 =	vadd.s32 v9, v49;
	v7 =	vadd.s32 $0x7FFF, v7;
	v5 =	vand.u32 $0xFFFF0000, v5  }
0x174: {  	v9 =	vadd.s32 $0x7FFF, v9;
	v7 =	vand.u32 $0xFFFF0000, v7;
	v5 =	vmul.f32 v5, v8  }
0x175: {  	v4 =	vadd.s32 $0x7FFF, v4;
	v9 =	vand.u32 $0xFFFF0000, v9;
	v7 =	vmul.f32 v7, v8  }
0x176: {  	v4 =	vand.u32 $0xFFFF0000, v4;
	v9 =	vmul.f32 v9, v8;
	v3 =	vadd.f32 v5, v3  }
0x177: {  	v1 =	vadd.f32 v47, v1;
	v4 =	vmul.f32 v4, v8;
	v2 =	vadd.f32 v7, v2  }
0x178: {  	v0 =	vadd.f32 v9, v0;
	[tilespmem:$0x13A50] =	vst v3  }
0x179: {  	v1 =	vadd.f32 v4, v1;
	[tilespmem:$0x13A60] =	vst v2  }
0x17a: {  	[tilespmem:$0x13A70] =	vst v0  }
0x17b: {  	s28 =	sadd.s32 $0x100, s4;
	s29 =	simm.s32 $0x3;
	s7 =	simm.s32 $0x13A50;
	[tilespmem:$0x13A80] =	vst v1  }
0x17c: {  	[spmem:s28] =	stream.linear.scatter [tilespmem:s7], [sflag:$0x3], $0x40, $0x38;
	[tilespmem:$0x194E0] =	vst v63  }
0x17d: {  	_ =	swait.ge [sflag:s29], $0x40  }
0x17e: {  	[sflag:s29] =	ssyncset.done $0x0  }
0x17f: {  	s9 =	sadd.s32 $0x100, s5;
	s10 =	simm.s32 $0x40;
	[sflag:s29] =	ssyncadd.s32 $0xFFFFFFC0  }
0x180: {  	s11 =	simm.s32 $0x2800;
	s12 =	simm.s32 $0x13650;
	[bflag:$0x0] =	sbarrier.arrive $0xFFFF  }
0x181: {  	[tilespmem:s12], [sflag:$0x3] =	stream.strided.gather [spmem:s9], $0x400, s11, s10, $0x38;
	[tilespmem:$0x194E0] =	vst v63  }
0x182: {  	_ =	swait.ge [sflag:s29], $0x400  }
0x183: {  	[sflag:s29] =	ssyncset.done $0x0  }
0x184: {  	[sflag:s29] =	ssyncadd.s32 $0xFFFFFC00  }
0x185: {  	v0 =	vld [tilespmem:$0x13650]  }
0x186: {  	v1 =	vld [tilespmem:$0x13690]  }
0x187: {  	v2 =	vld [tilespmem:$0x136D0]  }
0x188: {  	v3 =	vld [tilespmem:$0x13710]  }
0x189: {  	v4 =	vld [tilespmem:$0x13750]  }
0x18a: {  	v5 =	vld [tilespmem:$0x13790]  }
0x18b: {  	v6 =	vld [tilespmem:$0x137D0]  }
0x18c: {  	v7 =	vld [tilespmem:$0x13810]  }
0x18d: {  	v8 =	vld [tilespmem:$0x13850]  }
0x18e: {  	v51 =	vld [tilespmem:$0x13890]  }
0x18f: {  	v52 =	vld [tilespmem:$0x138D0]  }
0x190: {  	v53 =	vld [tilespmem:$0x13910]  }
0x191: {  	v54 =	vld [tilespmem:$0x13950]  }
0x192: {  	v55 =	vld [tilespmem:$0x13990]  }
0x193: {  	v56 =	vld [tilespmem:$0x139D0]  }
0x194: {  	v15 =	vld [tilespmem:$0x13A10]  }
0x195: {  	v16 =	vld [tilespmem:$0x13660]  }
0x196: {  	v17 =	vld [tilespmem:$0x136A0]  }
0x197: {  	v18 =	vld [tilespmem:$0x136E0]  }
0x198: {  	v19 =	vld [tilespmem:$0x13720]  }
0x199: {  	v20 =	vld [tilespmem:$0x13760]  }
0x19a: {  	v21 =	vld [tilespmem:$0x137A0]  }
0x19b: {  	v22 =	vld [tilespmem:$0x137E0]  }
0x19c: {  	v23 =	vld [tilespmem:$0x13820]  }
0x19d: {  	v24 =	vld [tilespmem:$0x13860]  }
0x19e: {  	v25 =	vld [tilespmem:$0x138A0]  }
0x19f: {  	v26 =	vld [tilespmem:$0x138E0]  }
0x1a0: {  	v27 =	vld [tilespmem:$0x13920]  }
0x1a1: {  	v28 =	vld [tilespmem:$0x13960]  }
0x1a2: {  	v29 =	vld [tilespmem:$0x139A0]  }
0x1a3: {  	v30 =	vld [tilespmem:$0x139E0]  }
0x1a4: {  	v31 =	vld [tilespmem:$0x13A20]  }
0x1a5: {  	v32 =	vld [tilespmem:$0x13670]  }
0x1a6: {  	v33 =	vld [tilespmem:$0x136B0]  }
0x1a7: {  	v34 =	vld [tilespmem:$0x13680]  }
0x1a8: {  	v35 =	vld [tilespmem:$0x136C0]  }
0x1a9: {  	v36 =	vld [tilespmem:$0x136F0]  }
0x1aa: {  	v0 =	vadd.f32 v1, v0;
	v1 =	vld [tilespmem:$0x13700]  }
0x1ab: {  	v57 =	vld [tilespmem:$0x13730];
	v16 =	vadd.f32 v17, v16  }
0x1ac: {  	v58 =	vld [tilespmem:$0x13740];
	v0 =	vadd.f32 v2, v0;
	v2 =	vadd.f32 v33, v32  }
0x1ad: {  	v60 =	vld [tilespmem:$0x13770];
	v59 =	vadd.f32 v35, v34;
	v16 =	vadd.f32 v18, v16  }
0x1ae: {  	v0 =	vadd.f32 v3, v0;
	v2 =	vadd.f32 v36, v2;
	v3 =	vld [tilespmem:$0x13780]  }
0x1af: {  	v61 =	vld [tilespmem:$0x137B0];
	v16 =	vadd.f32 v19, v16;
	v1 =	vadd.f32 v1, v59  }
0x1b0: {  	v0 =	vadd.f32 v4, v0;
	v2 =	vadd.f32 v57, v2;
	v4 =	vld [tilespmem:$0x137C0]  }
0x1b1: {  	v62 =	vld [tilespmem:$0x137F0];
	v16 =	vadd.f32 v20, v16;
	v1 =	vadd.f32 v58, v1  }
0x1b2: {  	v0 =	vadd.f32 v5, v0;
	v2 =	vadd.f32 v60, v2;
	v5 =	vld [tilespmem:$0x13800]  }
0x1b3: {  	v16 =	vadd.f32 v21, v16;
	v1 =	vadd.f32 v3, v1;
	v3 =	vld [tilespmem:$0x13830]  }
0x1b4: {  	v0 =	vadd.f32 v6, v0;
	v2 =	vadd.f32 v61, v2;
	v6 =	vld [tilespmem:$0x13840]  }
0x1b5: {  	v16 =	vadd.f32 v22, v16;
	v1 =	vadd.f32 v4, v1;
	v4 =	vld [tilespmem:$0x13870]  }
0x1b6: {  	v0 =	vadd.f32 v7, v0;
	v2 =	vadd.f32 v62, v2;
	v7 =	vld [tilespmem:$0x13880]  }
0x1b7: {  	v16 =	vadd.f32 v23, v16;
	v1 =	vadd.f32 v5, v1;
	v5 =	vld [tilespmem:$0x138B0]  }
0x1b8: {  	v0 =	vadd.f32 v8, v0;
	v2 =	vadd.f32 v3, v2;
	v3 =	vld [tilespmem:$0x138C0]  }
0x1b9: {  	v8 =	vadd.f32 v24, v16;
	v1 =	vadd.f32 v6, v1;
	v6 =	vld [tilespmem:$0x138F0]  }
0x1ba: {  	v0 =	vadd.f32 v51, v0;
	v2 =	vadd.f32 v4, v2;
	v4 =	vld [tilespmem:$0x13900]  }
0x1bb: {  	v8 =	vadd.f32 v25, v8;
	v1 =	vadd.f32 v7, v1;
	v7 =	vld [tilespmem:$0x13930]  }
0x1bc: {  	v0 =	vadd.f32 v52, v0;
	v2 =	vadd.f32 v5, v2;
	v5 =	vld [tilespmem:$0x13940]  }
0x1bd: {  	v8 =	vadd.f32 v26, v8;
	v1 =	vadd.f32 v3, v1;
	v3 =	vld [tilespmem:$0x13970]  }
0x1be: {  	v0 =	vadd.f32 v53, v0;
	v2 =	vadd.f32 v6, v2;
	v6 =	vld [tilespmem:$0x13980]  }
0x1bf: {  	v8 =	vadd.f32 v27, v8;
	v1 =	vadd.f32 v4, v1;
	v4 =	vld [tilespmem:$0x139B0]  }
0x1c0: {  	v0 =	vadd.f32 v54, v0;
	v2 =	vadd.f32 v7, v2;
	v7 =	vld [tilespmem:$0x139C0]  }
0x1c1: {  	v8 =	vadd.f32 v28, v8;
	v1 =	vadd.f32 v5, v1;
	v5 =	vld [tilespmem:$0x139F0]  }
0x1c2: {  	v0 =	vadd.f32 v55, v0;
	v2 =	vadd.f32 v3, v2;
	v3 =	vld [tilespmem:$0x13A00]  }
0x1c3: {  	v63 =	vld [tilespmem:$0x13A30];
	v8 =	vadd.f32 v29, v8;
	v1 =	vadd.f32 v6, v1  }
0x1c4: {  	v0 =	vadd.f32 v56, v0;
	v2 =	vadd.f32 v4, v2;
	v4 =	vld [tilespmem:$0x13A40]  }
0x1c5: {  	v6 =	vadd.f32 v30, v8;
	v1 =	vadd.f32 v7, v1  }
0x1c6: {  	v7 =	vadd.f32 v15, v0;
	v2 =	vadd.f32 v5, v2;
	v0 =	vlaneseq.u32  }
0x1c7: {  	v5 =	vadd.f32 v31, v6;
	v1 =	vadd.f32 v3, v1;
	v0 =	vmul.u32 $0x40, v0  }
0x1c8: {  	s30 =	simm.s32 $0x0;
	v3 =	vmax.f32 v7, $0.0e+00;
	v2 =	vadd.f32 v63, v2  }
0x1c9: {  	[tilespmem:$0x13A50] =	vst v3;
	v3 =	vmax.f32 v5, $0.0e+00;
	v1 =	vadd.f32 v4, v1;
	v4 =	vor.u32 s30, v0  }
0x1ca: {  	[tilespmem:$0x13A60] =	vst v3;
	v2 =	vmax.f32 v2, $0.0e+00;
	vm0 =	vlt.s32 v4, $0x27F  }
0x1cb: {  	[tilespmem:$0x13A70] =	vst v2;
	v1 =	vmax.f32 v1, $0.0e+00;
	v2 =	vnsel vm0, $0x27F, v4  }
0x1cc: {  	s9 =	simm.s32 $0x12040;
	[tilespmem:$0x13A80] =	vst v1;
	v1 =	vshll.u32 v2, $0x3  }
0x1cd: {  	[tilespmem:s9], [sflag:$0x3] =	stream.linear.gather [hbm4b:s6+s30], $0x1400, $0x38;
	[tilespmem:$0x194E0] =	vst v63  }
0x1ce: {  	_ =	swait.ge [sflag:s29], $0x1400  }
0x1cf: {  	s31 =	simm.s32 $0x1;
	[sflag:s29] =	ssyncset.done $0x0  }
0x1d0: {  	v2 =	vor.u32 s31, v0;
	[sflag:s29] =	ssyncadd.s32 $0xFFFFEC00  }
0x1d1: {  	vm14 =	vlt.s32 v2, $0x27F;
	v3 =	vld.idx.msk [tilespmem:v1+s9+$0x0], $0xffff  }
0x1d2: {  	v1 =	vnsel vm14, $0x27F, v2;
	v2 =	vmov s30  }
0x1d3: {  	v5 =	vshll.u32 v1, $0x3  }
0x1d4: {  	s6 =	simm.s32 $0x2  }
0x1d5: {  	v4 =	vor.u32 s6, v0  }
0x1d6: {  	vm15 =	vlt.s32 v4, $0x27F;
	v1 =	vshrl.u32 v3, $0x10  }
0x1d7: {  	v7 =	vnsel vm15, $0x27F, v4;
	v4 =	vmov s31;
	v2 =	vld.idx.msk [tilespmem:v2+s7+$0x0], $0xffff;
	v6 =	vand.u32 $0x1, v1  }
0x1d8: {  	v6 =	vadd.s32 v6, v3;
	v3 =	vld.idx.msk [tilespmem:v5+s9+$0x0], $0xffff;
	v5 =	vshll.u32 v7, $0x3;
	_ =	sdelay $0x1  }
0x1d9: {  	s8 =	simm.s32 $0x3;
	v1 =	vimm.f32 $0.0e+00;
	v6 =	vadd.s32 $0x7FFF, v6  }
.LBB2_3:
0x1da: {  	v7 =	vor.u32 s8, v0;
	p0 =	sne.s32 s8, $0x3F;
	v6 =	vand.u32 $0xFFFF0000, v6;
	s10 =	smov.u32 s8;
	s8 =	sadd.s32 $0x1, s8  }
.Ltmp1:
0x1db: {  	vm0 =	vlt.s32 v7, $0x27F;
	v6 =	vmul.f32 v6, v2;
	v2 =	vld.idx.msk [tilespmem:v4+s7+$0x0], $0xffff;
	(pc) =	sbr.rel @p0 .LBB2_3-.Ltmp1, $4  }
0x1dc: {  	v4 =	vmov s6;
	v8 =	vshrl.u32 v3, $0x10;
	v9 =	vmovc v3;
	s6 =	smov.u32 s10;
	v7 =	vnsel vm0, $0x27F, v7;
	v3 =	vld.idx.msk [tilespmem:v5+s9+$0x0], $0xffff  }
0x1dd: {  	v5 =	vshll.u32 v7, $0x3;
	v7 =	vand.u32 $0x1, v8;
	v1 =	vadd.f32 v6, v1  }
0x1de: {  	v6 =	vadd.s32 v7, v9  }
0x1df: {  	v6 =	vadd.s32 $0x7FFF, v6  }
0x1e0: {  	_ =	sdelay $0x3  }
0x1e1: {  	v0 =	vmov s6;
	v5 =	vld.idx.msk [tilespmem:v5+s9+$0x0], $0xffff;
	_ =	sdelay $0x2  }
0x1e2: {  	v4 =	vld.idx.msk [tilespmem:v4+s7+$0x0], $0xffff;
	v7 =	vshrl.u32 v3, $0x10  }
0x1e3: {  	v7 =	vand.u32 $0x1, v7  }
0x1e4: {  	v6 =	vand.u32 $0xFFFF0000, v6;
	v3 =	vadd.s32 v7, v3;
	v0 =	vld.idx.msk [tilespmem:v0+s7+$0x0], $0xffff;
	v62 =	vshrl.u32 v5, $0x10  }
0x1e5: {  	v2 =	vmul.f32 v6, v2;
	v3 =	vadd.s32 $0x7FFF, v3;
	v63 =	vand.u32 $0x1, v62  }
0x1e6: {  	v3 =	vand.u32 $0xFFFF0000, v3;
	v5 =	vadd.s32 v63, v5  }
0x1e7: {  	v1 =	vadd.f32 v2, v1;
	v2 =	vmul.f32 v3, v4;
	v3 =	vadd.s32 $0x7FFF, v5  }
0x1e8: {  	v3 =	vand.u32 $0xFFFF0000, v3  }
0x1e9: {  	v1 =	vadd.f32 v2, v1;
	v0 =	vmul.f32 v3, v0;
	_ =	sdelay $0x1  }
0x1ea: {  	v0 =	vadd.f32 v0, v1;
	_ =	sdelay $0x1  }
0x1eb: {  	s6 =	simm.s32 $0x9C80;
	[tilespmem:$0x13A90] =	vst v0;
	v0 =	vimm.f32 $0.0e+00  }
0x1ec: {  	[tilespmem:s6+$0xFFFFFFC0] =	vst v0  }
0x1ed: {  	[tilespmem:s6+$0x30] =	vst v0  }
0x1ee: {  	[tilespmem:s6+$0x20] =	vst v0  }
0x1ef: {  	[tilespmem:s6+$0x10] =	vst v0  }
0x1f0: {  	[tilespmem:s6+$0x0] =	vst v0  }
0x1f1: {  	[tilespmem:s6+$0xFFFFFFF0] =	vst v0  }
0x1f2: {  	s7 =	simm.s32 $0x0;
	[tilespmem:s6+$0xFFFFFFE0] =	vst v0  }
.LBB2_5:
0x1f3: {  	s7 =	sadd.s32 $0x80, s7;
	[tilespmem:s6+$0xFFFFFFD0] =	vst v0;
	s6 =	sadd.s32 $0x80, s6  }
0x1f4: {  	[tilespmem:s6+$0xFFFFFFC0] =	vst v0;
	p0 =	slt.u32 s7, $0x2780  }
0x1f5: {  	[tilespmem:s6+$0x30] =	vst v0  }
.Ltmp2:
0x1f6: {  	[tilespmem:s6+$0x20] =	vst v0;
	(pc) =	sbr.rel @p0 .LBB2_5-.Ltmp2, $4  }
0x1f7: {  	[tilespmem:s6+$0x10] =	vst v0  }
0x1f8: {  	[tilespmem:s6+$0x0] =	vst v0  }
0x1f9: {  	[tilespmem:s6+$0xFFFFFFF0] =	vst v0  }
0x1fa: {  	[tilespmem:s6+$0xFFFFFFE0] =	vst v0  }
0x1fb: {  	[tilespmem:s6+$0xFFFFFFD0] =	vst v0;
	s31 =	simm.s32 $0x2  }
0x1fc: {  	_ =	swait.ge [sflag:s31], $0x4E20  }
0x1fd: {  	[sflag:s31] =	ssyncset.done $0x0  }
0x1fe: {  	s6 =	simm.s32 $0x4E60;
	[sflag:s31] =	ssyncadd.s32 $0xFFFFB1E0  }
0x1ff: {  	v2 =	vld [tilespmem:s6+$0xFFFFFFC0]  }
0x200: {  	v3 =	vld [tilespmem:s6+$0x30]  }
0x201: {  	v4 =	vld [tilespmem:s6+$0x20]  }
0x202: {  	v5 =	vld [tilespmem:s6+$0x10]  }
0x203: {  	v6 =	vld [tilespmem:s6+$0x0]  }
0x204: {  	v7 =	vld [tilespmem:s6+$0xFFFFFFF0]  }
0x205: {  	v8 =	vld [tilespmem:s6+$0xFFFFFFE0]  }
0x206: {  	v0 =	vimm.f32 $1.000000000e+00;
	s7 =	simm.s32 $0x9C40;
	v1 =	vld [tilespmem:s6+$0xFFFFFFD0]  }
0x207: {  	[tilespmem:v2+s7+$0x0] =	vst.idx.add.f32.msk $0xffff, v0  }
0x208: {  	[tilespmem:v3+s7+$0x0] =	vst.idx.add.f32.msk $0xffff, v0  }
0x209: {  	[tilespmem:v4+s7+$0x0] =	vst.idx.add.f32.msk $0xffff, v0  }
0x20a: {  	[tilespmem:v5+s7+$0x0] =	vst.idx.add.f32.msk $0xffff, v0  }
0x20b: {  	[tilespmem:v6+s7+$0x0] =	vst.idx.add.f32.msk $0xffff, v0  }
0x20c: {  	[tilespmem:v7+s7+$0x0] =	vst.idx.add.f32.msk $0xffff, v0  }
0x20d: {  	s8 =	simm.s32 $0x0;
	[tilespmem:v8+s7+$0x0] =	vst.idx.add.f32.msk $0xffff, v0  }
.LBB2_7:
0x20e: {  	s8 =	sadd.s32 $0x80, s8;
	[tilespmem:v1+s7+$0x0] =	vst.idx.add.f32.msk $0xffff, v0;
	s6 =	sadd.s32 $0x80, s6  }
0x20f: {  	v2 =	vld [tilespmem:s6+$0xFFFFFFC0];
	p0 =	slt.u32 s8, $0x4D80  }
0x210: {  	v3 =	vld [tilespmem:s6+$0x30]  }
0x211: {  	v4 =	vld [tilespmem:s6+$0x20]  }
0x212: {  	v5 =	vld [tilespmem:s6+$0x10]  }
0x213: {  	v6 =	vld [tilespmem:s6+$0x0]  }
0x214: {  	v7 =	vld [tilespmem:s6+$0xFFFFFFF0]  }
0x215: {  	v8 =	vld [tilespmem:s6+$0xFFFFFFE0]  }
0x216: {  	v1 =	vld [tilespmem:s6+$0xFFFFFFD0]  }
0x217: {  	[tilespmem:v2+s7+$0x0] =	vst.idx.add.f32.msk $0xffff, v0  }
0x218: {  	[tilespmem:v3+s7+$0x0] =	vst.idx.add.f32.msk $0xffff, v0  }
.Ltmp3:
0x219: {  	[tilespmem:v4+s7+$0x0] =	vst.idx.add.f32.msk $0xffff, v0;
	(pc) =	sbr.rel @p0 .LBB2_7-.Ltmp3, $4  }
0x21a: {  	[tilespmem:v5+s7+$0x0] =	vst.idx.add.f32.msk $0xffff, v0  }
0x21b: {  	[tilespmem:v6+s7+$0x0] =	vst.idx.add.f32.msk $0xffff, v0  }
0x21c: {  	[tilespmem:v7+s7+$0x0] =	vst.idx.add.f32.msk $0xffff, v0  }
0x21d: {  	[tilespmem:v8+s7+$0x0] =	vst.idx.add.f32.msk $0xffff, v0  }
0x21e: {  	_ =	sdelay $0x3  }
0x21f: {  	[tilespmem:v1+s7+$0x0] =	vst.idx.add.f32.msk $0xffff, v0;
	s6 =	simm.s32 $0x4DF0;
	s7 =	simm.s32 $0x9C20;
	v0 =	vimm.f32 $1.000000000e+00;
	s8 =	simm.s32 $0x9C40  }
.LBB2_9:
0x220: {  	v1 =	vld [tilespmem:s7+$0x0];
	_ =	sdelay $0x1  }
0x221: {  	s6 =	sadd.s32 $0x10, s6  }
0x222: {  	p0 =	slt.u32 s6, $0x4E10  }
.Ltmp4:
0x223: {  	_ = 	snop;
	(pc) =	sbr.rel @p0 .LBB2_9-.Ltmp4, $2  }
0x224: {  	_ =	sdelay $0x2  }
0x225: {  	s7 =	sadd.s32 $0x10, s7;
	[tilespmem:v1+s8+$0x0] =	vst.idx.add.f32.msk $0xffff, v0  }
0x226: {  	s6 =	simm.s32 $0x9C40;
	s7 =	simm.s32 $0x3  }
0x227: {  	[spmem:s4] =	stream.linear.scatter [tilespmem:s6], [sflag:$0x3], $0x2800, $0x38;
	[tilespmem:$0x194E0] =	vst v63  }
0x228: {  	_ =	swait.ge [sflag:s7], $0x2800  }
0x229: {  	s6 =	smul.u32 $0x280, s0;
	[sflag:s7] =	ssyncset.done $0x0  }
0x22a: {  	s8 =	simm.s32 $0x280;
	s9 =	simm.s32 $0x2800;
	[sflag:s7] =	ssyncadd.s32 $0xFFFFD800  }
0x22b: {  	s10 =	simm.s32 $0x13AA0;
	s5 =	sadd.s32 s6, s5;
	[bflag:$0x0] =	sbarrier.arrive $0xFFFF  }
0x22c: {  	[tilespmem:s10], [sflag:$0x3] =	stream.strided.gather [spmem:s5], $0x2800, s9, s8, $0x38;
	[tilespmem:$0x194E0] =	vst v63  }
0x22d: {  	_ =	swait.ge [sflag:s7], $0x2800  }
0x22e: {  	[sflag:s7] =	ssyncset.done $0x0  }
0x22f: {  	s30 =	simm.s32 $0x14EA0;
	[sflag:s7] =	ssyncadd.s32 $0xFFFFD800  }
0x230: {  	v0 =	vld [tilespmem:s30+$0xFFFFEC10]  }
0x231: {  	v1 =	vld [tilespmem:s30+$0xFFFFEE90]  }
0x232: {  	v2 =	vld [tilespmem:s30+$0xFFFFEE80]  }
0x233: {  	v3 =	vld [tilespmem:s30+$0xFFFFF110]  }
0x234: {  	v4 =	vld [tilespmem:s30+$0xFFFFEC00]  }
0x235: {  	v5 =	vld [tilespmem:s30+$0xFFFFF390]  }
0x236: {  	v6 =	vld [tilespmem:s30+$0xFFFFF100];
	v0 =	vadd.f32 v1, v0  }
0x237: {  	v1 =	vld [tilespmem:s30+$0xFFFFF610]  }
0x238: {  	v7 =	vld [tilespmem:s30+$0xFFFFF380];
	v0 =	vadd.f32 v3, v0  }
0x239: {  	v2 =	vadd.f32 v2, v4;
	v3 =	vld [tilespmem:s30+$0xFFFFF890]  }
0x23a: {  	v4 =	vld [tilespmem:s30+$0xFFFFF600];
	v0 =	vadd.f32 v5, v0  }
0x23b: {  	v2 =	vadd.f32 v6, v2;
	v5 =	vld [tilespmem:s30+$0xFFFFFB10]  }
0x23c: {  	v6 =	vld [tilespmem:s30+$0xFFFFF880];
	v0 =	vadd.f32 v1, v0  }
0x23d: {  	v1 =	vadd.f32 v7, v2;
	v2 =	vld [tilespmem:s30+$0xFFFFFD90]  }
0x23e: {  	v7 =	vld [tilespmem:s30+$0xFFFFFB00];
	v0 =	vadd.f32 v3, v0  }
0x23f: {  	v1 =	vadd.f32 v4, v1;
	v3 =	vld [tilespmem:s30+$0x10]  }
0x240: {  	v4 =	vld [tilespmem:s30+$0xFFFFFD80];
	v0 =	vadd.f32 v5, v0  }
0x241: {  	v1 =	vadd.f32 v6, v1;
	v5 =	vld [tilespmem:s30+$0x290]  }
0x242: {  	v6 =	vld [tilespmem:s30+$0x0];
	v0 =	vadd.f32 v2, v0  }
0x243: {  	v1 =	vadd.f32 v7, v1;
	v2 =	vld [tilespmem:s30+$0x510]  }
0x244: {  	v7 =	vld [tilespmem:s30+$0x280];
	v0 =	vadd.f32 v3, v0  }
0x245: {  	v1 =	vadd.f32 v4, v1;
	v3 =	vld [tilespmem:s30+$0x790]  }
0x246: {  	v4 =	vld [tilespmem:s30+$0x500];
	v0 =	vadd.f32 v5, v0  }
0x247: {  	v1 =	vadd.f32 v6, v1;
	v5 =	vld [tilespmem:s30+$0xA10]  }
0x248: {  	v6 =	vld [tilespmem:s30+$0x780];
	v0 =	vadd.f32 v2, v0  }
0x249: {  	v1 =	vadd.f32 v7, v1;
	v2 =	vld [tilespmem:s30+$0xC90]  }
0x24a: {  	v7 =	vld [tilespmem:s30+$0xA00];
	v0 =	vadd.f32 v3, v0  }
0x24b: {  	v1 =	vadd.f32 v4, v1;
	v3 =	vld [tilespmem:s30+$0xF10]  }
0x24c: {  	v4 =	vld [tilespmem:s30+$0xC80];
	v0 =	vadd.f32 v5, v0  }
0x24d: {  	v1 =	vadd.f32 v6, v1;
	v5 =	vld [tilespmem:s30+$0x1190]  }
0x24e: {  	v6 =	vld [tilespmem:s30+$0xF00];
	v0 =	vadd.f32 v2, v0  }
0x24f: {  	s31 =	simm.s32 $0x14EC0;
	v1 =	vadd.f32 v7, v1;
	v2 =	vld [tilespmem:s30+$0x1180]  }
0x250: {  	v7 =	vld [tilespmem:s31+$0xFFFFEC10];
	v0 =	vadd.f32 v3, v0  }
0x251: {  	v3 =	vld [tilespmem:s31+$0xFFFFEE90];
	v1 =	vadd.f32 v4, v1  }
0x252: {  	v4 =	vld [tilespmem:s31+$0xFFFFEE80];
	v0 =	vadd.f32 v5, v0  }
0x253: {  	v5 =	vld [tilespmem:s31+$0xFFFFF110];
	v1 =	vadd.f32 v6, v1  }
0x254: {  	v6 =	vld [tilespmem:s31+$0xFFFFEC00];
	v0 =	vadd.f32 $1.000000000e+00, v0  }
0x255: {  	v8 =	vld [tilespmem:s31+$0xFFFFF390];
	v1 =	vadd.f32 v2, v1  }
0x256: {  	v2 =	vld [tilespmem:s31+$0xFFFFF100];
	v3 =	vadd.f32 v3, v7;
	v7 =	vshrl.u32 v0, $0x1;
	v0 =	vmul.f32 $5.000000000e-01, v0  }
0x257: {  	v9 =	vld [tilespmem:s31+$0xFFFFF610];
	v1 =	vadd.f32 $1.000000000e+00, v1;
	v7 =	vsub.s32 $0x5F3759DF, v7  }
0x258: {  	v10 =	vld [tilespmem:s31+$0xFFFFF380];
	v3 =	vadd.f32 v5, v3;
	v5 =	vmul.f32 v7, v0  }
0x259: {  	v4 =	vadd.f32 v4, v6;
	v6 =	vld [tilespmem:s31+$0xFFFFF890];
	v11 =	vshrl.u32 v1, $0x1;
	v1 =	vmul.f32 $5.000000000e-01, v1  }
0x25a: {  	v12 =	vld [tilespmem:s31+$0xFFFFF600];
	v3 =	vadd.f32 v8, v3;
	v8 =	vsub.s32 $0x5F3759DF, v11;
	v5 =	vmul.f32 v7, v5  }
0x25b: {  	v2 =	vadd.f32 v2, v4;
	v4 =	vld [tilespmem:s31+$0xFFFFFB10];
	v11 =	vmul.f32 v8, v1  }
0x25c: {  	v13 =	vld [tilespmem:s31+$0xFFFFF880];
	v3 =	vadd.f32 v9, v3;
	v5 =	vsub.f32 $1.500000000e+00, v5  }
0x25d: {  	v2 =	vadd.f32 v10, v2;
	v9 =	vld [tilespmem:s31+$0xFFFFFD90];
	v10 =	vmul.f32 v8, v11  }
0x25e: {  	v11 =	vld [tilespmem:s31+$0xFFFFFB00];
	v3 =	vadd.f32 v6, v3;
	v5 =	vmul.f32 v7, v5  }
0x25f: {  	v2 =	vadd.f32 v12, v2;
	v6 =	vld [tilespmem:s31+$0x10];
	v7 =	vsub.f32 $1.500000000e+00, v10  }
0x260: {  	v10 =	vld [tilespmem:s31+$0xFFFFFD80];
	v3 =	vadd.f32 v4, v3;
	v4 =	vmul.f32 v5, v0  }
0x261: {  	v60 =	vld [tilespmem:s31+$0x290];
	v2 =	vadd.f32 v13, v2;
	v7 =	vmul.f32 v8, v7  }
0x262: {  	v8 =	vld [tilespmem:s31+$0x0];
	v3 =	vadd.f32 v9, v3;
	v4 =	vmul.f32 v4, v5  }
0x263: {  	v2 =	vadd.f32 v11, v2;
	v9 =	vld [tilespmem:s31+$0x510];
	v11 =	vmul.f32 v7, v1  }
0x264: {  	v61 =	vld [tilespmem:s31+$0x280];
	v3 =	vadd.f32 v6, v3;
	v4 =	vsub.f32 $1.500000000e+00, v4  }
0x265: {  	v2 =	vadd.f32 v10, v2;
	v6 =	vld [tilespmem:s31+$0x790];
	v10 =	vmul.f32 v11, v7  }
0x266: {  	v11 =	vld [tilespmem:s31+$0x500];
	v3 =	vadd.f32 v60, v3;
	v62 =	vmul.f32 v4, v5  }
0x267: {  	v2 =	vadd.f32 v8, v2;
	v5 =	vld [tilespmem:s31+$0xA10];
	v4 =	vsub.f32 $1.500000000e+00, v10  }
0x268: {  	v8 =	vld [tilespmem:s31+$0x780];
	v3 =	vadd.f32 v9, v3;
	v9 =	vmul.f32 v62, v0  }
0x269: {  	v10 =	vld [tilespmem:s31+$0xC90];
	v2 =	vadd.f32 v61, v2;
	v0 =	vmul.f32 v4, v7  }
0x26a: {  	v7 =	vld [tilespmem:s31+$0xA00];
	v6 =	vadd.f32 v6, v3;
	v9 =	vmul.f32 v9, v62  }
0x26b: {  	v2 =	vadd.f32 v11, v2;
	v3 =	vld [tilespmem:s31+$0xF10];
	v1 =	vmul.f32 v0, v1  }
0x26c: {  	v4 =	vld [tilespmem:s31+$0xC80];
	v11 =	vadd.f32 v5, v6;
	v9 =	vsub.f32 $1.500000000e+00, v9  }
0x26d: {  	v2 =	vadd.f32 v8, v2;
	v5 =	vld [tilespmem:s31+$0x1190];
	v63 =	vmul.f32 v1, v0  }
0x26e: {  	v6 =	vld [tilespmem:s31+$0xF00];
	v8 =	vadd.f32 v10, v11;
	v1 =	vmul.f32 v9, v62  }
0x26f: {  	s8 =	simm.s32 $0x20;
	s9 =	simm.s32 $0x14EE0;
	s7 =	simm.s32 $0x162B0;
	v9 =	vadd.f32 v7, v2;
	v7 =	vld [tilespmem:s31+$0x1180];
	v2 =	vsub.f32 $1.500000000e+00, v63  }
.LBB2_11:
0x270: {  	v10 =	vld [tilespmem:s9+$0xFFFFEC10];
	v3 =	vadd.f32 v3, v8;
	[tilespmem:s7+$0x0] =	vst v1  }
0x271: {  	s8 =	sadd.s32 $0x20, s8;
	v1 =	vld [tilespmem:s9+$0xFFFFEE90];
	v4 =	vadd.f32 v4, v9;
	v0 =	vmul.f32 v2, v0  }
0x272: {  	p0 =	slt.u32 s8, $0x260;
	v2 =	vld [tilespmem:s9+$0xFFFFEE80];
	v3 =	vadd.f32 v5, v3  }
0x273: {  	v5 =	vld [tilespmem:s9+$0xFFFFF110];
	v4 =	vadd.f32 v6, v4;
	[tilespmem:s7+$0xFFFFFFF0] =	vst v0  }
0x274: {  	v0 =	vld [tilespmem:s9+$0xFFFFEC00];
	v3 =	vadd.f32 $1.000000000e+00, v3  }
0x275: {  	v6 =	vld [tilespmem:s9+$0xFFFFF390];
	v4 =	vadd.f32 v7, v4  }
0x276: {  	v7 =	vld [tilespmem:s9+$0xFFFFF100];
	v1 =	vadd.f32 v1, v10;
	v8 =	vshrl.u32 v3, $0x1;
	v3 =	vmul.f32 $5.000000000e-01, v3  }
0x277: {  	v9 =	vld [tilespmem:s9+$0xFFFFF610];
	v4 =	vadd.f32 $1.000000000e+00, v4;
	v8 =	vsub.s32 $0x5F3759DF, v8  }
0x278: {  	v10 =	vld [tilespmem:s9+$0xFFFFF380];
	v1 =	vadd.f32 v5, v1;
	v5 =	vmul.f32 v8, v3  }
0x279: {  	v0 =	vadd.f32 v2, v0;
	v2 =	vld [tilespmem:s9+$0xFFFFF890];
	v11 =	vshrl.u32 v4, $0x1;
	v4 =	vmul.f32 $5.000000000e-01, v4  }
0x27a: {  	v12 =	vld [tilespmem:s9+$0xFFFFF600];
	v1 =	vadd.f32 v6, v1;
	v6 =	vsub.s32 $0x5F3759DF, v11;
	v5 =	vmul.f32 v8, v5  }
0x27b: {  	v0 =	vadd.f32 v7, v0;
	v7 =	vld [tilespmem:s9+$0xFFFFFB10];
	v11 =	vmul.f32 v6, v4  }
0x27c: {  	v13 =	vld [tilespmem:s9+$0xFFFFF880];
	v1 =	vadd.f32 v9, v1;
	v5 =	vsub.f32 $1.500000000e+00, v5  }
0x27d: {  	v0 =	vadd.f32 v10, v0;
	v9 =	vld [tilespmem:s9+$0xFFFFFD90];
	v10 =	vmul.f32 v6, v11  }
0x27e: {  	v11 =	vld [tilespmem:s9+$0xFFFFFB00];
	v1 =	vadd.f32 v2, v1;
	v2 =	vmul.f32 v8, v5  }
0x27f: {  	v0 =	vadd.f32 v12, v0;
	v5 =	vld [tilespmem:s9+$0x10];
	v8 =	vsub.f32 $1.500000000e+00, v10  }
0x280: {  	v10 =	vld [tilespmem:s9+$0xFFFFFD80];
	v1 =	vadd.f32 v7, v1;
	v7 =	vmul.f32 v2, v3  }
0x281: {  	v0 =	vadd.f32 v13, v0;
	v12 =	vld [tilespmem:s9+$0x290];
	v6 =	vmul.f32 v6, v8  }
0x282: {  	v8 =	vld [tilespmem:s9+$0x0];
	v1 =	vadd.f32 v9, v1;
	v7 =	vmul.f32 v7, v2  }
0x283: {  	v0 =	vadd.f32 v11, v0;
	v9 =	vld [tilespmem:s9+$0x510];
	v11 =	vmul.f32 v6, v4  }
0x284: {  	v13 =	vld [tilespmem:s9+$0x280];
	v1 =	vadd.f32 v5, v1;
	v5 =	vsub.f32 $1.500000000e+00, v7  }
0x285: {  	v0 =	vadd.f32 v10, v0;
	v7 =	vld [tilespmem:s9+$0x790];
	v10 =	vmul.f32 v11, v6  }
0x286: {  	v11 =	vld [tilespmem:s9+$0x500];
	v1 =	vadd.f32 v12, v1;
	v2 =	vmul.f32 v5, v2  }
0x287: {  	v0 =	vadd.f32 v8, v0;
	v5 =	vld [tilespmem:s9+$0xA10];
	v8 =	vsub.f32 $1.500000000e+00, v10  }
0x288: {  	v10 =	vld [tilespmem:s9+$0x780];
	v1 =	vadd.f32 v9, v1;
	v3 =	vmul.f32 v2, v3  }
0x289: {  	v9 =	vadd.f32 v13, v0;
	v12 =	vld [tilespmem:s9+$0xC90];
	v0 =	vmul.f32 v8, v6  }
0x28a: {  	v13 =	vld [tilespmem:s9+$0xA00];
	v1 =	vadd.f32 v7, v1;
	v6 =	vmul.f32 v3, v2  }
.Ltmp5:
0x28b: {  	v7 =	vadd.f32 v11, v9;
	v3 =	vld [tilespmem:s9+$0xF10];
	v8 =	vmul.f32 v0, v4;
	(pc) =	sbr.rel @p0 .LBB2_11-.Ltmp5, $4  }
0x28c: {  	v4 =	vld [tilespmem:s9+$0xC80];
	v1 =	vadd.f32 v5, v1;
	v9 =	vsub.f32 $1.500000000e+00, v6  }
0x28d: {  	v7 =	vadd.f32 v10, v7;
	v5 =	vld [tilespmem:s9+$0x1190];
	v10 =	vmul.f32 v8, v0  }
0x28e: {  	v6 =	vld [tilespmem:s9+$0xF00];
	v8 =	vadd.f32 v12, v1;
	v1 =	vmul.f32 v9, v2  }
0x28f: {  	s7 =	sadd.s32 $0x20, s7;
	v9 =	vadd.f32 v13, v7;
	v7 =	vld [tilespmem:s9+$0x1180];
	s9 =	sadd.s32 $0x20, s9;
	v2 =	vsub.f32 $1.500000000e+00, v10  }
0x290: {  	_ = 	snop  }
0x291: {  	v4 =	vadd.f32 v4, v9  }
0x292: {  	v3 =	vadd.f32 v3, v8  }
0x293: {  	v4 =	vadd.f32 v6, v4  }
0x294: {  	v3 =	vadd.f32 v5, v3  }
0x295: {  	v4 =	vadd.f32 v7, v4  }
0x296: {  	v3 =	vadd.f32 $1.000000000e+00, v3  }
0x297: {  	v4 =	vadd.f32 $1.000000000e+00, v4  }
0x298: {  	v60 =	vshrl.u32 v3, $0x1;
	v3 =	vmul.f32 $5.000000000e-01, v3  }
0x299: {  	v5 =	vsub.s32 $0x5F3759DF, v60;
	v61 =	vshrl.u32 v4, $0x1;
	v4 =	vmul.f32 $5.000000000e-01, v4  }
0x29a: {  	v62 =	vmul.f32 v5, v3;
	v6 =	vsub.s32 $0x5F3759DF, v61  }
0x29b: {  	v63 =	vmul.f32 v6, v4  }
0x29c: {  	v7 =	vmul.f32 v5, v62  }
0x29d: {  	v8 =	vmul.f32 v6, v63  }
0x29e: {  	v7 =	vsub.f32 $1.500000000e+00, v7  }
0x29f: {  	v8 =	vsub.f32 $1.500000000e+00, v8  }
0x2a0: {  	v5 =	vmul.f32 v5, v7  }
0x2a1: {  	v6 =	vmul.f32 v6, v8  }
0x2a2: {  	v7 =	vmul.f32 v5, v3  }
0x2a3: {  	v8 =	vmul.f32 v6, v4  }
0x2a4: {  	v7 =	vmul.f32 v7, v5  }
0x2a5: {  	v8 =	vmul.f32 v8, v6  }
0x2a6: {  	v7 =	vsub.f32 $1.500000000e+00, v7  }
0x2a7: {  	v8 =	vsub.f32 $1.500000000e+00, v8  }
0x2a8: {  	v5 =	vmul.f32 v7, v5  }
0x2a9: {  	v6 =	vmul.f32 v8, v6  }
0x2aa: {  	v3 =	vmul.f32 v5, v3  }
0x2ab: {  	v4 =	vmul.f32 v6, v4  }
0x2ac: {  	v3 =	vmul.f32 v3, v5  }
0x2ad: {  	v4 =	vmul.f32 v4, v6  }
0x2ae: {  	v3 =	vsub.f32 $1.500000000e+00, v3  }
0x2af: {  	v0 =	vmul.f32 v2, v0;
	v2 =	vsub.f32 $1.500000000e+00, v4  }
0x2b0: {  	[tilespmem:s7+$0x0] =	vst v1;
	v1 =	vmul.f32 v3, v5  }
0x2b1: {  	s29 =	sadd.s32 $0x20, s7;
	[tilespmem:s7+$0xFFFFFFF0] =	vst v0;
	v0 =	vmul.f32 v2, v6  }
0x2b2: {  	[tilespmem:s29+$0x0] =	vst v1  }
0x2b3: {  	s6 =	sadd.s32 s6, s3;
	s30 =	simm.s32 $0x162A0;
	s31 =	simm.s32 $0x3;
	[tilespmem:s29+$0xFFFFFFF0] =	vst v0  }
0x2b4: {  	[spmem:s6] =	stream.linear.scatter [tilespmem:s30], [sflag:$0x3], $0x280, $0x38;
	[tilespmem:$0x194E0] =	vst v63  }
0x2b5: {  	_ =	swait.ge [sflag:s31], $0x280  }
0x2b6: {  	[sflag:s31] =	ssyncset.done $0x0  }
0x2b7: {  	[sflag:s31] =	ssyncadd.s32 $0xFFFFFD80  }
0x2b8: {  	s8 =	simm.s32 $0xC440;
	[bflag:$0x0] =	sbarrier.arrive $0xFFFF  }
0x2b9: {  	[tilespmem:s8], [sflag:$0x3] =	stream.linear.gather [spmem:s3], $0x2800, $0x38;
	[tilespmem:$0x194E0] =	vst v63  }
0x2ba: {  	_ =	swait.ge [sflag:s31], $0x2800  }
0x2bb: {  	[sflag:s31] =	ssyncset.done $0x0  }
0x2bc: {  	s7 =	simm.s32 $0x9C80;
	v0 =	vimm.f32 $0.0e+00;
	[sflag:s31] =	ssyncadd.s32 $0xFFFFD800  }
0x2bd: {  	[tilespmem:s7+$0xFFFFFFC0] =	vst v0  }
0x2be: {  	[tilespmem:s7+$0x30] =	vst v0  }
0x2bf: {  	[tilespmem:s7+$0x20] =	vst v0  }
0x2c0: {  	[tilespmem:s7+$0x10] =	vst v0  }
0x2c1: {  	[tilespmem:s7+$0x0] =	vst v0  }
0x2c2: {  	[tilespmem:s7+$0xFFFFFFF0] =	vst v0  }
0x2c3: {  	s8 =	simm.s32 $0x0;
	[tilespmem:s7+$0xFFFFFFE0] =	vst v0  }
.LBB2_13:
0x2c4: {  	s8 =	sadd.s32 $0x80, s8;
	[tilespmem:s7+$0xFFFFFFD0] =	vst v0;
	s7 =	sadd.s32 $0x80, s7  }
0x2c5: {  	[tilespmem:s7+$0xFFFFFFC0] =	vst v0;
	p0 =	slt.u32 s8, $0x2780  }
0x2c6: {  	[tilespmem:s7+$0x30] =	vst v0  }
.Ltmp6:
0x2c7: {  	[tilespmem:s7+$0x20] =	vst v0;
	(pc) =	sbr.rel @p0 .LBB2_13-.Ltmp6, $4  }
0x2c8: {  	[tilespmem:s7+$0x10] =	vst v0  }
0x2c9: {  	[tilespmem:s7+$0x0] =	vst v0  }
0x2ca: {  	[tilespmem:s7+$0xFFFFFFF0] =	vst v0  }
0x2cb: {  	[tilespmem:s7+$0xFFFFFFE0] =	vst v0  }
0x2cc: {  	[tilespmem:s7+$0xFFFFFFD0] =	vst v0;
	s31 =	simm.s32 $0x1  }
0x2cd: {  	_ =	swait.ge [sflag:s31], $0x4E20  }
0x2ce: {  	[sflag:s31] =	ssyncset.done $0x0  }
0x2cf: {  	s9 =	simm.s32 $0x40;
	[sflag:s31] =	ssyncadd.s32 $0xFFFFB1E0  }
0x2d0: {  	v0 =	vld [tilespmem:s9+$0x30]  }
0x2d1: {  	v1 =	vld [tilespmem:s9+$0xFFFFFFD0]  }
0x2d2: {  	v2 =	vld [tilespmem:s9+$0xFFFFFFE0]  }
0x2d3: {  	v3 =	vld [tilespmem:s9+$0xFFFFFFF0]  }
0x2d4: {  	v4 =	vld [tilespmem:s9+$0x0]  }
0x2d5: {  	s7 =	simm.s32 $0x4E60;
	v5 =	vld [tilespmem:s9+$0x10]  }
0x2d6: {  	v6 =	vld [tilespmem:s7+$0x30]  }
0x2d7: {  	v7 =	vld [tilespmem:s9+$0x20]  }
0x2d8: {  	v8 =	vld [tilespmem:s9+$0xFFFFFFC0]  }
0x2d9: {  	v63 =	vld [tilespmem:s7+$0xFFFFFFC0]  }
0x2da: {  	v10 =	vld [tilespmem:s7+$0xFFFFFFD0]  }
0x2db: {  	v11 =	vld [tilespmem:s7+$0xFFFFFFE0]  }
0x2dc: {  	v12 =	vld [tilespmem:s7+$0xFFFFFFF0]  }
0x2dd: {  	v13 =	vld [tilespmem:s7+$0x0]  }
0x2de: {  	s8 =	simm.s32 $0xC440;
	v14 =	vld [tilespmem:s7+$0x10]  }
0x2df: {  	v0 =	vld.idx.msk [tilespmem:v0+s8+$0x0], $0xffff  }
0x2e0: {  	v9 =	vld.idx.msk [tilespmem:v1+s8+$0x0], $0xffff  }
0x2e1: {  	v2 =	vld.idx.msk [tilespmem:v2+s8+$0x0], $0xffff  }
0x2e2: {  	v3 =	vld.idx.msk [tilespmem:v3+s8+$0x0], $0xffff  }
0x2e3: {  	v4 =	vld.idx.msk [tilespmem:v4+s8+$0x0], $0xffff  }
0x2e4: {  	v62 =	vld.idx.msk [tilespmem:v8+s8+$0x0], $0xffff  }
0x2e5: {  	v5 =	vld.idx.msk [tilespmem:v5+s8+$0x0], $0xffff  }
0x2e6: {  	s9 =	simm.s32 $0x9C40;
	v1 =	vld [tilespmem:s7+$0x20]  }
0x2e7: {  	[tilespmem:v6+s9+$0x0] =	vst.idx.add.f32.msk $0xffff, v0  }
0x2e8: {  	v0 =	vld.idx.msk [tilespmem:v7+s8+$0x0], $0xffff  }
0x2e9: {  	[tilespmem:v63+s9+$0x0] =	vst.idx.add.f32.msk $0xffff, v62  }
0x2ea: {  	[tilespmem:v10+s9+$0x0] =	vst.idx.add.f32.msk $0xffff, v9  }
0x2eb: {  	[tilespmem:v11+s9+$0x0] =	vst.idx.add.f32.msk $0xffff, v2  }
0x2ec: {  	[tilespmem:v12+s9+$0x0] =	vst.idx.add.f32.msk $0xffff, v3  }
0x2ed: {  	[tilespmem:v13+s9+$0x0] =	vst.idx.add.f32.msk $0xffff, v4  }
0x2ee: {  	s10 =	simm.s32 $0x0;
	s11 =	simm.s32 $0xC0;
	[tilespmem:v14+s9+$0x0] =	vst.idx.add.f32.msk $0xffff, v5  }
.LBB2_15:
0x2ef: {  	v2 =	vld [tilespmem:s11+$0x30];
	s10 =	sadd.s32 $0x80, s10  }
0x2f0: {  	v3 =	vld [tilespmem:s11+$0xFFFFFFD0];
	p0 =	slt.u32 s10, $0x4D80  }
0x2f1: {  	v4 =	vld [tilespmem:s11+$0xFFFFFFE0]  }
0x2f2: {  	v5 =	vld [tilespmem:s11+$0xFFFFFFF0]  }
0x2f3: {  	v6 =	vld [tilespmem:s11+$0x0]  }
0x2f4: {  	s7 =	sadd.s32 $0x80, s7;
	v7 =	vld [tilespmem:s11+$0x10]  }
0x2f5: {  	v8 =	vld [tilespmem:s7+$0x30]  }
0x2f6: {  	v9 =	vld [tilespmem:s11+$0x20]  }
0x2f7: {  	v2 =	vld.idx.msk [tilespmem:v2+s8+$0x0], $0xffff  }
0x2f8: {  	v10 =	vld [tilespmem:s11+$0xFFFFFFC0]  }
0x2f9: {  	v3 =	vld.idx.msk [tilespmem:v3+s8+$0x0], $0xffff  }
0x2fa: {  	v4 =	vld.idx.msk [tilespmem:v4+s8+$0x0], $0xffff  }
0x2fb: {  	v5 =	vld.idx.msk [tilespmem:v5+s8+$0x0], $0xffff  }
0x2fc: {  	v6 =	vld.idx.msk [tilespmem:v6+s8+$0x0], $0xffff  }
0x2fd: {  	[tilespmem:v8+s9+$0x0] =	vst.idx.add.f32.msk $0xffff, v2  }
0x2fe: {  	v2 =	vld.idx.msk [tilespmem:v7+s8+$0x0], $0xffff  }
0x2ff: {  	v7 =	vld.idx.msk [tilespmem:v9+s8+$0x0], $0xffff  }
0x300: {  	v8 =	vld.idx.msk [tilespmem:v10+s8+$0x0], $0xffff  }
0x301: {  	v9 =	vld [tilespmem:s7+$0xFFFFFFC0]  }
0x302: {  	v10 =	vld [tilespmem:s7+$0xFFFFFFD0]  }
0x303: {  	v11 =	vld [tilespmem:s7+$0xFFFFFFE0]  }
0x304: {  	v12 =	vld [tilespmem:s7+$0xFFFFFFF0]  }
0x305: {  	v13 =	vld [tilespmem:s7+$0x0]  }
0x306: {  	v14 =	vld [tilespmem:s7+$0x10]  }
0x307: {  	v15 =	vld [tilespmem:s7+$0x20]  }
0x308: {  	[tilespmem:v1+s9+$0x0] =	vst.idx.add.f32.msk $0xffff, v0;
	v0 =	vmov v7  }
0x309: {  	[tilespmem:v9+s9+$0x0] =	vst.idx.add.f32.msk $0xffff, v8  }
.Ltmp7:
0x30a: {  	[tilespmem:v10+s9+$0x0] =	vst.idx.add.f32.msk $0xffff, v3;
	(pc) =	sbr.rel @p0 .LBB2_15-.Ltmp7, $4  }
0x30b: {  	[tilespmem:v11+s9+$0x0] =	vst.idx.add.f32.msk $0xffff, v4  }
0x30c: {  	[tilespmem:v12+s9+$0x0] =	vst.idx.add.f32.msk $0xffff, v5;
	v1 =	vmov v15  }
0x30d: {  	[tilespmem:v13+s9+$0x0] =	vst.idx.add.f32.msk $0xffff, v6  }
0x30e: {  	s11 =	sadd.s32 $0x80, s11;
	[tilespmem:v14+s9+$0x0] =	vst.idx.add.f32.msk $0xffff, v2  }
0x30f: {  	_ =	sdelay $0x2  }
0x310: {  	s7 =	simm.s32 $0x4DF0;
	s8 =	simm.s32 $0x9C20  }
0x311: {  	[tilespmem:v1+s9+$0x0] =	vst.idx.add.f32.msk $0xffff, v0;
	s9 =	simm.s32 $0x4E00;
	s10 =	simm.s32 $0xC440;
	s11 =	simm.s32 $0x9C40  }
.LBB2_17:
0x312: {  	v0 =	vld [tilespmem:s9+$0x0];
	_ =	sdelay $0x4  }
0x313: {  	v1 =	vld [tilespmem:s8+$0x0];
	_ =	sdelay $0x1  }
0x314: {  	s7 =	sadd.s32 $0x10, s7  }
0x315: {  	p0 =	slt.u32 s7, $0x4E10;
	v0 =	vld.idx.msk [tilespmem:v0+s10+$0x0], $0xffff  }
.Ltmp8:
0x316: {  	_ = 	snop;
	(pc) =	sbr.rel @p0 .LBB2_17-.Ltmp8, $2  }
0x317: {  	_ =	sdelay $0x2  }
0x318: {  	s8 =	sadd.s32 $0x10, s8;
	s9 =	sadd.s32 $0x10, s9;
	[tilespmem:v1+s11+$0x0] =	vst.idx.add.f32.msk $0xffff, v0  }
0x319: {  	s7 =	simm.s32 $0x9C40;
	s28 =	simm.s32 $0x3  }
0x31a: {  	[spmem:s4] =	stream.linear.scatter [tilespmem:s7], [sflag:$0x3], $0x2800, $0x38;
	[tilespmem:$0x194E0] =	vst v63  }
0x31b: {  	_ =	swait.ge [sflag:s28], $0x2800  }
0x31c: {  	[sflag:s28] =	ssyncset.done $0x0  }
0x31d: {  	s8 =	simm.s32 $0x280;
	[sflag:s28] =	ssyncadd.s32 $0xFFFFD800  }
0x31e: {  	s9 =	simm.s32 $0x2800;
	s10 =	simm.s32 $0x13AA0;
	[bflag:$0x0] =	sbarrier.arrive $0xFFFF  }
0x31f: {  	[tilespmem:s10], [sflag:$0x3] =	stream.strided.gather [spmem:s5], $0x2800, s9, s8, $0x38;
	[tilespmem:$0x194E0] =	vst v63  }
0x320: {  	_ =	swait.ge [sflag:s28], $0x2800  }
0x321: {  	[sflag:s28] =	ssyncset.done $0x0  }
0x322: {  	s29 =	simm.s32 $0x14EA0;
	[sflag:s28] =	ssyncadd.s32 $0xFFFFD800  }
0x323: {  	v0 =	vld [tilespmem:s29+$0xFFFFEC10]  }
0x324: {  	v1 =	vld [tilespmem:s29+$0xFFFFEE90]  }
0x325: {  	v2 =	vld [tilespmem:s29+$0xFFFFEE80]  }
0x326: {  	v3 =	vld [tilespmem:s29+$0xFFFFF110]  }
0x327: {  	v4 =	vld [tilespmem:s29+$0xFFFFEC00]  }
0x328: {  	v5 =	vld [tilespmem:s29+$0xFFFFF390]  }
0x329: {  	v6 =	vld [tilespmem:s29+$0xFFFFF100]  }
0x32a: {  	v7 =	vld [tilespmem:s29+$0xFFFFF610]  }
0x32b: {  	v8 =	vld [tilespmem:s29+$0xFFFFF380]  }
0x32c: {  	v9 =	vld [tilespmem:s29+$0xFFFFF890]  }
0x32d: {  	v10 =	vld [tilespmem:s29+$0xFFFFF600]  }
0x32e: {  	v11 =	vld [tilespmem:s29+$0xFFFFFB10]  }
0x32f: {  	v12 =	vld [tilespmem:s29+$0xFFFFF880]  }
0x330: {  	v13 =	vld [tilespmem:s29+$0xFFFFFD90]  }
0x331: {  	v14 =	vld [tilespmem:s29+$0xFFFFFB00]  }
0x332: {  	v15 =	vld [tilespmem:s29+$0x10]  }
0x333: {  	v16 =	vld [tilespmem:s29+$0xFFFFFD80]  }
0x334: {  	v17 =	vld [tilespmem:s29+$0x290]  }
0x335: {  	v18 =	vld [tilespmem:s29+$0x0]  }
0x336: {  	v19 =	vld [tilespmem:s29+$0x510]  }
0x337: {  	v20 =	vld [tilespmem:s29+$0x280]  }
0x338: {  	v21 =	vld [tilespmem:s29+$0x790]  }
0x339: {  	v22 =	vld [tilespmem:s29+$0x500]  }
0x33a: {  	v23 =	vld [tilespmem:s29+$0xA10]  }
0x33b: {  	v24 =	vld [tilespmem:s29+$0x780]  }
0x33c: {  	v25 =	vld [tilespmem:s29+$0xC90]  }
0x33d: {  	v26 =	vld [tilespmem:s29+$0xA00]  }
0x33e: {  	v27 =	vld [tilespmem:s29+$0xF10]  }
0x33f: {  	v28 =	vld [tilespmem:s29+$0xC80]  }
0x340: {  	s31 =	simm.s32 $0x14EC0;
	v29 =	vld [tilespmem:s29+$0x1190];
	v0 =	vadd.f32 v1, v0  }
0x341: {  	v44 =	vld [tilespmem:s31+$0xFFFFF110];
	v1 =	vadd.f32 v2, v4  }
0x342: {  	v45 =	vld [tilespmem:s31+$0xFFFFEC00];
	v0 =	vadd.f32 v3, v0  }
0x343: {  	v46 =	vld [tilespmem:s31+$0xFFFFF390];
	v1 =	vadd.f32 v6, v1  }
0x344: {  	v0 =	vadd.f32 v5, v0;
	v5 =	vld [tilespmem:s31+$0xFFFFEC10]  }
0x345: {  	v1 =	vadd.f32 v8, v1;
	v8 =	vld [tilespmem:s31+$0xFFFFEE90]  }
0x346: {  	v47 =	vld [tilespmem:s31+$0xFFFFF100]  }
0x347: {  	v48 =	vld [tilespmem:s31+$0xFFFFF380];
	v0 =	vadd.f32 v7, v0;
	v1 =	vadd.f32 v10, v1  }
0x348: {  	v49 =	vld [tilespmem:s31+$0xFFFFF890]  }
0x349: {  	v7 =	vld [tilespmem:s31+$0xFFFFEE80];
	v0 =	vadd.f32 v9, v0;
	v1 =	vadd.f32 v12, v1  }
0x34a: {  	v50 =	vld [tilespmem:s31+$0xFFFFF600];
	v5 =	vadd.f32 v8, v5  }
0x34b: {  	v8 =	vld [tilespmem:s31+$0xFFFFF610];
	v0 =	vadd.f32 v11, v0;
	v1 =	vadd.f32 v14, v1  }
0x34c: {  	v51 =	vld [tilespmem:s31+$0xFFFFFB10];
	v5 =	vadd.f32 v44, v5  }
0x34d: {  	v52 =	vld [tilespmem:s31+$0xFFFFF880];
	v0 =	vadd.f32 v13, v0;
	v1 =	vadd.f32 v16, v1  }
0x34e: {  	v53 =	vld [tilespmem:s31+$0xFFFFFB00];
	v7 =	vadd.f32 v7, v45;
	v5 =	vadd.f32 v46, v5  }
0x34f: {  	v54 =	vld [tilespmem:s31+$0x10];
	v0 =	vadd.f32 v15, v0;
	v1 =	vadd.f32 v18, v1  }
0x350: {  	v55 =	vld [tilespmem:s31+$0xFFFFFD80];
	v7 =	vadd.f32 v47, v7;
	v5 =	vadd.f32 v8, v5  }
0x351: {  	v8 =	vld [tilespmem:s31+$0xFFFFFD90];
	v0 =	vadd.f32 v17, v0;
	v1 =	vadd.f32 v20, v1  }
0x352: {  	v56 =	vld [tilespmem:s31+$0x290];
	v7 =	vadd.f32 v48, v7;
	v5 =	vadd.f32 v49, v5  }
0x353: {  	v57 =	vld [tilespmem:s31+$0x0];
	v0 =	vadd.f32 v19, v0;
	v1 =	vadd.f32 v22, v1  }
0x354: {  	v58 =	vld [tilespmem:s31+$0x280];
	v7 =	vadd.f32 v50, v7;
	v5 =	vadd.f32 v51, v5  }
0x355: {  	v59 =	vld [tilespmem:s31+$0x790];
	v0 =	vadd.f32 v21, v0;
	v1 =	vadd.f32 v24, v1  }
0x356: {  	v2 =	vld [tilespmem:s29+$0xF00];
	v7 =	vadd.f32 v52, v7;
	v5 =	vadd.f32 v8, v5  }
0x357: {  	v8 =	vld [tilespmem:s31+$0x510];
	v0 =	vadd.f32 v23, v0;
	v1 =	vadd.f32 v26, v1  }
0x358: {  	s30 =	simm.s32 $0x162B0;
	v3 =	vld [tilespmem:s29+$0x1180];
	v7 =	vadd.f32 v53, v7;
	v5 =	vadd.f32 v54, v5  }
0x359: {  	v4 =	vld [tilespmem:s30+$0x0];
	v0 =	vadd.f32 v25, v0;
	v1 =	vadd.f32 v28, v1  }
0x35a: {  	v6 =	vld [tilespmem:s30+$0xFFFFFFF0];
	v7 =	vadd.f32 v55, v7;
	v5 =	vadd.f32 v56, v5  }
0x35b: {  	v0 =	vadd.f32 v27, v0;
	v1 =	vadd.f32 v2, v1;
	v2 =	vld [tilespmem:s31+$0x500]  }
0x35c: {  	v60 =	vld [tilespmem:s31+$0xA10];
	v7 =	vadd.f32 v57, v7;
	v5 =	vadd.f32 v8, v5  }
0x35d: {  	v0 =	vadd.f32 v29, v0;
	v1 =	vadd.f32 v3, v1;
	v3 =	vld [tilespmem:s31+$0x780]  }
0x35e: {  	v7 =	vadd.f32 v58, v7;
	v8 =	vld [tilespmem:s31+$0xC90]  }
0x35f: {  	v61 =	vld [tilespmem:s31+$0xA00];
	v5 =	vadd.f32 v59, v5;
	v0 =	vadd.f32 v4, v0  }
0x360: {  	v1 =	vadd.f32 v6, v1;
	v2 =	vadd.f32 v2, v7;
	v7 =	vld [tilespmem:s31+$0xF10]  }
0x361: {  	v62 =	vld [tilespmem:s31+$0xC80];
	v5 =	vadd.f32 v60, v5;
	v0 =	vmul.f32 v0, v4  }
0x362: {  	v1 =	vmul.f32 v1, v6;
	v63 =	vadd.f32 v3, v2;
	v2 =	vld [tilespmem:s31+$0x1190]  }
0x363: {  	s8 =	simm.s32 $0x162D0;
	v3 =	vld [tilespmem:s31+$0xF00];
	v5 =	vadd.f32 v8, v5;
	v0 =	vmul.f32 v0, v4  }
0x364: {  	s7 =	simm.s32 $0x16530;
	v6 =	vmul.f32 v1, v6;
	v1 =	vld [tilespmem:s8+$0x0];
	v8 =	vadd.f32 v61, v63  }
0x365: {  	v4 =	vld [tilespmem:s31+$0x1180];
	[tilespmem:s7+$0x0] =	vst v0;
	v5 =	vadd.f32 v7, v5  }
0x366: {  	s9 =	simm.s32 $0x20;
	s10 =	simm.s32 $0x14EE0;
	[tilespmem:s7+$0xFFFFFFF0] =	vst v6;
	v0 =	vld [tilespmem:s8+$0xFFFFFFF0];
	v6 =	vadd.f32 v62, v8  }
.LBB2_19:
0x367: {  	v7 =	vld [tilespmem:s10+$0xFFFFEC10];
	v2 =	vadd.f32 v2, v5  }
0x368: {  	s9 =	sadd.s32 $0x20, s9;
	v5 =	vld [tilespmem:s10+$0xFFFFEE90];
	v3 =	vadd.f32 v3, v6  }
0x369: {  	p0 =	slt.u32 s9, $0x260;
	v6 =	vld [tilespmem:s10+$0xFFFFEE80];
	v2 =	vadd.f32 v1, v2  }
0x36a: {  	v8 =	vld [tilespmem:s10+$0xFFFFF110];
	v3 =	vadd.f32 v4, v3  }
0x36b: {  	v4 =	vld [tilespmem:s10+$0xFFFFEC00];
	v2 =	vmul.f32 v2, v1  }
0x36c: {  	v9 =	vld [tilespmem:s10+$0xFFFFF390];
	v3 =	vadd.f32 v0, v3  }
0x36d: {  	v10 =	vld [tilespmem:s10+$0xFFFFF100];
	v5 =	vadd.f32 v5, v7;
	v1 =	vmul.f32 v2, v1  }
0x36e: {  	s7 =	sadd.s32 $0x20, s7;
	v2 =	vld [tilespmem:s10+$0xFFFFF610];
	v3 =	vmul.f32 v3, v0  }
0x36f: {  	v7 =	vld [tilespmem:s10+$0xFFFFF380];
	v5 =	vadd.f32 v8, v5;
	[tilespmem:s7+$0x0] =	vst v1  }
0x370: {  	v1 =	vadd.f32 v6, v4;
	v4 =	vld [tilespmem:s10+$0xFFFFF890];
	v0 =	vmul.f32 v3, v0  }
0x371: {  	v3 =	vld [tilespmem:s10+$0xFFFFF600];
	v5 =	vadd.f32 v9, v5  }
0x372: {  	v1 =	vadd.f32 v10, v1;
	v6 =	vld [tilespmem:s10+$0xFFFFFB10];
	[tilespmem:s7+$0xFFFFFFF0] =	vst v0  }
0x373: {  	v0 =	vld [tilespmem:s10+$0xFFFFF880];
	v2 =	vadd.f32 v2, v5  }
0x374: {  	v1 =	vadd.f32 v7, v1;
	v5 =	vld [tilespmem:s10+$0xFFFFFD90]  }
0x375: {  	v7 =	vld [tilespmem:s10+$0xFFFFFB00];
	v2 =	vadd.f32 v4, v2  }
0x376: {  	v1 =	vadd.f32 v3, v1;
	v3 =	vld [tilespmem:s10+$0x10]  }
0x377: {  	v4 =	vld [tilespmem:s10+$0xFFFFFD80];
	v2 =	vadd.f32 v6, v2  }
0x378: {  	v0 =	vadd.f32 v0, v1;
	v1 =	vld [tilespmem:s10+$0x290]  }
0x379: {  	v6 =	vld [tilespmem:s10+$0x0];
	v2 =	vadd.f32 v5, v2  }
0x37a: {  	v0 =	vadd.f32 v7, v0;
	v5 =	vld [tilespmem:s10+$0x510]  }
0x37b: {  	v7 =	vld [tilespmem:s10+$0x280];
	v2 =	vadd.f32 v3, v2  }
0x37c: {  	v0 =	vadd.f32 v4, v0;
	v3 =	vld [tilespmem:s10+$0x790]  }
0x37d: {  	v4 =	vld [tilespmem:s10+$0x500];
	v1 =	vadd.f32 v1, v2  }
0x37e: {  	v0 =	vadd.f32 v6, v0;
	v2 =	vld [tilespmem:s10+$0xA10]  }
0x37f: {  	v6 =	vld [tilespmem:s10+$0x780];
	v1 =	vadd.f32 v5, v1  }
0x380: {  	v0 =	vadd.f32 v7, v0;
	v5 =	vld [tilespmem:s10+$0xC90]  }
0x381: {  	v7 =	vld [tilespmem:s10+$0xA00];
	v1 =	vadd.f32 v3, v1  }
0x382: {  	v0 =	vadd.f32 v4, v0;
	v8 =	vld [tilespmem:s10+$0xF10]  }
0x383: {  	v9 =	vld [tilespmem:s10+$0xC80];
	v1 =	vadd.f32 v2, v1  }
.Ltmp9:
0x384: {  	v0 =	vadd.f32 v6, v0;
	v2 =	vld [tilespmem:s10+$0x1190];
	(pc) =	sbr.rel @p0 .LBB2_19-.Ltmp9, $4  }
0x385: {  	s8 =	sadd.s32 $0x20, s8;
	v3 =	vld [tilespmem:s10+$0xF00];
	v5 =	vadd.f32 v5, v1  }
0x386: {  	v0 =	vadd.f32 v7, v0;
	v1 =	vld [tilespmem:s8+$0x0]  }
0x387: {  	v4 =	vld [tilespmem:s10+$0x1180];
	v5 =	vadd.f32 v8, v5  }
0x388: {  	s10 =	sadd.s32 $0x20, s10;
	v6 =	vadd.f32 v9, v0;
	v0 =	vld [tilespmem:s8+$0xFFFFFFF0]  }
0x389: {  	_ = 	snop  }
0x38a: {  	v3 =	vadd.f32 v3, v6  }
0x38b: {  	v2 =	vadd.f32 v2, v5  }
0x38c: {  	v3 =	vadd.f32 v4, v3  }
0x38d: {  	v2 =	vadd.f32 v1, v2  }
0x38e: {  	v3 =	vadd.f32 v0, v3  }
0x38f: {  	v2 =	vmul.f32 v2, v1  }
0x390: {  	v3 =	vmul.f32 v3, v0  }
0x391: {  	v1 =	vmul.f32 v2, v1  }
0x392: {  	s7 =	sadd.s32 $0x20, s7;
	v0 =	vmul.f32 v3, v0  }
0x393: {  	[tilespmem:s7+$0x0] =	vst v1  }
0x394: {  	s29 =	simm.s32 $0x16520;
	s30 =	simm.s32 $0x3;
	[tilespmem:s7+$0xFFFFFFF0] =	vst v0  }
0x395: {  	[spmem:s6] =	stream.linear.scatter [tilespmem:s29], [sflag:$0x3], $0x280, $0x38;
	[tilespmem:$0x194E0] =	vst v63  }
0x396: {  	_ =	swait.ge [sflag:s30], $0x280  }
0x397: {  	[sflag:s30] =	ssyncset.done $0x0  }
0x398: {  	[sflag:s30] =	ssyncadd.s32 $0xFFFFFD80  }
0x399: {  	s31 =	simm.s32 $0xEC40;
	[bflag:$0x0] =	sbarrier.arrive $0xFFFF  }
0x39a: {  	[tilespmem:s31], [sflag:$0x3] =	stream.linear.gather [spmem:s3], $0x2800, $0x38;
	[tilespmem:$0x194E0] =	vst v63  }
0x39b: {  	_ =	swait.ge [sflag:s30], $0x2800  }
0x39c: {  	[sflag:s30] =	ssyncset.done $0x0  }
0x39d: {  	v0 =	vimm.f32 $0.0e+00;
	s3 =	simm.s32 $0x9C80;
	[sflag:s30] =	ssyncadd.s32 $0xFFFFD800  }
0x39e: {  	[tilespmem:s3+$0xFFFFFFC0] =	vst v0  }
0x39f: {  	[tilespmem:s3+$0x30] =	vst v0  }
0x3a0: {  	[tilespmem:s3+$0x20] =	vst v0  }
0x3a1: {  	[tilespmem:s3+$0x10] =	vst v0  }
0x3a2: {  	[tilespmem:s3+$0x0] =	vst v0  }
0x3a3: {  	[tilespmem:s3+$0xFFFFFFF0] =	vst v0  }
0x3a4: {  	s6 =	simm.s32 $0x0;
	[tilespmem:s3+$0xFFFFFFE0] =	vst v0  }
.LBB2_21:
0x3a5: {  	s6 =	sadd.s32 $0x80, s6;
	[tilespmem:s3+$0xFFFFFFD0] =	vst v0;
	s3 =	sadd.s32 $0x80, s3  }
0x3a6: {  	[tilespmem:s3+$0xFFFFFFC0] =	vst v0;
	p0 =	slt.u32 s6, $0x2780  }
0x3a7: {  	[tilespmem:s3+$0x30] =	vst v0  }
.Ltmp10:
0x3a8: {  	[tilespmem:s3+$0x20] =	vst v0;
	(pc) =	sbr.rel @p0 .LBB2_21-.Ltmp10, $4  }
0x3a9: {  	[tilespmem:s3+$0x10] =	vst v0  }
0x3aa: {  	[tilespmem:s3+$0x0] =	vst v0  }
0x3ab: {  	[tilespmem:s3+$0xFFFFFFF0] =	vst v0  }
0x3ac: {  	[tilespmem:s3+$0xFFFFFFE0] =	vst v0  }
0x3ad: {  	[tilespmem:s3+$0xFFFFFFD0] =	vst v0;
	s7 =	simm.s32 $0x40  }
0x3ae: {  	v0 =	vld [tilespmem:s7+$0x30]  }
0x3af: {  	v1 =	vld [tilespmem:s7+$0xFFFFFFD0]  }
0x3b0: {  	v2 =	vld [tilespmem:s7+$0xFFFFFFE0]  }
0x3b1: {  	v3 =	vld [tilespmem:s7+$0xFFFFFFF0]  }
0x3b2: {  	v4 =	vld [tilespmem:s7+$0x0]  }
0x3b3: {  	s3 =	simm.s32 $0x4E60;
	v5 =	vld [tilespmem:s7+$0x10]  }
0x3b4: {  	v6 =	vld [tilespmem:s3+$0x30]  }
0x3b5: {  	v7 =	vld [tilespmem:s7+$0x20]  }
0x3b6: {  	v8 =	vld [tilespmem:s7+$0xFFFFFFC0]  }
0x3b7: {  	v63 =	vld [tilespmem:s3+$0xFFFFFFC0]  }
0x3b8: {  	v10 =	vld [tilespmem:s3+$0xFFFFFFD0]  }
0x3b9: {  	v11 =	vld [tilespmem:s3+$0xFFFFFFE0]  }
0x3ba: {  	v12 =	vld [tilespmem:s3+$0xFFFFFFF0]  }
0x3bb: {  	v13 =	vld [tilespmem:s3+$0x0]  }
0x3bc: {  	s6 =	simm.s32 $0xEC40;
	v14 =	vld [tilespmem:s3+$0x10]  }
0x3bd: {  	v0 =	vld.idx.msk [tilespmem:v0+s6+$0x0], $0xffff  }
0x3be: {  	v9 =	vld.idx.msk [tilespmem:v1+s6+$0x0], $0xffff  }
0x3bf: {  	v2 =	vld.idx.msk [tilespmem:v2+s6+$0x0], $0xffff  }
0x3c0: {  	v3 =	vld.idx.msk [tilespmem:v3+s6+$0x0], $0xffff  }
0x3c1: {  	v4 =	vld.idx.msk [tilespmem:v4+s6+$0x0], $0xffff  }
0x3c2: {  	v62 =	vld.idx.msk [tilespmem:v8+s6+$0x0], $0xffff  }
0x3c3: {  	v5 =	vld.idx.msk [tilespmem:v5+s6+$0x0], $0xffff  }
0x3c4: {  	s7 =	simm.s32 $0x9C40;
	v1 =	vld [tilespmem:s3+$0x20]  }
0x3c5: {  	[tilespmem:v6+s7+$0x0] =	vst.idx.add.f32.msk $0xffff, v0  }
0x3c6: {  	v0 =	vld.idx.msk [tilespmem:v7+s6+$0x0], $0xffff  }
0x3c7: {  	[tilespmem:v63+s7+$0x0] =	vst.idx.add.f32.msk $0xffff, v62  }
0x3c8: {  	[tilespmem:v10+s7+$0x0] =	vst.idx.add.f32.msk $0xffff, v9  }
0x3c9: {  	[tilespmem:v11+s7+$0x0] =	vst.idx.add.f32.msk $0xffff, v2  }
0x3ca: {  	[tilespmem:v12+s7+$0x0] =	vst.idx.add.f32.msk $0xffff, v3  }
0x3cb: {  	[tilespmem:v13+s7+$0x0] =	vst.idx.add.f32.msk $0xffff, v4  }
0x3cc: {  	s8 =	simm.s32 $0x0;
	s9 =	simm.s32 $0xC0;
	[tilespmem:v14+s7+$0x0] =	vst.idx.add.f32.msk $0xffff, v5  }
.LBB2_23:
0x3cd: {  	v2 =	vld [tilespmem:s9+$0x30];
	s8 =	sadd.s32 $0x80, s8  }
0x3ce: {  	v3 =	vld [tilespmem:s9+$0xFFFFFFD0];
	p0 =	slt.u32 s8, $0x4D80  }
0x3cf: {  	v4 =	vld [tilespmem:s9+$0xFFFFFFE0]  }
0x3d0: {  	v5 =	vld [tilespmem:s9+$0xFFFFFFF0]  }
0x3d1: {  	v6 =	vld [tilespmem:s9+$0x0]  }
0x3d2: {  	s3 =	sadd.s32 $0x80, s3;
	v7 =	vld [tilespmem:s9+$0x10]  }
0x3d3: {  	v8 =	vld [tilespmem:s3+$0x30]  }
0x3d4: {  	v9 =	vld [tilespmem:s9+$0x20]  }
0x3d5: {  	v2 =	vld.idx.msk [tilespmem:v2+s6+$0x0], $0xffff  }
0x3d6: {  	v10 =	vld [tilespmem:s9+$0xFFFFFFC0]  }
0x3d7: {  	v3 =	vld.idx.msk [tilespmem:v3+s6+$0x0], $0xffff  }
0x3d8: {  	v4 =	vld.idx.msk [tilespmem:v4+s6+$0x0], $0xffff  }
0x3d9: {  	v5 =	vld.idx.msk [tilespmem:v5+s6+$0x0], $0xffff  }
0x3da: {  	v6 =	vld.idx.msk [tilespmem:v6+s6+$0x0], $0xffff  }
0x3db: {  	[tilespmem:v8+s7+$0x0] =	vst.idx.add.f32.msk $0xffff, v2  }
0x3dc: {  	v2 =	vld.idx.msk [tilespmem:v7+s6+$0x0], $0xffff  }
0x3dd: {  	v7 =	vld.idx.msk [tilespmem:v9+s6+$0x0], $0xffff  }
0x3de: {  	v8 =	vld.idx.msk [tilespmem:v10+s6+$0x0], $0xffff  }
0x3df: {  	v9 =	vld [tilespmem:s3+$0xFFFFFFC0]  }
0x3e0: {  	v10 =	vld [tilespmem:s3+$0xFFFFFFD0]  }
0x3e1: {  	v11 =	vld [tilespmem:s3+$0xFFFFFFE0]  }
0x3e2: {  	v12 =	vld [tilespmem:s3+$0xFFFFFFF0]  }
0x3e3: {  	v13 =	vld [tilespmem:s3+$0x0]  }
0x3e4: {  	v14 =	vld [tilespmem:s3+$0x10]  }
0x3e5: {  	v15 =	vld [tilespmem:s3+$0x20]  }
0x3e6: {  	[tilespmem:v1+s7+$0x0] =	vst.idx.add.f32.msk $0xffff, v0;
	v0 =	vmov v7  }
0x3e7: {  	[tilespmem:v9+s7+$0x0] =	vst.idx.add.f32.msk $0xffff, v8  }
.Ltmp11:
0x3e8: {  	[tilespmem:v10+s7+$0x0] =	vst.idx.add.f32.msk $0xffff, v3;
	(pc) =	sbr.rel @p0 .LBB2_23-.Ltmp11, $4  }
0x3e9: {  	[tilespmem:v11+s7+$0x0] =	vst.idx.add.f32.msk $0xffff, v4  }
0x3ea: {  	[tilespmem:v12+s7+$0x0] =	vst.idx.add.f32.msk $0xffff, v5;
	v1 =	vmov v15  }
0x3eb: {  	[tilespmem:v13+s7+$0x0] =	vst.idx.add.f32.msk $0xffff, v6  }
0x3ec: {  	s9 =	sadd.s32 $0x80, s9;
	[tilespmem:v14+s7+$0x0] =	vst.idx.add.f32.msk $0xffff, v2  }
0x3ed: {  	_ =	sdelay $0x2  }
0x3ee: {  	s3 =	simm.s32 $0x4DF0;
	s6 =	simm.s32 $0x9C20  }
0x3ef: {  	[tilespmem:v1+s7+$0x0] =	vst.idx.add.f32.msk $0xffff, v0;
	s7 =	simm.s32 $0x4E00;
	s8 =	simm.s32 $0xEC40;
	s9 =	simm.s32 $0x9C40  }
.LBB2_25:
0x3f0: {  	v0 =	vld [tilespmem:s7+$0x0];
	_ =	sdelay $0x4  }
0x3f1: {  	v1 =	vld [tilespmem:s6+$0x0];
	_ =	sdelay $0x1  }
0x3f2: {  	s3 =	sadd.s32 $0x10, s3  }
0x3f3: {  	p0 =	slt.u32 s3, $0x4E10;
	v0 =	vld.idx.msk [tilespmem:v0+s8+$0x0], $0xffff  }
.Ltmp12:
0x3f4: {  	_ = 	snop;
	(pc) =	sbr.rel @p0 .LBB2_25-.Ltmp12, $2  }
0x3f5: {  	_ =	sdelay $0x2  }
0x3f6: {  	s6 =	sadd.s32 $0x10, s6;
	s7 =	sadd.s32 $0x10, s7;
	[tilespmem:v1+s9+$0x0] =	vst.idx.add.f32.msk $0xffff, v0  }
0x3f7: {  	s3 =	simm.s32 $0x9C40;
	s25 =	simm.s32 $0x3  }
0x3f8: {  	[spmem:s4] =	stream.linear.scatter [tilespmem:s3], [sflag:$0x3], $0x2800, $0x38;
	[tilespmem:$0x194E0] =	vst v63  }
0x3f9: {  	_ =	swait.ge [sflag:s25], $0x2800  }
0x3fa: {  	[sflag:s25] =	ssyncset.done $0x0  }
0x3fb: {  	s26 =	simm.s32 $0x280;
	[sflag:s25] =	ssyncadd.s32 $0xFFFFD800  }
0x3fc: {  	s6 =	simm.s32 $0x2800;
	s7 =	simm.s32 $0x13AA0;
	[bflag:$0x0] =	sbarrier.arrive $0xFFFF  }
0x3fd: {  	[tilespmem:s7], [sflag:$0x3] =	stream.strided.gather [spmem:s5], $0x2800, s6, s26, $0x38;
	[tilespmem:$0x194E0] =	vst v63  }
0x3fe: {  	_ =	swait.ge [sflag:s25], $0x2800  }
0x3ff: {  	[sflag:s25] =	ssyncset.done $0x0  }
0x400: {  	s28 =	simm.s32 $0x14EA0;
	[sflag:s25] =	ssyncadd.s32 $0xFFFFD800  }
0x401: {  	v0 =	vld [tilespmem:s28+$0xFFFFEC10]  }
0x402: {  	v1 =	vld [tilespmem:s28+$0xFFFFEE90]  }
0x403: {  	v2 =	vld [tilespmem:s28+$0xFFFFEE80]  }
0x404: {  	v3 =	vld [tilespmem:s28+$0xFFFFF110]  }
0x405: {  	v4 =	vld [tilespmem:s28+$0xFFFFEC00]  }
0x406: {  	v5 =	vld [tilespmem:s28+$0xFFFFF390]  }
0x407: {  	v6 =	vld [tilespmem:s28+$0xFFFFF100]  }
0x408: {  	v7 =	vld [tilespmem:s28+$0xFFFFF610]  }
0x409: {  	v8 =	vld [tilespmem:s28+$0xFFFFF380]  }
0x40a: {  	v9 =	vld [tilespmem:s28+$0xFFFFF890]  }
0x40b: {  	v10 =	vld [tilespmem:s28+$0xFFFFF600]  }
0x40c: {  	v11 =	vld [tilespmem:s28+$0xFFFFFB10]  }
0x40d: {  	v12 =	vld [tilespmem:s28+$0xFFFFF880]  }
0x40e: {  	v13 =	vld [tilespmem:s28+$0xFFFFFD90]  }
0x40f: {  	v14 =	vld [tilespmem:s28+$0xFFFFFB00]  }
0x410: {  	v15 =	vld [tilespmem:s28+$0x10]  }
0x411: {  	v16 =	vld [tilespmem:s28+$0xFFFFFD80]  }
0x412: {  	v17 =	vld [tilespmem:s28+$0x290]  }
0x413: {  	v18 =	vld [tilespmem:s28+$0x0]  }
0x414: {  	v19 =	vld [tilespmem:s28+$0x510]  }
0x415: {  	v20 =	vld [tilespmem:s28+$0x280]  }
0x416: {  	v21 =	vld [tilespmem:s28+$0x790]  }
0x417: {  	v22 =	vld [tilespmem:s28+$0x500]  }
0x418: {  	v23 =	vld [tilespmem:s28+$0xA10]  }
0x419: {  	v24 =	vld [tilespmem:s28+$0x780]  }
0x41a: {  	v25 =	vld [tilespmem:s28+$0xC90]  }
0x41b: {  	v26 =	vld [tilespmem:s28+$0xA00]  }
0x41c: {  	v27 =	vld [tilespmem:s28+$0xF10]  }
0x41d: {  	v28 =	vld [tilespmem:s28+$0xC80]  }
0x41e: {  	v29 =	vld [tilespmem:s28+$0x1190]  }
0x41f: {  	s29 =	simm.s32 $0x16530;
	v30 =	vld [tilespmem:s28+$0xF00]  }
0x420: {  	v31 =	vld [tilespmem:s29+$0x0]  }
0x421: {  	s30 =	simm.s32 $0x162B0;
	v32 =	vld [tilespmem:s28+$0x1180]  }
0x422: {  	v33 =	vld [tilespmem:s30+$0x0]  }
0x423: {  	v34 =	vld [tilespmem:s29+$0xFFFFFFF0]  }
0x424: {  	s31 =	simm.s32 $0x14EC0;
	v35 =	vld [tilespmem:s30+$0xFFFFFFF0]  }
0x425: {  	v0 =	vadd.f32 v1, v0;
	v1 =	vadd.f32 v2, v4;
	v2 =	vld [tilespmem:s31+$0xFFFFEC10]  }
0x426: {  	v4 =	vld [tilespmem:s31+$0xFFFFEE90]  }
0x427: {  	v0 =	vadd.f32 v3, v0;
	v3 =	vld [tilespmem:s31+$0xFFFFEE80]  }
0x428: {  	v1 =	vadd.f32 v6, v1;
	v6 =	vld [tilespmem:s31+$0xFFFFF110]  }
0x429: {  	v0 =	vadd.f32 v5, v0;
	v5 =	vld [tilespmem:s31+$0xFFFFEC00]  }
0x42a: {  	v1 =	vadd.f32 v8, v1;
	v8 =	vld [tilespmem:s31+$0xFFFFF390]  }
0x42b: {  	v2 =	vadd.f32 v4, v2;
	v0 =	vadd.f32 v7, v0;
	v7 =	vld [tilespmem:s31+$0xFFFFF100]  }
0x42c: {  	v4 =	vld [tilespmem:s31+$0xFFFFF610];
	v1 =	vadd.f32 v10, v1  }
0x42d: {  	v58 =	vld [tilespmem:s31+$0xFFFFF380];
	v2 =	vadd.f32 v6, v2;
	v0 =	vadd.f32 v9, v0  }
0x42e: {  	v1 =	vadd.f32 v12, v1;
	v3 =	vadd.f32 v3, v5;
	v5 =	vld [tilespmem:s31+$0xFFFFF890]  }
0x42f: {  	v6 =	vld [tilespmem:s31+$0xFFFFF600];
	v2 =	vadd.f32 v8, v2;
	v0 =	vadd.f32 v11, v0  }
0x430: {  	v1 =	vadd.f32 v14, v1;
	v3 =	vadd.f32 v7, v3;
	v7 =	vld [tilespmem:s31+$0xFFFFFB10]  }
0x431: {  	v8 =	vld [tilespmem:s31+$0xFFFFF880];
	v2 =	vadd.f32 v4, v2;
	v0 =	vadd.f32 v13, v0  }
0x432: {  	v4 =	vld [tilespmem:s31+$0xFFFFFD90];
	v1 =	vadd.f32 v16, v1;
	v3 =	vadd.f32 v58, v3  }
0x433: {  	v59 =	vld [tilespmem:s31+$0xFFFFFB00];
	v0 =	vadd.f32 v15, v0;
	v2 =	vadd.f32 v5, v2  }
0x434: {  	v1 =	vadd.f32 v18, v1;
	v5 =	vld [tilespmem:s31+$0x10];
	v3 =	vadd.f32 v6, v3  }
0x435: {  	v6 =	vld [tilespmem:s31+$0xFFFFFD80];
	v0 =	vadd.f32 v17, v0;
	v2 =	vadd.f32 v7, v2  }
0x436: {  	v1 =	vadd.f32 v20, v1;
	v7 =	vld [tilespmem:s31+$0x290];
	v3 =	vadd.f32 v8, v3  }
0x437: {  	v8 =	vld [tilespmem:s31+$0x0];
	v0 =	vadd.f32 v19, v0;
	v2 =	vadd.f32 v4, v2  }
0x438: {  	v1 =	vadd.f32 v22, v1;
	v4 =	vld [tilespmem:s31+$0x510];
	v3 =	vadd.f32 v59, v3  }
0x439: {  	v60 =	vld [tilespmem:s31+$0x280];
	v0 =	vadd.f32 v21, v0;
	v2 =	vadd.f32 v5, v2  }
0x43a: {  	v1 =	vadd.f32 v24, v1;
	v5 =	vld [tilespmem:s31+$0x790];
	v3 =	vadd.f32 v6, v3  }
0x43b: {  	v6 =	vld [tilespmem:s31+$0x500];
	v0 =	vadd.f32 v23, v0;
	v2 =	vadd.f32 v7, v2  }
0x43c: {  	v1 =	vadd.f32 v26, v1;
	v7 =	vld [tilespmem:s31+$0xA10];
	v3 =	vadd.f32 v8, v3  }
0x43d: {  	v8 =	vld [tilespmem:s31+$0x780];
	v0 =	vadd.f32 v25, v0;
	v2 =	vadd.f32 v4, v2  }
0x43e: {  	v1 =	vadd.f32 v28, v1;
	v4 =	vld [tilespmem:s31+$0xC90];
	v3 =	vadd.f32 v60, v3  }
0x43f: {  	v61 =	vld [tilespmem:s31+$0xA00];
	v0 =	vadd.f32 v27, v0;
	v2 =	vadd.f32 v5, v2  }
0x440: {  	v1 =	vadd.f32 v30, v1;
	v5 =	vld [tilespmem:s31+$0xF10];
	v3 =	vadd.f32 v6, v3  }
0x441: {  	v6 =	vld [tilespmem:s31+$0xC80];
	v0 =	vadd.f32 v29, v0;
	v2 =	vadd.f32 v7, v2  }
0x442: {  	v1 =	vadd.f32 v32, v1;
	v7 =	vld [tilespmem:s31+$0x1190];
	v3 =	vadd.f32 v8, v3  }
0x443: {  	s3 =	simm.s32 $0x16550;
	v63 =	vld [tilespmem:s31+$0xF00];
	v8 =	vadd.f32 v31, v0;
	v2 =	vadd.f32 v4, v2  }
0x444: {  	v62 =	vadd.f32 v34, v1;
	v0 =	vld [tilespmem:s3+$0x0];
	v3 =	vadd.f32 v61, v3  }
0x445: {  	s5 =	simm.s32 $0x162D0;
	v1 =	vld [tilespmem:s31+$0x1180];
	v4 =	vmul.f32 v8, v33;
	v5 =	vadd.f32 v5, v2  }
0x446: {  	s4 =	simm.s32 $0x167B0;
	v8 =	vmul.f32 v62, v35;
	v2 =	vld [tilespmem:s5+$0x0];
	v3 =	vadd.f32 v6, v3  }
0x447: {  	[tilespmem:s4+$0x0] =	vst v4;
	v4 =	vld [tilespmem:s3+$0xFFFFFFF0];
	v5 =	vadd.f32 v7, v5  }
0x448: {  	s6 =	simm.s32 $0x20;
	s7 =	simm.s32 $0x14EE0;
	[tilespmem:s4+$0xFFFFFFF0] =	vst v8;
	v6 =	vadd.f32 v63, v3;
	v3 =	vld [tilespmem:s5+$0xFFFFFFF0]  }
.LBB2_27:
0x449: {  	v7 =	vld [tilespmem:s7+$0xFFFFEC10];
	v0 =	vadd.f32 v0, v5  }
0x44a: {  	s6 =	sadd.s32 $0x20, s6;
	v5 =	vld [tilespmem:s7+$0xFFFFEE90];
	v1 =	vadd.f32 v1, v6  }
0x44b: {  	p0 =	slt.u32 s6, $0x260;
	v6 =	vld [tilespmem:s7+$0xFFFFEE80];
	v0 =	vmul.f32 v0, v2  }
0x44c: {  	s4 =	sadd.s32 $0x20, s4;
	v2 =	vld [tilespmem:s7+$0xFFFFF110];
	v1 =	vadd.f32 v4, v1  }
0x44d: {  	v4 =	vld [tilespmem:s7+$0xFFFFEC00];
	[tilespmem:s4+$0x0] =	vst v0  }
0x44e: {  	v0 =	vld [tilespmem:s7+$0xFFFFF390];
	v1 =	vmul.f32 v1, v3  }
0x44f: {  	v3 =	vld [tilespmem:s7+$0xFFFFF100];
	v5 =	vadd.f32 v5, v7  }
0x450: {  	v7 =	vld [tilespmem:s7+$0xFFFFF610];
	[tilespmem:s4+$0xFFFFFFF0] =	vst v1  }
0x451: {  	v1 =	vld [tilespmem:s7+$0xFFFFF380];
	v2 =	vadd.f32 v2, v5  }
0x452: {  	v4 =	vadd.f32 v6, v4;
	v5 =	vld [tilespmem:s7+$0xFFFFF890]  }
0x453: {  	v6 =	vld [tilespmem:s7+$0xFFFFF600];
	v0 =	vadd.f32 v0, v2  }
0x454: {  	v2 =	vadd.f32 v3, v4;
	v3 =	vld [tilespmem:s7+$0xFFFFFB10]  }
0x455: {  	v4 =	vld [tilespmem:s7+$0xFFFFF880];
	v0 =	vadd.f32 v7, v0  }
0x456: {  	v1 =	vadd.f32 v1, v2;
	v2 =	vld [tilespmem:s7+$0xFFFFFD90]  }
0x457: {  	v7 =	vld [tilespmem:s7+$0xFFFFFB00];
	v0 =	vadd.f32 v5, v0  }
0x458: {  	v1 =	vadd.f32 v6, v1;
	v5 =	vld [tilespmem:s7+$0x10]  }
0x459: {  	v6 =	vld [tilespmem:s7+$0xFFFFFD80];
	v0 =	vadd.f32 v3, v0  }
0x45a: {  	v1 =	vadd.f32 v4, v1;
	v3 =	vld [tilespmem:s7+$0x290]  }
0x45b: {  	v4 =	vld [tilespmem:s7+$0x0];
	v0 =	vadd.f32 v2, v0  }
0x45c: {  	v1 =	vadd.f32 v7, v1;
	v2 =	vld [tilespmem:s7+$0x510]  }
0x45d: {  	v7 =	vld [tilespmem:s7+$0x280];
	v0 =	vadd.f32 v5, v0  }
0x45e: {  	v1 =	vadd.f32 v6, v1;
	v5 =	vld [tilespmem:s7+$0x790]  }
0x45f: {  	v6 =	vld [tilespmem:s7+$0x500];
	v0 =	vadd.f32 v3, v0  }
0x460: {  	v1 =	vadd.f32 v4, v1;
	v3 =	vld [tilespmem:s7+$0xA10]  }
0x461: {  	v4 =	vld [tilespmem:s7+$0x780];
	v0 =	vadd.f32 v2, v0  }
0x462: {  	v1 =	vadd.f32 v7, v1;
	v2 =	vld [tilespmem:s7+$0xC90]  }
0x463: {  	v7 =	vld [tilespmem:s7+$0xA00];
	v0 =	vadd.f32 v5, v0  }
0x464: {  	v1 =	vadd.f32 v6, v1;
	v5 =	vld [tilespmem:s7+$0xF10]  }
0x465: {  	v6 =	vld [tilespmem:s7+$0xC80];
	v0 =	vadd.f32 v3, v0  }
0x466: {  	v1 =	vadd.f32 v4, v1;
	v3 =	vld [tilespmem:s7+$0x1190]  }
0x467: {  	s3 =	sadd.s32 $0x20, s3;
	v8 =	vld [tilespmem:s7+$0xF00];
	v2 =	vadd.f32 v2, v0  }
.Ltmp13:
0x468: {  	v4 =	vadd.f32 v7, v1;
	v0 =	vld [tilespmem:s3+$0x0];
	(pc) =	sbr.rel @p0 .LBB2_27-.Ltmp13, $4  }
0x469: {  	s5 =	sadd.s32 $0x20, s5;
	v1 =	vld [tilespmem:s7+$0x1180];
	v5 =	vadd.f32 v5, v2  }
0x46a: {  	v6 =	vadd.f32 v6, v4;
	v2 =	vld [tilespmem:s5+$0x0]  }
0x46b: {  	v4 =	vld [tilespmem:s3+$0xFFFFFFF0];
	v5 =	vadd.f32 v3, v5  }
0x46c: {  	s7 =	sadd.s32 $0x20, s7;
	v6 =	vadd.f32 v8, v6;
	v3 =	vld [tilespmem:s5+$0xFFFFFFF0]  }
0x46d: {  	_ = 	snop  }
0x46e: {  	v1 =	vadd.f32 v1, v6  }
0x46f: {  	v0 =	vadd.f32 v0, v5  }
0x470: {  	v1 =	vadd.f32 v4, v1  }
0x471: {  	v0 =	vmul.f32 v0, v2  }
0x472: {  	s5 =	sadd.s32 $0x20, s4;
	v1 =	vmul.f32 v1, v3  }
0x473: {  	s3 =	simm.s32 $0x0;
	s4 =	simm.s32 $0x167A0;
	[tilespmem:s5+$0x0] =	vst v0;
	v0 =	vlaneseq.u32  }
0x474: {  	s6 =	simm.s32 $0x12040;
	s7 =	simm.s32 $0x0;
	v0 =	vmul.u32 $0xA, v0;
	[tilespmem:s5+$0xFFFFFFF0] =	vst v1;
	s5 =	simm.s32 $0x13A50  }
.LBB2_29:
0x475: {  	s8 =	smul.u32 $0xA0, s7  }
0x476: {  	v1 =	vmov s3  }
0x477: {  	v1 =	vand.u32 $0x3F, v1;
	s9 =	sadd.s32 $0x0, s8  }
0x478: {  	v1 =	vbroadcast v1, $0x0;
	v2 =	vadd.s32 s9, v0  }
0x479: {  	s23 =	simm.s32 $0x0  }
0x47a: {  	v3 =	vmov s23  }
0x47b: {  	s10 =	simm.s32 $0x1  }
0x47c: {  	v4 =	vmov s10  }
0x47d: {  	v4 =	vand.u32 $0x3F, v4;
	s24 =	sadd.s32 $0x0, s8;
	v2 =	vld.idx.msk [tilespmem:v2+s4+$0x0], $0xffff  }
0x47e: {  	v5 =	vadd.s32 s24, v0;
	v4 =	vbroadcast v4, $0x0;
	v1 =	vld.idx.msk [tilespmem:v1+s5+$0x0], $0xffff  }
0x47f: {  	v6 =	vld.idx.msk [tilespmem:v3+s6+$0x0], $0xffff  }
0x480: {  	s25 =	simm.s32 $0x2;
	s26 =	simm.s32 $0x8  }
0x481: {  	v7 =	vmov s26;
	v3 =	vmov s25  }
0x482: {  	s28 =	sadd.s32 $0x0, s8;
	v3 =	vand.u32 $0x3F, v3  }
0x483: {  	s30 =	simm.s32 $0x10;
	v9 =	vadd.s32 s28, v0;
	v10 =	vbroadcast v3, $0x0;
	v11 =	vld.idx.msk [tilespmem:v5+s4+$0x0], $0xffff;
	v8 =	vmul.f32 v1, v2  }
0x484: {  	s29 =	simm.s32 $0x3;
	v3 =	vmov s30;
	v12 =	vld.idx.msk [tilespmem:v4+s5+$0x0], $0xffff;
	v5 =	vshrl.u32 v6, $0x10  }
0x485: {  	s31 =	sadd.s32 $0x0, s8;
	v14 =	vand.u32 $0x1, v5;
	v2 =	vmov s29;
	v4 =	vshrl.u32 v8, $0x10  }
0x486: {  	v5 =	vadd.s32 s31, v0;
	v13 =	vand.u32 $0x3F, v2;
	v2 =	vld.idx.msk [tilespmem:v7+s6+$0x0], $0xffff;
	v4 =	vand.u32 $0x1, v4  }
0x487: {  	v1 =	vimm.f32 $0.0e+00;
	v6 =	vadd.s32 v14, v6;
	v7 =	vadd.s32 v4, v8  }
0x488: {  	v63 =	vadd.s32 $0x7FFF, v6;
	v8 =	vbroadcast v13, $0x0;
	v4 =	vld.idx.msk [tilespmem:v9+s4+$0x0], $0xffff;
	v9 =	vadd.s32 $0x7FFF, v7  }
0x489: {  	s10 =	simm.s32 $0x18;
	s9 =	simm.s32 $0x4;
	v6 =	vld.idx.msk [tilespmem:v10+s5+$0x0], $0xffff;
	v10 =	vand.u32 $0xFFFF0000, v63;
	v7 =	vmul.f32 v12, v11;
	v9 =	vand.u32 $0xFFFF0000, v9  }
.LBB2_30:
0x48a: {  	v11 =	vmov s9;
	v12 =	vmov s10;
	v9 =	vmul.f32 v10, v9;
	v10 =	vmovc v8;
	s10 =	smov.u32 s9;
	p0 =	sne.s32 s9, $0x27F  }
.Ltmp14:
0x48b: {  	s11 =	sshrl.u32 s9, $0x6;
	v13 =	vshrl.u32 v2, $0x10;
	v14 =	vmovc v2;
	v8 =	vand.u32 $0x3F, v11;
	v11 =	vshrl.u32 v7, $0x10;
	v2 =	vld.idx.msk [tilespmem:v3+s6+$0x0], $0xffff;
	v3 =	vmovc v12;
	(pc) =	sbr.rel @p0 .LBB2_30-.Ltmp14, $4  }
0x48c: {  	s11 =	sadd.s32 s8, s11;
	v12 =	vand.u32 $0x1, v13;
	v11 =	vand.u32 $0x1, v11;
	v1 =	vadd.f32 v9, v1  }
0x48d: {  	s9 =	sadd.s32 $0x1, s9;
	v9 =	vadd.s32 s11, v0;
	v13 =	vadd.s32 v11, v7;
	v11 =	vadd.s32 v12, v14  }
0x48e: {  	v8 =	vbroadcast v8, $0x0;
	v7 =	vmovc v4;
	v12 =	vadd.s32 $0x7FFF, v13;
	v11 =	vadd.s32 $0x7FFF, v11;
	v4 =	vld.idx.msk [tilespmem:v5+s4+$0x0], $0xffff;
	v5 =	vmovc v9  }
0x48f: {  	s10 =	sshll.u32 s10, $0x3;
	v7 =	vmul.f32 v6, v7;
	v6 =	vld.idx.msk [tilespmem:v10+s5+$0x0], $0xffff;
	v9 =	vand.u32 $0xFFFF0000, v12;
	v10 =	vand.u32 $0xFFFF0000, v11  }
0x490: {  	_ =	sdelay $0x3  }
0x491: {  	v11 =	vmov s10;
	v5 =	vld.idx.msk [tilespmem:v5+s4+$0x0], $0xffff  }
0x492: {  	v8 =	vld.idx.msk [tilespmem:v8+s5+$0x0], $0xffff  }
0x493: {  	v3 =	vld.idx.msk [tilespmem:v3+s6+$0x0], $0xffff;
	v13 =	vshrl.u32 v2, $0x10;
	v9 =	vmul.f32 v10, v9;
	v12 =	vshrl.u32 v7, $0x10  }
0x494: {  	v54 =	vand.u32 $0x1, v13;
	v53 =	vand.u32 $0x1, v12  }
0x495: {  	v2 =	vadd.s32 v54, v2;
	v1 =	vadd.f32 v9, v1;
	v55 =	vadd.s32 v53, v7  }
0x496: {  	v2 =	vadd.s32 $0x7FFF, v2;
	v4 =	vmul.f32 v6, v4;
	v56 =	vadd.s32 $0x7FFF, v55;
	v57 =	vld.idx.msk [tilespmem:v11+s6+$0x0], $0xffff  }
0x497: {  	v2 =	vand.u32 $0xFFFF0000, v2;
	v6 =	vand.u32 $0xFFFF0000, v56;
	v5 =	vmul.f32 v8, v5  }
0x498: {  	v59 =	vshrl.u32 v3, $0x10;
	v58 =	vshrl.u32 v4, $0x10;
	v2 =	vmul.f32 v2, v6  }
0x499: {  	v6 =	vand.u32 $0x1, v59;
	v9 =	vand.u32 $0x1, v58;
	v60 =	vshrl.u32 v5, $0x10  }
0x49a: {  	v4 =	vadd.s32 v9, v4;
	v1 =	vadd.f32 v2, v1;
	v2 =	vadd.s32 v6, v3  }
0x49b: {  	v3 =	vadd.s32 $0x7FFF, v4;
	v2 =	vadd.s32 $0x7FFF, v2;
	v61 =	vshrl.u32 v57, $0x10  }
0x49c: {  	v4 =	vand.u32 $0x1, v60;
	v3 =	vand.u32 $0xFFFF0000, v3;
	v6 =	vand.u32 $0x1, v61  }
0x49d: {  	v2 =	vand.u32 $0xFFFF0000, v2;
	v4 =	vadd.s32 v4, v5;
	v62 =	vadd.s32 v6, v57  }
0x49e: {  	s8 =	sshll.u32 s7, $0x4;
	s7 =	sadd.s32 $0x1, s7;
	v2 =	vmul.f32 v2, v3;
	v3 =	vadd.s32 $0x7FFF, v4;
	v63 =	vadd.s32 $0x7FFF, v62  }
0x49f: {  	p0 =	sne.s32 s7, $0x4;
	v3 =	vand.u32 $0xFFFF0000, v3;
	v4 =	vand.u32 $0xFFFF0000, v63  }
.Ltmp15:
0x4a0: {  	v1 =	vadd.f32 v2, v1;
	v2 =	vmul.f32 v4, v3;
	(pc) =	sbr.rel @p0 .LBB2_29-.Ltmp15, $4  }
0x4a1: {  	_ = 	snop  }
0x4a2: {  	v1 =	vadd.f32 v2, v1  }
0x4a3: {  	s8 =	sand.u32 $0x3FFFFFF0, s8  }
0x4a4: {  	[tilespmem:s8+$0x16A20] =	vst v1  }
0x4a5: {  	p0 =	seq.s32 s0, $0xF  }
0x4a6: {  	s3 =	sadd.s32 @p0 $0x78, s2;
	s4 =	simm.s32 @p0 $0x0;
	s5 =	simm.s32 @p0 $0x16A20  }
0x4a7: {  	[hbm4b:s3+s4] =	stream.linear.scatter @p0 [tilespmem:s5], [sflag:$0x3], $0x28, $0x38;
	[tilespmem:$0x194E0] =	vst v63  }
0x4a8: {  	s3 =	simm.s32 @p0 $0x3  }
0x4a9: {  	_ =	swait.ge @p0 [sflag:s3], $0x28  }
0x4aa: {  	[sflag:s3] =	ssyncset.done @p0 $0x0  }
0x4ab: {  	[sflag:s3] =	ssyncadd.s32 @p0 $0xFFFFFFD8;
	s3 =	sshll.u32 @!p0 s0, $0x3  }
0x4ac: {  	s4 =	simm.s32 @!p0 $0x16A20;
	s2 =	sadd.s32 @!p0 s2, s3;
	s3 =	simm.s32 @!p0 $0x0  }
0x4ad: {  	[hbm4b:s2+s3] =	stream.linear.scatter @!p0 [tilespmem:s4], [sflag:$0x3], $0x40, $0x38;
	[tilespmem:$0x194E0] =	vst v63  }
0x4ae: {  	s2 =	simm.s32 @!p0 $0x3  }
0x4af: {  	_ =	swait.ge @!p0 [sflag:s2], $0x40  }
0x4b0: {  	[sflag:s2] =	ssyncset.done @!p0 $0x0  }
0x4b1: {  	[sflag:s2] =	ssyncadd.s32 @!p0 $0xFFFFFFC0  }
0x4b2: {  	_ =	sfence.sel $0x180000  }
0x4b3: {  	[bflag:$0x0] =	sbarrier.arrive $0xFFFF  }
0x4b4: {  	p0 =	sne.s32 s0, $0x0;
	_ =	strace $0x90000047  }
0x4b5: {  	s0 =	sadd.s32 @!p0 $0x100000, s1;
	[bflag:$0x2] =	sbarrier.arrive $0xFFFF  }
0x4b6: {  	[sflag:s0] =	ssyncadd.tile.s32 @!p0 $0x1;
	_ =	shalt  }
.Lfunc_end2:
_tile_overlayer_lowered:
.L_overlay_start_2:
0x4b7: {  	(tag) =	ssettag $0x2  }
0x4b8: {  	s0 =	rddreg [dreg:$0x0];
	s2 =	stileid.u32  }
0x4b9: {  	s1 =	rddreg [dreg:$0x1];
	p0 =	sne.s32 s2, $0x0  }
0x4ba: {  	s3 =	rddreg [dreg:$0x2];
	[bflag:$0x3] =	sbarrier.arrive $0xFFFF;
	s2 =	simm.s32 @!p0 $0x1C03  }
0x4bb: {  	[timem:s3], [sflag:s2] =	dma.local @!p0 [hbm:s0], s1  }
0x4bc: {  	s0 =	simm.s32 @!p0 $0x3  }
0x4bd: {  	_ =	swait.ge @!p0 [sflag:s0], s1  }
0x4be: {  	s1 =	ssub.s32 @!p0 $0x0, s1;
	[sflag:s0] =	ssyncset.done @!p0 $0x0  }
0x4bf: {  	[sflag:s0] =	ssyncadd.s32 @!p0 s1  }
0x4c0: {  	[bflag:$0x3] =	sbarrier.arrive $0xFFFF  }
0x4c1: {  	_ =	shalt  }

</sc_bundles>
